<compile_context>
chip_gen: v7x
topology: tpu7x:2x2x1
jax: 0.10.2.dev20260603
libtpu: 0.0.44.dev20260713+nightly
codegen_flags: <defaults>
</compile_context>

<pallas_src>
import functools

import jax
import jax.numpy as jnp
from jax import lax
from jax.experimental import pallas as pl
from jax.experimental.pallas import tpu as pltpu
from jax.experimental.pallas import tpu_sc as plsc

N = 10000
D = 128
E = 320000

NC = 2
NS = 16
NW = NC * NS
EPT = E // NW
C = 128
NBUF = 2
STEPS = 80
EPAD = STEPS * C
NPAD = 10240
ROWS_PER_TILE = NPAD // NS
MBLK = 1280
GRID = NPAD // MBLK



def _sc_scatter_body(support, srcs, dsts, zeros, out, srcp_v, dstp_v,
                     sg0, sg1, sd0, sd1, r0, r1, agg_sh, g0, g1, s0, s1):
    stg_g = (sg0, sg1)
    stg_d = (sd0, sd1)
    rows = (r0, r1)
    gsem = (g0, g1)
    ssem = (s0, s1)
    c = lax.axis_index("c")
    s = lax.axis_index("s")

    @pl.when(s == 0)
    def _():
        pltpu.sync_copy(zeros, agg_sh)

    pltpu.sync_copy(srcs.at[c, s], srcp_v)
    pltpu.sync_copy(dsts.at[c, s], dstp_v)
    plsc.subcore_barrier()

    def unpack(tbl, m, half, stg):
        for k in range(C // 16):
            v = tbl[m, pl.ds(16 * k, 16)]
            if half == 0:
                v = jnp.bitwise_and(v, 0xFFFF)
            else:
                v = lax.shift_right_logical(v, 16)
            stg[0, pl.ds(16 * k, 16)] = v

    def fire_gather(j, b):
        pltpu.async_copy(support.at[stg_g[b].at[0]], rows[b], gsem[b])

    def wait_gather(b):
        pltpu.make_async_copy(support.at[stg_g[b].at[0]], rows[b],
                              gsem[b]).wait()

    def fire_scatter(b):
        pltpu.async_copy(rows[b], agg_sh.at[stg_d[b].at[0]], ssem[b],
                         add=True)

    def wait_scatter(b):
        pltpu.make_async_copy(rows[b], agg_sh.at[stg_d[b].at[0]],
                              ssem[b]).wait()

    def group(g, carry):
        for b in range(NBUF):
            j = g * NBUF + b

            @pl.when(g > 0)
            def _():
                wait_scatter(b)

            unpack(srcp_v, j // 2, b, stg_g[b])
            fire_gather(j, b)
            bb = (b + 1) % NBUF
            jj = j - 1

            def complete():
                wait_gather(bb)
                unpack(dstp_v, jj // 2, bb, stg_d[bb])
                fire_scatter(bb)

            if b == NBUF - 1:
                complete()
            else:
                pl.when(g > 0)(complete)
        return carry

    lax.fori_loop(0, STEPS // NBUF, group, 0)

    wait_gather(1)
    unpack(dstp_v, (STEPS - 1) // 2, 1, stg_d[1])
    fire_scatter(1)
    wait_scatter(0)
    wait_scatter(1)

    plsc.subcore_barrier()
    pltpu.sync_copy(agg_sh.at[pl.ds(s * ROWS_PER_TILE, ROWS_PER_TILE)],
                    out.at[c, pl.ds(s * ROWS_PER_TILE, ROWS_PER_TILE)])


_sc_scatter = pl.kernel(
    _sc_scatter_body,
    out_type=jax.ShapeDtypeStruct((NC, NPAD, D), jnp.float32),
    mesh=plsc.VectorSubcoreMesh(core_axis_name="c", subcore_axis_name="s"),
    scratch_types=[
        pltpu.VMEM((STEPS // 2, C), jnp.int32),
        pltpu.VMEM((STEPS // 2, C), jnp.int32),
        pltpu.VMEM((1, C), jnp.int32),
        pltpu.VMEM((1, C), jnp.int32),
        pltpu.VMEM((1, C), jnp.int32),
        pltpu.VMEM((1, C), jnp.int32),
        pltpu.VMEM((C, D), jnp.float32),
        pltpu.VMEM((C, D), jnp.float32),
        pltpu.VMEM_SHARED((NPAD, D), jnp.float32),
        pltpu.SemaphoreType.DMA,
        pltpu.SemaphoreType.DMA,
        pltpu.SemaphoreType.DMA,
        pltpu.SemaphoreType.DMA,
    ],
)



def _mm3_body(x_ref, w1_ref, w2_ref, w3_ref, o1_ref, o2_ref, o3_ref):
    x = x_ref[...]
    o1_ref[...] = jnp.dot(x, w1_ref[...], preferred_element_type=jnp.float32)
    o2_ref[...] = jnp.dot(x, w2_ref[...], preferred_element_type=jnp.float32)
    o3_ref[...] = jnp.dot(x, w3_ref[...], preferred_element_type=jnp.float32)


def _mm3(x, w1, w2, w3):
    blk = pl.BlockSpec((MBLK, D), lambda i: (i, 0))
    wblk = pl.BlockSpec((D, D), lambda i: (0, 0))
    return pl.pallas_call(
        _mm3_body,
        grid=(GRID,),
        in_specs=[blk, wblk, wblk, wblk],
        out_specs=[blk, blk, blk],
        out_shape=[jax.ShapeDtypeStruct((NPAD, D), jnp.float32)] * 3,
    )(x, w1, w2, w3)


def _combine_mm_body(agg_ref, res_ref, b_ref, w_ref, o_ref):
    h = jnp.maximum(agg_ref[0] + agg_ref[1] + res_ref[...] + b_ref[...], 0.0)
    o_ref[...] = jnp.dot(h, w_ref[...], preferred_element_type=jnp.float32)


def _combine_mm(agg, res, b, w):
    return pl.pallas_call(
        _combine_mm_body,
        grid=(GRID,),
        in_specs=[
            pl.BlockSpec((NC, MBLK, D), lambda i: (0, i, 0)),
            pl.BlockSpec((MBLK, D), lambda i: (i, 0)),
            pl.BlockSpec((1, D), lambda i: (0, 0)),
            pl.BlockSpec((D, D), lambda i: (0, 0)),
        ],
        out_specs=pl.BlockSpec((MBLK, D), lambda i: (i, 0)),
        out_shape=jax.ShapeDtypeStruct((NPAD, D), jnp.float32),
    )(agg, res, b, w)


def _combine_body(agg_ref, res_ref, b_ref, o_ref):
    o_ref[...] = jnp.maximum(agg_ref[0] + agg_ref[1] + res_ref[...]
                             + b_ref[...], 0.0)


def _combine(agg, res, b):
    return pl.pallas_call(
        _combine_body,
        grid=(GRID,),
        in_specs=[
            pl.BlockSpec((NC, MBLK, D), lambda i: (0, i, 0)),
            pl.BlockSpec((MBLK, D), lambda i: (i, 0)),
            pl.BlockSpec((1, D), lambda i: (0, 0)),
        ],
        out_specs=pl.BlockSpec((MBLK, D), lambda i: (i, 0)),
        out_shape=jax.ShapeDtypeStruct((N, D), jnp.float32),
    )(agg, res, b)



def _prep_edges(ei):
    src = ei[0].reshape(NW, EPT)
    dst = ei[1].reshape(NW, EPT)
    pad = EPAD - EPT
    src = jnp.pad(src, ((0, 0), (0, pad)))
    dst = jnp.pad(dst, ((0, 0), (0, pad)), constant_values=N)
    src = src.reshape(NW, STEPS // 2, 2, C)
    dst = dst.reshape(NW, STEPS // 2, 2, C)
    srcp = src[:, :, 0, :] | (src[:, :, 1, :] << 16)
    dstp = dst[:, :, 0, :] | (dst[:, :, 1, :] << 16)
    return (srcp.reshape(NC, NS, STEPS // 2, C),
            dstp.reshape(NC, NS, STEPS // 2, C))


def kernel(x, edge_index1, edge_index2, W1, Wres1, b1, W2, Wres2, b2):
    src1, dst1 = _prep_edges(edge_index1)
    src2, dst2 = _prep_edges(edge_index2)
    xp = jnp.pad(x, ((0, NPAD - N), (0, 0)))
    zeros = jnp.zeros((NPAD, D), jnp.float32)
    b1r = b1.reshape(1, D)
    b2r = b2.reshape(1, D)

    support1, resid1, resid2 = _mm3(xp, W1, Wres1, Wres2)
    agg1 = _sc_scatter(support1, src1, dst1, zeros)
    support2 = _combine_mm(agg1, resid1, b1r, W2)
    agg2 = _sc_scatter(support2, src2, dst2, zeros)
    return _combine(agg2, resid2, b2r)

# --- scband reference (transcript-rebuilt; emitter-appended) ---
"""Pipeline reference for scband-mrgcn-24034636988463 (READ-ONLY COPY).

The authoritative reference and input builder live on the scoring server;
editing this copy changes nothing except your own understanding.
"""

import jax, jax.numpy as jnp
import numpy as np

N = 10000
E = 320000
D = 128


def _glorot(key, shape):
    lim = 1.0 / np.sqrt(shape[0])
    return jax.random.uniform(key, shape, dtype=jnp.float32, minval=-lim, maxval=lim)


def _gated_graph_convolution(x, res_x, edge_index, W, Wres, b):
    # support = x @ W ; output = spmm(adj, support) implemented as gather+scatter-add
    support = x @ W
    src = edge_index[0]
    dst = edge_index[1]
    agg = jnp.zeros((x.shape[0], W.shape[1]), dtype=support.dtype).at[dst].add(support[src])
    residual = res_x @ Wres
    out = agg + residual + b
    return jax.nn.relu(out), res_x


def setup_inputs(seed: int = 0) -> dict:
    key = jax.random.key(seed)
    ks = jax.random.split(key, 9)
    x = jax.random.normal(ks[0], (N, D), dtype=jnp.float32)
    edge_index1 = jax.random.randint(ks[1], (2, E), 0, N, dtype=jnp.int32)
    edge_index2 = jax.random.randint(ks[2], (2, E), 0, N, dtype=jnp.int32)
    # layer 1: GatedGraphConvolution(input_dim=128, output_dim=128)
    W1 = _glorot(ks[3], (D, D))
    Wres1 = _glorot(ks[4], (D, D))
    b1 = jnp.zeros((D,), dtype=jnp.float32)
    # layer 2: GatedGraphConvolution(output_dim=128, output_dim=128)
    W2 = _glorot(ks[5], (D, D))
    Wres2 = _glorot(ks[6], (D, D))
    b2 = jnp.zeros((D,), dtype=jnp.float32)
    return {"x": x, "edge_index1": edge_index1, "edge_index2": edge_index2,
            "W1": W1, "Wres1": Wres1, "b1": b1,
            "W2": W2, "Wres2": Wres2, "b2": b2}


def reference(x, edge_index1, edge_index2, W1, Wres1, b1, W2, Wres2, b2):
    # MRGCN.forward with layer_num=2; res_x carries the raw input (graph_raw residual)
    res_x = x
    h, res_x = _gated_graph_convolution(x, res_x, edge_index1, W1, Wres1, b1)
    h, res_x = _gated_graph_convolution(h, res_x, edge_index2, W2, Wres2, b2)
    return h

if __name__ == "__main__":
    import jax
    _d = setup_inputs()
    print(jax.jit(kernel)(*tuple(_d.values())))

</pallas_src>

<mosaic_0001>
#map = affine_map<(d0, d1) -> (0, 0)>
#map1 = affine_map<(d0, d1) -> (0, 0, 0, 0)>
#map2 = affine_map<(d0, d1) -> (0, 0, 0)>
module attributes {stable_mosaic.version = 14 : i64} {
  func.func @_sc_scatter_body(%arg0: i32, %arg1: i32, %arg2: memref<10240x128xf32, #tpu.memory_space<hbm>>, %arg3: memref<2x16x40x128xi32, #tpu.memory_space<hbm>>, %arg4: memref<2x16x40x128xi32, #tpu.memory_space<hbm>>, %arg5: memref<10240x128xf32, #tpu.memory_space<hbm>>, %arg6: memref<2x10240x128xf32, #tpu.memory_space<hbm>>, %arg7: memref<40x128xi32, #tpu.memory_space<vmem>>, %arg8: memref<40x128xi32, #tpu.memory_space<vmem>>, %arg9: memref<1x128xi32, #tpu.memory_space<vmem>>, %arg10: memref<1x128xi32, #tpu.memory_space<vmem>>, %arg11: memref<1x128xi32, #tpu.memory_space<vmem>>, %arg12: memref<1x128xi32, #tpu.memory_space<vmem>>, %arg13: memref<128x128xf32, #tpu.memory_space<vmem>>, %arg14: memref<128x128xf32, #tpu.memory_space<vmem>>, %arg15: memref<10240x128xf32, #tpu.memory_space<vmem_shared>>, %arg16: memref<!tpu.dma_semaphore, #tpu.memory_space<semaphore_mem>>, %arg17: memref<!tpu.dma_semaphore, #tpu.memory_space<semaphore_mem>>, %arg18: memref<!tpu.dma_semaphore, #tpu.memory_space<semaphore_mem>>, %arg19: memref<!tpu.dma_semaphore, #tpu.memory_space<semaphore_mem>>) attributes {dimension_semantics = [#tpu.dimension_semantics<core_parallel>, #tpu.dimension_semantics<subcore_parallel>], iteration_bounds = array<i64: 2, 16>, scalar_prefetch = 0 : i64, scratch_operands = 13 : i64, tpu.core_type = #tpu.core_type<sc_vector_subcore>, window_params = [{transform_indices = #map}, {transform_indices = #map1}, {transform_indices = #map1}, {transform_indices = #map}, {transform_indices = #map2}]} {
    %eq3A = arith.constant 0 : i32
    %eq3A_0 = arith.cmpi eq, %arg1, %eq3A : i32
    %convert_element_type3A = arith.extui %eq3A_0 : i1 to i32
    %cond3A = arith.constant 0 : i32
    %cond3A_1 = arith.cmpi ne, %convert_element_type3A, %cond3A : i32
    scf.if %cond3A_1 {
      "tpu.region"() ({
        %run_scoped3A = tpu.sem_alloc : memref<!tpu.dma_semaphore, #tpu.memory_space<semaphore_mem>>
        tpu.enqueue_dma source(%arg5 : memref<10240x128xf32, #tpu.memory_space<hbm>>) target(%arg15 : memref<10240x128xf32, #tpu.memory_space<vmem_shared>>) target_semaphore(%run_scoped3A : memref<!tpu.dma_semaphore, #tpu.memory_space<semaphore_mem>>)
        tpu.wait_dma2 semaphore(%run_scoped3A : memref<!tpu.dma_semaphore, #tpu.memory_space<semaphore_mem>>) src(%arg5 : memref<10240x128xf32, #tpu.memory_space<hbm>>) dst(%arg15 : memref<10240x128xf32, #tpu.memory_space<vmem_shared>>)
        tpu.yield
      }) : () -> ()
    } else {
    }
    "tpu.region"() ({
      %run_scoped3A = tpu.sem_alloc : memref<!tpu.dma_semaphore, #tpu.memory_space<semaphore_mem>>
      %dma_start3A_146 = arith.constant 0 : i32
      %dma_start3A_147 = arith.constant 0 : i32
      %dma_start3A_148 = tpu.memref_slice %arg3[%arg0, %arg1, %dma_start3A_146, %dma_start3A_147] : memref<2x16x40x128xi32, #tpu.memory_space<hbm>> -> memref<1x1x40x128xi32, #tpu.memory_space<hbm>>
      %dma_start3A_149 = tpu.memref_squeeze %dma_start3A_148 : memref<1x1x40x128xi32, #tpu.memory_space<hbm>> -> memref<40x128xi32, #tpu.memory_space<hbm>>
      %dma_start3A_150 = arith.constant 0 : i32
      %dma_start3A_151 = arith.constant 0 : i32
      %dma_start3A_152 = tpu.memref_slice %arg3[%arg0, %arg1, %dma_start3A_150, %dma_start3A_151] : memref<2x16x40x128xi32, #tpu.memory_space<hbm>> -> memref<1x1x40x128xi32, #tpu.memory_space<hbm>>
      %dma_start3A_153 = tpu.memref_squeeze %dma_start3A_152 : memref<1x1x40x128xi32, #tpu.memory_space<hbm>> -> memref<40x128xi32, #tpu.memory_space<hbm>>
      tpu.enqueue_dma source(%dma_start3A_153 : memref<40x128xi32, #tpu.memory_space<hbm>>) target(%arg7 : memref<40x128xi32, #tpu.memory_space<vmem>>) target_semaphore(%run_scoped3A : memref<!tpu.dma_semaphore, #tpu.memory_space<semaphore_mem>>)
      %dma_wait3A_154 = arith.constant 0 : i32
      %dma_wait3A_155 = arith.constant 0 : i32
      %dma_wait3A_156 = tpu.memref_slice %arg3[%arg0, %arg1, %dma_wait3A_154, %dma_wait3A_155] : memref<2x16x40x128xi32, #tpu.memory_space<hbm>> -> memref<1x1x40x128xi32, #tpu.memory_space<hbm>>
      %dma_wait3A_157 = tpu.memref_squeeze %dma_wait3A_156 : memref<1x1x40x128xi32, #tpu.memory_space<hbm>> -> memref<40x128xi32, #tpu.memory_space<hbm>>
      %dma_wait3A_158 = arith.constant 0 : i32
      %dma_wait3A_159 = arith.constant 0 : i32
      %dma_wait3A_160 = tpu.memref_slice %arg3[%arg0, %arg1, %dma_wait3A_158, %dma_wait3A_159] : memref<2x16x40x128xi32, #tpu.memory_space<hbm>> -> memref<1x1x40x128xi32, #tpu.memory_space<hbm>>
      %dma_wait3A_161 = tpu.memref_squeeze %dma_wait3A_160 : memref<1x1x40x128xi32, #tpu.memory_space<hbm>> -> memref<40x128xi32, #tpu.memory_space<hbm>>
      tpu.wait_dma2 semaphore(%run_scoped3A : memref<!tpu.dma_semaphore, #tpu.memory_space<semaphore_mem>>) src(%dma_wait3A_161 : memref<40x128xi32, #tpu.memory_space<hbm>>) dst(%arg7 : memref<40x128xi32, #tpu.memory_space<vmem>>)
      tpu.yield
    }) : () -> ()
    "tpu.region"() ({
      %run_scoped3A = tpu.sem_alloc : memref<!tpu.dma_semaphore, #tpu.memory_space<semaphore_mem>>
      %dma_start3A_146 = arith.constant 0 : i32
      %dma_start3A_147 = arith.constant 0 : i32
      %dma_start3A_148 = tpu.memref_slice %arg4[%arg0, %arg1, %dma_start3A_146, %dma_start3A_147] : memref<2x16x40x128xi32, #tpu.memory_space<hbm>> -> memref<1x1x40x128xi32, #tpu.memory_space<hbm>>
      %dma_start3A_149 = tpu.memref_squeeze %dma_start3A_148 : memref<1x1x40x128xi32, #tpu.memory_space<hbm>> -> memref<40x128xi32, #tpu.memory_space<hbm>>
      %dma_start3A_150 = arith.constant 0 : i32
      %dma_start3A_151 = arith.constant 0 : i32
      %dma_start3A_152 = tpu.memref_slice %arg4[%arg0, %arg1, %dma_start3A_150, %dma_start3A_151] : memref<2x16x40x128xi32, #tpu.memory_space<hbm>> -> memref<1x1x40x128xi32, #tpu.memory_space<hbm>>
      %dma_start3A_153 = tpu.memref_squeeze %dma_start3A_152 : memref<1x1x40x128xi32, #tpu.memory_space<hbm>> -> memref<40x128xi32, #tpu.memory_space<hbm>>
      tpu.enqueue_dma source(%dma_start3A_153 : memref<40x128xi32, #tpu.memory_space<hbm>>) target(%arg8 : memref<40x128xi32, #tpu.memory_space<vmem>>) target_semaphore(%run_scoped3A : memref<!tpu.dma_semaphore, #tpu.memory_space<semaphore_mem>>)
      %dma_wait3A_154 = arith.constant 0 : i32
      %dma_wait3A_155 = arith.constant 0 : i32
      %dma_wait3A_156 = tpu.memref_slice %arg4[%arg0, %arg1, %dma_wait3A_154, %dma_wait3A_155] : memref<2x16x40x128xi32, #tpu.memory_space<hbm>> -> memref<1x1x40x128xi32, #tpu.memory_space<hbm>>
      %dma_wait3A_157 = tpu.memref_squeeze %dma_wait3A_156 : memref<1x1x40x128xi32, #tpu.memory_space<hbm>> -> memref<40x128xi32, #tpu.memory_space<hbm>>
      %dma_wait3A_158 = arith.constant 0 : i32
      %dma_wait3A_159 = arith.constant 0 : i32
      %dma_wait3A_160 = tpu.memref_slice %arg4[%arg0, %arg1, %dma_wait3A_158, %dma_wait3A_159] : memref<2x16x40x128xi32, #tpu.memory_space<hbm>> -> memref<1x1x40x128xi32, #tpu.memory_space<hbm>>
      %dma_wait3A_161 = tpu.memref_squeeze %dma_wait3A_160 : memref<1x1x40x128xi32, #tpu.memory_space<hbm>> -> memref<40x128xi32, #tpu.memory_space<hbm>>
      tpu.wait_dma2 semaphore(%run_scoped3A : memref<!tpu.dma_semaphore, #tpu.memory_space<semaphore_mem>>) src(%dma_wait3A_161 : memref<40x128xi32, #tpu.memory_space<hbm>>) dst(%arg8 : memref<40x128xi32, #tpu.memory_space<vmem>>)
      tpu.yield
    }) : () -> ()
    %barrier3A = arith.constant 0 : index
    tpu.barrier barrier_id(%barrier3A)
    %scan3A = arith.constant 0 : i32
    %scan3A_2 = arith.constant 0 : i32
    %scan3A_3 = arith.constant 40 : i32
    %scan3A_4 = arith.addi %scan3A_2, %scan3A_3 : i32
    %scan3A_5 = arith.constant 1 : i32
    scf.for %scan3A_146 = %scan3A_2 to %scan3A_4 step %scan3A_5  : i32 {
      %mul3A_147 = arith.constant 2 : i32
      %mul3A_148 = arith.muli %scan3A_146, %mul3A_147 : i32
      %add3A = arith.constant 0 : i32
      %add3A_149 = arith.addi %mul3A_148, %add3A : i32
      %gt3A = arith.constant 0 : i32
      %gt3A_150 = arith.cmpi sgt, %scan3A_146, %gt3A : i32
      %convert_element_type3A_151 = arith.extui %gt3A_150 : i1 to i32
      %cond3A_152 = arith.constant 0 : i32
      %cond3A_153 = arith.cmpi ne, %convert_element_type3A_151, %cond3A_152 : i32
      scf.if %cond3A_153 {
        %dma_wait3A_576 = arith.constant 0 : i32
        %dma_wait3A_577 = arith.constant 0 : i32
        %dma_wait3A_578 = tpu.memref_slice %arg11[%dma_wait3A_576, %dma_wait3A_577] : memref<1x128xi32, #tpu.memory_space<vmem>> -> memref<1x128xi32, #tpu.memory_space<vmem>>
        %dma_wait3A_579 = tpu.memref_squeeze %dma_wait3A_578 : memref<1x128xi32, #tpu.memory_space<vmem>> -> memref<128xi32, #tpu.memory_space<vmem>>
        %dma_wait3A_580 = arith.constant 0 : i32
        %dma_wait3A_581 = arith.constant 0 : i32
        %dma_wait3A_582 = tpu.memref_slice %arg15[%dma_wait3A_580, %dma_wait3A_581] : memref<10240x128xf32, #tpu.memory_space<vmem_shared>> -> memref<10240x128xf32, #tpu.memory_space<vmem_shared>>
        tpu.wait_indirect_dma semaphore(%arg18 : memref<!tpu.dma_semaphore, #tpu.memory_space<semaphore_mem>>) src(%arg13 : memref<128x128xf32, #tpu.memory_space<vmem>>) dst(%dma_wait3A_582 : memref<10240x128xf32, #tpu.memory_space<vmem_shared>>)
      } else {
      }
      %jit3A = arith.constant 2 : i32
      %div3A = arith.divsi %add3A_149, %jit3A : i32
      %sign3A = arith.constant 0 : i32
      %sign3A_154 = arith.cmpi sgt, %add3A_149, %sign3A : i32
      %sign3A_155 = arith.extui %sign3A_154 : i1 to i32
      %sign3A_156 = arith.constant 0 : i32
      %sign3A_157 = arith.cmpi slt, %add3A_149, %sign3A_156 : i32
      %sign3A_158 = arith.extui %sign3A_157 : i1 to i32
      %sign3A_159 = arith.subi %sign3A_155, %sign3A_158 : i32
      %sign3A_160 = arith.constant 0 : i32
      %sign3A_161 = arith.cmpi sgt, %jit3A, %sign3A_160 : i32
      %sign3A_162 = arith.extui %sign3A_161 : i1 to i32
      %sign3A_163 = arith.constant 0 : i32
      %sign3A_164 = arith.cmpi slt, %jit3A, %sign3A_163 : i32
      %sign3A_165 = arith.extui %sign3A_164 : i1 to i32
      %sign3A_166 = arith.subi %sign3A_162, %sign3A_165 : i32
      %ne3A = arith.cmpi ne, %sign3A_159, %sign3A_166 : i32
      %rem3A = arith.remsi %add3A_149, %jit3A : i32
      %ne3A_167 = arith.constant 0 : i32
      %ne3A_168 = arith.cmpi ne, %rem3A, %ne3A_167 : i32
      %and3A = arith.andi %ne3A, %ne3A_168 : i1
      %sub3A = arith.constant 1 : i32
      %sub3A_169 = arith.subi %div3A, %sub3A : i32
      %select_n3A = arith.select %and3A, %sub3A_169, %div3A : i32
      %get3A_170 = arith.index_cast %select_n3A : i32 to index
      %get3A_171 = arith.constant 0 : index
      %get3A_172 = tpu.vector_load %arg7[%get3A_170, %get3A_171] {strides = array<i32>} : memref<40x128xi32, #tpu.memory_space<vmem>>, vector<1x16xi32>,
      %get3A_173 = vector.shape_cast %get3A_172 : vector<1x16xi32> to vector<16xi32>
      %and3A_174 = arith.constant 65535 : i32
      %and3A_175 = vector.broadcast %and3A_174 : i32 to vector<16xi32>
      %and3A_176 = arith.andi %get3A_173, %and3A_175 : vector<16xi32>
      %swap3A_177 = arith.constant 0 : i32
      %swap3A_178 = arith.index_cast %swap3A_177 : i32 to index
      %swap3A_179 = arith.constant 0 : index
      %swap3A_180 = tpu.vector_load %arg9[%swap3A_178, %swap3A_179] {strides = array<i32>} : memref<1x128xi32, #tpu.memory_space<vmem>>, vector<1x16xi32>,
      %swap3A_181 = vector.shape_cast %swap3A_180 : vector<1x16xi32> to vector<16xi32>
      %swap3A_182 = vector.shape_cast %and3A_176 : vector<16xi32> to vector<1x16xi32>
      tpu.vector_store %arg9[%swap3A_178, %swap3A_179], %swap3A_182 {strides = array<i32>} : memref<1x128xi32, #tpu.memory_space<vmem>>, vector<1x16xi32>,
      %get3A_183 = arith.index_cast %select_n3A : i32 to index
      %get3A_184 = arith.constant 16 : index
      %get3A_185 = tpu.vector_load %arg7[%get3A_183, %get3A_184] {strides = array<i32>} : memref<40x128xi32, #tpu.memory_space<vmem>>, vector<1x16xi32>,
      %get3A_186 = vector.shape_cast %get3A_185 : vector<1x16xi32> to vector<16xi32>
      %and3A_187 = arith.constant 65535 : i32
      %and3A_188 = vector.broadcast %and3A_187 : i32 to vector<16xi32>
      %and3A_189 = arith.andi %get3A_186, %and3A_188 : vector<16xi32>
      %swap3A_190 = arith.constant 0 : i32
      %swap3A_191 = arith.index_cast %swap3A_190 : i32 to index
      %swap3A_192 = arith.constant 16 : index
      %swap3A_193 = tpu.vector_load %arg9[%swap3A_191, %swap3A_192] {strides = array<i32>} : memref<1x128xi32, #tpu.memory_space<vmem>>, vector<1x16xi32>,
      %swap3A_194 = vector.shape_cast %swap3A_193 : vector<1x16xi32> to vector<16xi32>
      %swap3A_195 = vector.shape_cast %and3A_189 : vector<16xi32> to vector<1x16xi32>
      tpu.vector_store %arg9[%swap3A_191, %swap3A_192], %swap3A_195 {strides = array<i32>} : memref<1x128xi32, #tpu.memory_space<vmem>>, vector<1x16xi32>,
      %get3A_196 = arith.index_cast %select_n3A : i32 to index
      %get3A_197 = arith.constant 32 : index
      %get3A_198 = tpu.vector_load %arg7[%get3A_196, %get3A_197] {strides = array<i32>} : memref<40x128xi32, #tpu.memory_space<vmem>>, vector<1x16xi32>,
      %get3A_199 = vector.shape_cast %get3A_198 : vector<1x16xi32> to vector<16xi32>
      %and3A_200 = arith.constant 65535 : i32
      %and3A_201 = vector.broadcast %and3A_200 : i32 to vector<16xi32>
      %and3A_202 = arith.andi %get3A_199, %and3A_201 : vector<16xi32>
      %swap3A_203 = arith.constant 0 : i32
      %swap3A_204 = arith.index_cast %swap3A_203 : i32 to index
      %swap3A_205 = arith.constant 32 : index
      %swap3A_206 = tpu.vector_load %arg9[%swap3A_204, %swap3A_205] {strides = array<i32>} : memref<1x128xi32, #tpu.memory_space<vmem>>, vector<1x16xi32>,
      %swap3A_207 = vector.shape_cast %swap3A_206 : vector<1x16xi32> to vector<16xi32>
      %swap3A_208 = vector.shape_cast %and3A_202 : vector<16xi32> to vector<1x16xi32>
      tpu.vector_store %arg9[%swap3A_204, %swap3A_205], %swap3A_208 {strides = array<i32>} : memref<1x128xi32, #tpu.memory_space<vmem>>, vector<1x16xi32>,
      %get3A_209 = arith.index_cast %select_n3A : i32 to index
      %get3A_210 = arith.constant 48 : index
      %get3A_211 = tpu.vector_load %arg7[%get3A_209, %get3A_210] {strides = array<i32>} : memref<40x128xi32, #tpu.memory_space<vmem>>, vector<1x16xi32>,
      %get3A_212 = vector.shape_cast %get3A_211 : vector<1x16xi32> to vector<16xi32>
      %and3A_213 = arith.constant 65535 : i32
      %and3A_214 = vector.broadcast %and3A_213 : i32 to vector<16xi32>
      %and3A_215 = arith.andi %get3A_212, %and3A_214 : vector<16xi32>
      %swap3A_216 = arith.constant 0 : i32
      %swap3A_217 = arith.index_cast %swap3A_216 : i32 to index
      %swap3A_218 = arith.constant 48 : index
      %swap3A_219 = tpu.vector_load %arg9[%swap3A_217, %swap3A_218] {strides = array<i32>} : memref<1x128xi32, #tpu.memory_space<vmem>>, vector<1x16xi32>,
      %swap3A_220 = vector.shape_cast %swap3A_219 : vector<1x16xi32> to vector<16xi32>
      %swap3A_221 = vector.shape_cast %and3A_215 : vector<16xi32> to vector<1x16xi32>
      tpu.vector_store %arg9[%swap3A_217, %swap3A_218], %swap3A_221 {strides = array<i32>} : memref<1x128xi32, #tpu.memory_space<vmem>>, vector<1x16xi32>,
      %get3A_222 = arith.index_cast %select_n3A : i32 to index
      %get3A_223 = arith.constant 64 : index
      %get3A_224 = tpu.vector_load %arg7[%get3A_222, %get3A_223] {strides = array<i32>} : memref<40x128xi32, #tpu.memory_space<vmem>>, vector<1x16xi32>,
      %get3A_225 = vector.shape_cast %get3A_224 : vector<1x16xi32> to vector<16xi32>
      %and3A_226 = arith.constant 65535 : i32
      %and3A_227 = vector.broadcast %and3A_226 : i32 to vector<16xi32>
      %and3A_228 = arith.andi %get3A_225, %and3A_227 : vector<16xi32>
      %swap3A_229 = arith.constant 0 : i32
      %swap3A_230 = arith.index_cast %swap3A_229 : i32 to index
      %swap3A_231 = arith.constant 64 : index
      %swap3A_232 = tpu.vector_load %arg9[%swap3A_230, %swap3A_231] {strides = array<i32>} : memref<1x128xi32, #tpu.memory_space<vmem>>, vector<1x16xi32>,
      %swap3A_233 = vector.shape_cast %swap3A_232 : vector<1x16xi32> to vector<16xi32>
      %swap3A_234 = vector.shape_cast %and3A_228 : vector<16xi32> to vector<1x16xi32>
      tpu.vector_store %arg9[%swap3A_230, %swap3A_231], %swap3A_234 {strides = array<i32>} : memref<1x128xi32, #tpu.memory_space<vmem>>, vector<1x16xi32>,
      %get3A_235 = arith.index_cast %select_n3A : i32 to index
      %get3A_236 = arith.constant 80 : index
      %get3A_237 = tpu.vector_load %arg7[%get3A_235, %get3A_236] {strides = array<i32>} : memref<40x128xi32, #tpu.memory_space<vmem>>, vector<1x16xi32>,
      %get3A_238 = vector.shape_cast %get3A_237 : vector<1x16xi32> to vector<16xi32>
      %and3A_239 = arith.constant 65535 : i32
      %and3A_240 = vector.broadcast %and3A_239 : i32 to vector<16xi32>
      %and3A_241 = arith.andi %get3A_238, %and3A_240 : vector<16xi32>
      %swap3A_242 = arith.constant 0 : i32
      %swap3A_243 = arith.index_cast %swap3A_242 : i32 to index
      %swap3A_244 = arith.constant 80 : index
      %swap3A_245 = tpu.vector_load %arg9[%swap3A_243, %swap3A_244] {strides = array<i32>} : memref<1x128xi32, #tpu.memory_space<vmem>>, vector<1x16xi32>,
      %swap3A_246 = vector.shape_cast %swap3A_245 : vector<1x16xi32> to vector<16xi32>
      %swap3A_247 = vector.shape_cast %and3A_241 : vector<16xi32> to vector<1x16xi32>
      tpu.vector_store %arg9[%swap3A_243, %swap3A_244], %swap3A_247 {strides = array<i32>} : memref<1x128xi32, #tpu.memory_space<vmem>>, vector<1x16xi32>,
      %get3A_248 = arith.index_cast %select_n3A : i32 to index
      %get3A_249 = arith.constant 96 : index
      %get3A_250 = tpu.vector_load %arg7[%get3A_248, %get3A_249] {strides = array<i32>} : memref<40x128xi32, #tpu.memory_space<vmem>>, vector<1x16xi32>,
      %get3A_251 = vector.shape_cast %get3A_250 : vector<1x16xi32> to vector<16xi32>
      %and3A_252 = arith.constant 65535 : i32
      %and3A_253 = vector.broadcast %and3A_252 : i32 to vector<16xi32>
      %and3A_254 = arith.andi %get3A_251, %and3A_253 : vector<16xi32>
      %swap3A_255 = arith.constant 0 : i32
      %swap3A_256 = arith.index_cast %swap3A_255 : i32 to index
      %swap3A_257 = arith.constant 96 : index
      %swap3A_258 = tpu.vector_load %arg9[%swap3A_256, %swap3A_257] {strides = array<i32>} : memref<1x128xi32, #tpu.memory_space<vmem>>, vector<1x16xi32>,
      %swap3A_259 = vector.shape_cast %swap3A_258 : vector<1x16xi32> to vector<16xi32>
      %swap3A_260 = vector.shape_cast %and3A_254 : vector<16xi32> to vector<1x16xi32>
      tpu.vector_store %arg9[%swap3A_256, %swap3A_257], %swap3A_260 {strides = array<i32>} : memref<1x128xi32, #tpu.memory_space<vmem>>, vector<1x16xi32>,
      %get3A_261 = arith.index_cast %select_n3A : i32 to index
      %get3A_262 = arith.constant 112 : index
      %get3A_263 = tpu.vector_load %arg7[%get3A_261, %get3A_262] {strides = array<i32>} : memref<40x128xi32, #tpu.memory_space<vmem>>, vector<1x16xi32>,
      %get3A_264 = vector.shape_cast %get3A_263 : vector<1x16xi32> to vector<16xi32>
      %and3A_265 = arith.constant 65535 : i32
      %and3A_266 = vector.broadcast %and3A_265 : i32 to vector<16xi32>
      %and3A_267 = arith.andi %get3A_264, %and3A_266 : vector<16xi32>
      %swap3A_268 = arith.constant 0 : i32
      %swap3A_269 = arith.index_cast %swap3A_268 : i32 to index
      %swap3A_270 = arith.constant 112 : index
      %swap3A_271 = tpu.vector_load %arg9[%swap3A_269, %swap3A_270] {strides = array<i32>} : memref<1x128xi32, #tpu.memory_space<vmem>>, vector<1x16xi32>,
      %swap3A_272 = vector.shape_cast %swap3A_271 : vector<1x16xi32> to vector<16xi32>
      %swap3A_273 = vector.shape_cast %and3A_267 : vector<16xi32> to vector<1x16xi32>
      tpu.vector_store %arg9[%swap3A_269, %swap3A_270], %swap3A_273 {strides = array<i32>} : memref<1x128xi32, #tpu.memory_space<vmem>>, vector<1x16xi32>,
      %dma_start3A_274 = arith.constant 0 : i32
      %dma_start3A_275 = arith.constant 0 : i32
      %dma_start3A_276 = tpu.memref_slice %arg9[%dma_start3A_274, %dma_start3A_275] : memref<1x128xi32, #tpu.memory_space<vmem>> -> memref<1x128xi32, #tpu.memory_space<vmem>>
      %dma_start3A_277 = tpu.memref_squeeze %dma_start3A_276 : memref<1x128xi32, #tpu.memory_space<vmem>> -> memref<128xi32, #tpu.memory_space<vmem>>
      %dma_start3A_278 = arith.constant 0 : i32
      %dma_start3A_279 = arith.constant 0 : i32
      %dma_start3A_280 = tpu.memref_slice %arg2[%dma_start3A_278, %dma_start3A_279] : memref<10240x128xf32, #tpu.memory_space<hbm>> -> memref<10240x128xf32, #tpu.memory_space<hbm>>
      tpu.enqueue_indirect_dma source(%dma_start3A_280 : memref<10240x128xf32, #tpu.memory_space<hbm>>) target(%arg13 : memref<128x128xf32, #tpu.memory_space<vmem>>) offsets(%dma_start3A_277 : memref<128xi32, #tpu.memory_space<vmem>>) semaphore(%arg16 : memref<!tpu.dma_semaphore, #tpu.memory_space<semaphore_mem>>)
      %sub3A_281 = arith.constant 1 : i32
      %sub3A_282 = arith.subi %add3A_149, %sub3A_281 : i32
      %gt3A_283 = arith.constant 0 : i32
      %gt3A_284 = arith.cmpi sgt, %scan3A_146, %gt3A_283 : i32
      %convert_element_type3A_285 = arith.extui %gt3A_284 : i1 to i32
      %cond3A_286 = arith.constant 0 : i32
      %cond3A_287 = arith.cmpi ne, %convert_element_type3A_285, %cond3A_286 : i32
      scf.if %cond3A_287 {
        %dma_wait3A_576 = arith.constant 0 : i32
        %dma_wait3A_577 = arith.constant 0 : i32
        %dma_wait3A_578 = tpu.memref_slice %arg10[%dma_wait3A_576, %dma_wait3A_577] : memref<1x128xi32, #tpu.memory_space<vmem>> -> memref<1x128xi32, #tpu.memory_space<vmem>>
        %dma_wait3A_579 = tpu.memref_squeeze %dma_wait3A_578 : memref<1x128xi32, #tpu.memory_space<vmem>> -> memref<128xi32, #tpu.memory_space<vmem>>
        %dma_wait3A_580 = arith.constant 0 : i32
        %dma_wait3A_581 = arith.constant 0 : i32
        %dma_wait3A_582 = tpu.memref_slice %arg2[%dma_wait3A_580, %dma_wait3A_581] : memref<10240x128xf32, #tpu.memory_space<hbm>> -> memref<10240x128xf32, #tpu.memory_space<hbm>>
        tpu.wait_indirect_dma semaphore(%arg17 : memref<!tpu.dma_semaphore, #tpu.memory_space<semaphore_mem>>) src(%dma_wait3A_582 : memref<10240x128xf32, #tpu.memory_space<hbm>>) dst(%arg14 : memref<128x128xf32, #tpu.memory_space<vmem>>)
        %jit3A_583 = arith.constant 2 : i32
        %div3A_584 = arith.divsi %sub3A_282, %jit3A_583 : i32
        %sign3A_585 = arith.constant 0 : i32
        %sign3A_586 = arith.cmpi sgt, %sub3A_282, %sign3A_585 : i32
        %sign3A_587 = arith.extui %sign3A_586 : i1 to i32
        %sign3A_588 = arith.constant 0 : i32
        %sign3A_589 = arith.cmpi slt, %sub3A_282, %sign3A_588 : i32
        %sign3A_590 = arith.extui %sign3A_589 : i1 to i32
        %sign3A_591 = arith.subi %sign3A_587, %sign3A_590 : i32
        %sign3A_592 = arith.constant 0 : i32
        %sign3A_593 = arith.cmpi sgt, %jit3A_583, %sign3A_592 : i32
        %sign3A_594 = arith.extui %sign3A_593 : i1 to i32
        %sign3A_595 = arith.constant 0 : i32
        %sign3A_596 = arith.cmpi slt, %jit3A_583, %sign3A_595 : i32
        %sign3A_597 = arith.extui %sign3A_596 : i1 to i32
        %sign3A_598 = arith.subi %sign3A_594, %sign3A_597 : i32
        %ne3A_599 = arith.cmpi ne, %sign3A_591, %sign3A_598 : i32
        %rem3A_600 = arith.remsi %sub3A_282, %jit3A_583 : i32
        %ne3A_601 = arith.constant 0 : i32
        %ne3A_602 = arith.cmpi ne, %rem3A_600, %ne3A_601 : i32
        %and3A_603 = arith.andi %ne3A_599, %ne3A_602 : i1
        %sub3A_604 = arith.constant 1 : i32
        %sub3A_605 = arith.subi %div3A_584, %sub3A_604 : i32
        %select_n3A_606 = arith.select %and3A_603, %sub3A_605, %div3A_584 : i32
        %get3A_607 = arith.index_cast %select_n3A_606 : i32 to index
        %get3A_608 = arith.constant 0 : index
        %get3A_609 = tpu.vector_load %arg8[%get3A_607, %get3A_608] {strides = array<i32>} : memref<40x128xi32, #tpu.memory_space<vmem>>, vector<1x16xi32>,
        %get3A_610 = vector.shape_cast %get3A_609 : vector<1x16xi32> to vector<16xi32>
        %shift_right_logical3A_611 = arith.constant 16 : i32
        %shift_right_logical3A_612 = vector.broadcast %shift_right_logical3A_611 : i32 to vector<16xi32>
        %shift_right_logical3A_613 = arith.shrui %get3A_610, %shift_right_logical3A_612 : vector<16xi32>
        %swap3A_614 = arith.constant 0 : i32
        %swap3A_615 = arith.index_cast %swap3A_614 : i32 to index
        %swap3A_616 = arith.constant 0 : index
        %swap3A_617 = tpu.vector_load %arg12[%swap3A_615, %swap3A_616] {strides = array<i32>} : memref<1x128xi32, #tpu.memory_space<vmem>>, vector<1x16xi32>,
        %swap3A_618 = vector.shape_cast %swap3A_617 : vector<1x16xi32> to vector<16xi32>
        %swap3A_619 = vector.shape_cast %shift_right_logical3A_613 : vector<16xi32> to vector<1x16xi32>
        tpu.vector_store %arg12[%swap3A_615, %swap3A_616], %swap3A_619 {strides = array<i32>} : memref<1x128xi32, #tpu.memory_space<vmem>>, vector<1x16xi32>,
        %get3A_620 = arith.index_cast %select_n3A_606 : i32 to index
        %get3A_621 = arith.constant 16 : index
        %get3A_622 = tpu.vector_load %arg8[%get3A_620, %get3A_621] {strides = array<i32>} : memref<40x128xi32, #tpu.memory_space<vmem>>, vector<1x16xi32>,
        %get3A_623 = vector.shape_cast %get3A_622 : vector<1x16xi32> to vector<16xi32>
        %shift_right_logical3A_624 = arith.constant 16 : i32
        %shift_right_logical3A_625 = vector.broadcast %shift_right_logical3A_624 : i32 to vector<16xi32>
        %shift_right_logical3A_626 = arith.shrui %get3A_623, %shift_right_logical3A_625 : vector<16xi32>
        %swap3A_627 = arith.constant 0 : i32
        %swap3A_628 = arith.index_cast %swap3A_627 : i32 to index
        %swap3A_629 = arith.constant 16 : index
        %swap3A_630 = tpu.vector_load %arg12[%swap3A_628, %swap3A_629] {strides = array<i32>} : memref<1x128xi32, #tpu.memory_space<vmem>>, vector<1x16xi32>,
        %swap3A_631 = vector.shape_cast %swap3A_630 : vector<1x16xi32> to vector<16xi32>
        %swap3A_632 = vector.shape_cast %shift_right_logical3A_626 : vector<16xi32> to vector<1x16xi32>
        tpu.vector_store %arg12[%swap3A_628, %swap3A_629], %swap3A_632 {strides = array<i32>} : memref<1x128xi32, #tpu.memory_space<vmem>>, vector<1x16xi32>,
        %get3A_633 = arith.index_cast %select_n3A_606 : i32 to index
        %get3A_634 = arith.constant 32 : index
        %get3A_635 = tpu.vector_load %arg8[%get3A_633, %get3A_634] {strides = array<i32>} : memref<40x128xi32, #tpu.memory_space<vmem>>, vector<1x16xi32>,
        %get3A_636 = vector.shape_cast %get3A_635 : vector<1x16xi32> to vector<16xi32>
        %shift_right_logical3A_637 = arith.constant 16 : i32
        %shift_right_logical3A_638 = vector.broadcast %shift_right_logical3A_637 : i32 to vector<16xi32>
        %shift_right_logical3A_639 = arith.shrui %get3A_636, %shift_right_logical3A_638 : vector<16xi32>
        %swap3A_640 = arith.constant 0 : i32
        %swap3A_641 = arith.index_cast %swap3A_640 : i32 to index
        %swap3A_642 = arith.constant 32 : index
        %swap3A_643 = tpu.vector_load %arg12[%swap3A_641, %swap3A_642] {strides = array<i32>} : memref<1x128xi32, #tpu.memory_space<vmem>>, vector<1x16xi32>,
        %swap3A_644 = vector.shape_cast %swap3A_643 : vector<1x16xi32> to vector<16xi32>
        %swap3A_645 = vector.shape_cast %shift_right_logical3A_639 : vector<16xi32> to vector<1x16xi32>
        tpu.vector_store %arg12[%swap3A_641, %swap3A_642], %swap3A_645 {strides = array<i32>} : memref<1x128xi32, #tpu.memory_space<vmem>>, vector<1x16xi32>,
        %get3A_646 = arith.index_cast %select_n3A_606 : i32 to index
        %get3A_647 = arith.constant 48 : index
        %get3A_648 = tpu.vector_load %arg8[%get3A_646, %get3A_647] {strides = array<i32>} : memref<40x128xi32, #tpu.memory_space<vmem>>, vector<1x16xi32>,
        %get3A_649 = vector.shape_cast %get3A_648 : vector<1x16xi32> to vector<16xi32>
        %shift_right_logical3A_650 = arith.constant 16 : i32
        %shift_right_logical3A_651 = vector.broadcast %shift_right_logical3A_650 : i32 to vector<16xi32>
        %shift_right_logical3A_652 = arith.shrui %get3A_649, %shift_right_logical3A_651 : vector<16xi32>
        %swap3A_653 = arith.constant 0 : i32
        %swap3A_654 = arith.index_cast %swap3A_653 : i32 to index
        %swap3A_655 = arith.constant 48 : index
        %swap3A_656 = tpu.vector_load %arg12[%swap3A_654, %swap3A_655] {strides = array<i32>} : memref<1x128xi32, #tpu.memory_space<vmem>>, vector<1x16xi32>,
        %swap3A_657 = vector.shape_cast %swap3A_656 : vector<1x16xi32> to vector<16xi32>
        %swap3A_658 = vector.shape_cast %shift_right_logical3A_652 : vector<16xi32> to vector<1x16xi32>
        tpu.vector_store %arg12[%swap3A_654, %swap3A_655], %swap3A_658 {strides = array<i32>} : memref<1x128xi32, #tpu.memory_space<vmem>>, vector<1x16xi32>,
        %get3A_659 = arith.index_cast %select_n3A_606 : i32 to index
        %get3A_660 = arith.constant 64 : index
        %get3A_661 = tpu.vector_load %arg8[%get3A_659, %get3A_660] {strides = array<i32>} : memref<40x128xi32, #tpu.memory_space<vmem>>, vector<1x16xi32>,
        %get3A_662 = vector.shape_cast %get3A_661 : vector<1x16xi32> to vector<16xi32>
        %shift_right_logical3A_663 = arith.constant 16 : i32
        %shift_right_logical3A_664 = vector.broadcast %shift_right_logical3A_663 : i32 to vector<16xi32>
        %shift_right_logical3A_665 = arith.shrui %get3A_662, %shift_right_logical3A_664 : vector<16xi32>
        %swap3A_666 = arith.constant 0 : i32
        %swap3A_667 = arith.index_cast %swap3A_666 : i32 to index
        %swap3A_668 = arith.constant 64 : index
        %swap3A_669 = tpu.vector_load %arg12[%swap3A_667, %swap3A_668] {strides = array<i32>} : memref<1x128xi32, #tpu.memory_space<vmem>>, vector<1x16xi32>,
        %swap3A_670 = vector.shape_cast %swap3A_669 : vector<1x16xi32> to vector<16xi32>
        %swap3A_671 = vector.shape_cast %shift_right_logical3A_665 : vector<16xi32> to vector<1x16xi32>
        tpu.vector_store %arg12[%swap3A_667, %swap3A_668], %swap3A_671 {strides = array<i32>} : memref<1x128xi32, #tpu.memory_space<vmem>>, vector<1x16xi32>,
        %get3A_672 = arith.index_cast %select_n3A_606 : i32 to index
        %get3A_673 = arith.constant 80 : index
        %get3A_674 = tpu.vector_load %arg8[%get3A_672, %get3A_673] {strides = array<i32>} : memref<40x128xi32, #tpu.memory_space<vmem>>, vector<1x16xi32>,
        %get3A_675 = vector.shape_cast %get3A_674 : vector<1x16xi32> to vector<16xi32>
        %shift_right_logical3A_676 = arith.constant 16 : i32
        %shift_right_logical3A_677 = vector.broadcast %shift_right_logical3A_676 : i32 to vector<16xi32>
        %shift_right_logical3A_678 = arith.shrui %get3A_675, %shift_right_logical3A_677 : vector<16xi32>
        %swap3A_679 = arith.constant 0 : i32
        %swap3A_680 = arith.index_cast %swap3A_679 : i32 to index
        %swap3A_681 = arith.constant 80 : index
        %swap3A_682 = tpu.vector_load %arg12[%swap3A_680, %swap3A_681] {strides = array<i32>} : memref<1x128xi32, #tpu.memory_space<vmem>>, vector<1x16xi32>,
        %swap3A_683 = vector.shape_cast %swap3A_682 : vector<1x16xi32> to vector<16xi32>
        %swap3A_684 = vector.shape_cast %shift_right_logical3A_678 : vector<16xi32> to vector<1x16xi32>
        tpu.vector_store %arg12[%swap3A_680, %swap3A_681], %swap3A_684 {strides = array<i32>} : memref<1x128xi32, #tpu.memory_space<vmem>>, vector<1x16xi32>,
        %get3A_685 = arith.index_cast %select_n3A_606 : i32 to index
        %get3A_686 = arith.constant 96 : index
        %get3A_687 = tpu.vector_load %arg8[%get3A_685, %get3A_686] {strides = array<i32>} : memref<40x128xi32, #tpu.memory_space<vmem>>, vector<1x16xi32>,
        %get3A_688 = vector.shape_cast %get3A_687 : vector<1x16xi32> to vector<16xi32>
        %shift_right_logical3A_689 = arith.constant 16 : i32
        %shift_right_logical3A_690 = vector.broadcast %shift_right_logical3A_689 : i32 to vector<16xi32>
        %shift_right_logical3A_691 = arith.shrui %get3A_688, %shift_right_logical3A_690 : vector<16xi32>
        %swap3A_692 = arith.constant 0 : i32
        %swap3A_693 = arith.index_cast %swap3A_692 : i32 to index
        %swap3A_694 = arith.constant 96 : index
        %swap3A_695 = tpu.vector_load %arg12[%swap3A_693, %swap3A_694] {strides = array<i32>} : memref<1x128xi32, #tpu.memory_space<vmem>>, vector<1x16xi32>,
        %swap3A_696 = vector.shape_cast %swap3A_695 : vector<1x16xi32> to vector<16xi32>
        %swap3A_697 = vector.shape_cast %shift_right_logical3A_691 : vector<16xi32> to vector<1x16xi32>
        tpu.vector_store %arg12[%swap3A_693, %swap3A_694], %swap3A_697 {strides = array<i32>} : memref<1x128xi32, #tpu.memory_space<vmem>>, vector<1x16xi32>,
        %get3A_698 = arith.index_cast %select_n3A_606 : i32 to index
        %get3A_699 = arith.constant 112 : index
        %get3A_700 = tpu.vector_load %arg8[%get3A_698, %get3A_699] {strides = array<i32>} : memref<40x128xi32, #tpu.memory_space<vmem>>, vector<1x16xi32>,
        %get3A_701 = vector.shape_cast %get3A_700 : vector<1x16xi32> to vector<16xi32>
        %shift_right_logical3A_702 = arith.constant 16 : i32
        %shift_right_logical3A_703 = vector.broadcast %shift_right_logical3A_702 : i32 to vector<16xi32>
        %shift_right_logical3A_704 = arith.shrui %get3A_701, %shift_right_logical3A_703 : vector<16xi32>
        %swap3A_705 = arith.constant 0 : i32
        %swap3A_706 = arith.index_cast %swap3A_705 : i32 to index
        %swap3A_707 = arith.constant 112 : index
        %swap3A_708 = tpu.vector_load %arg12[%swap3A_706, %swap3A_707] {strides = array<i32>} : memref<1x128xi32, #tpu.memory_space<vmem>>, vector<1x16xi32>,
        %swap3A_709 = vector.shape_cast %swap3A_708 : vector<1x16xi32> to vector<16xi32>
        %swap3A_710 = vector.shape_cast %shift_right_logical3A_704 : vector<16xi32> to vector<1x16xi32>
        tpu.vector_store %arg12[%swap3A_706, %swap3A_707], %swap3A_710 {strides = array<i32>} : memref<1x128xi32, #tpu.memory_space<vmem>>, vector<1x16xi32>,
        %dma_start3A_711 = arith.constant 0 : i32
        %dma_start3A_712 = arith.constant 0 : i32
        %dma_start3A_713 = tpu.memref_slice %arg12[%dma_start3A_711, %dma_start3A_712] : memref<1x128xi32, #tpu.memory_space<vmem>> -> memref<1x128xi32, #tpu.memory_space<vmem>>
        %dma_start3A_714 = tpu.memref_squeeze %dma_start3A_713 : memref<1x128xi32, #tpu.memory_space<vmem>> -> memref<128xi32, #tpu.memory_space<vmem>>
        %dma_start3A_715 = arith.constant 0 : i32
        %dma_start3A_716 = arith.constant 0 : i32
        %dma_start3A_717 = tpu.memref_slice %arg15[%dma_start3A_715, %dma_start3A_716] : memref<10240x128xf32, #tpu.memory_space<vmem_shared>> -> memref<10240x128xf32, #tpu.memory_space<vmem_shared>>
        tpu.enqueue_indirect_dma source(%arg14 : memref<128x128xf32, #tpu.memory_space<vmem>>) target(%dma_start3A_717 : memref<10240x128xf32, #tpu.memory_space<vmem_shared>>) offsets(%dma_start3A_714 : memref<128xi32, #tpu.memory_space<vmem>>) semaphore(%arg19 : memref<!tpu.dma_semaphore, #tpu.memory_space<semaphore_mem>>) {add = true}
      } else {
      }
      %mul3A_288 = arith.constant 2 : i32
      %mul3A_289 = arith.muli %scan3A_146, %mul3A_288 : i32
      %add3A_290 = arith.constant 1 : i32
      %add3A_291 = arith.addi %mul3A_289, %add3A_290 : i32
      %gt3A_292 = arith.constant 0 : i32
      %gt3A_293 = arith.cmpi sgt, %scan3A_146, %gt3A_292 : i32
      %convert_element_type3A_294 = arith.extui %gt3A_293 : i1 to i32
      %cond3A_295 = arith.constant 0 : i32
      %cond3A_296 = arith.cmpi ne, %convert_element_type3A_294, %cond3A_295 : i32
      scf.if %cond3A_296 {
        %dma_wait3A_576 = arith.constant 0 : i32
        %dma_wait3A_577 = arith.constant 0 : i32
        %dma_wait3A_578 = tpu.memref_slice %arg12[%dma_wait3A_576, %dma_wait3A_577] : memref<1x128xi32, #tpu.memory_space<vmem>> -> memref<1x128xi32, #tpu.memory_space<vmem>>
        %dma_wait3A_579 = tpu.memref_squeeze %dma_wait3A_578 : memref<1x128xi32, #tpu.memory_space<vmem>> -> memref<128xi32, #tpu.memory_space<vmem>>
        %dma_wait3A_580 = arith.constant 0 : i32
        %dma_wait3A_581 = arith.constant 0 : i32
        %dma_wait3A_582 = tpu.memref_slice %arg15[%dma_wait3A_580, %dma_wait3A_581] : memref<10240x128xf32, #tpu.memory_space<vmem_shared>> -> memref<10240x128xf32, #tpu.memory_space<vmem_shared>>
        tpu.wait_indirect_dma semaphore(%arg19 : memref<!tpu.dma_semaphore, #tpu.memory_space<semaphore_mem>>) src(%arg14 : memref<128x128xf32, #tpu.memory_space<vmem>>) dst(%dma_wait3A_582 : memref<10240x128xf32, #tpu.memory_space<vmem_shared>>)
      } else {
      }
      %jit3A_297 = arith.constant 2 : i32
      %div3A_298 = arith.divsi %add3A_291, %jit3A_297 : i32
      %sign3A_299 = arith.constant 0 : i32
      %sign3A_300 = arith.cmpi sgt, %add3A_291, %sign3A_299 : i32
      %sign3A_301 = arith.extui %sign3A_300 : i1 to i32
      %sign3A_302 = arith.constant 0 : i32
      %sign3A_303 = arith.cmpi slt, %add3A_291, %sign3A_302 : i32
      %sign3A_304 = arith.extui %sign3A_303 : i1 to i32
      %sign3A_305 = arith.subi %sign3A_301, %sign3A_304 : i32
      %sign3A_306 = arith.constant 0 : i32
      %sign3A_307 = arith.cmpi sgt, %jit3A_297, %sign3A_306 : i32
      %sign3A_308 = arith.extui %sign3A_307 : i1 to i32
      %sign3A_309 = arith.constant 0 : i32
      %sign3A_310 = arith.cmpi slt, %jit3A_297, %sign3A_309 : i32
      %sign3A_311 = arith.extui %sign3A_310 : i1 to i32
      %sign3A_312 = arith.subi %sign3A_308, %sign3A_311 : i32
      %ne3A_313 = arith.cmpi ne, %sign3A_305, %sign3A_312 : i32
      %rem3A_314 = arith.remsi %add3A_291, %jit3A_297 : i32
      %ne3A_315 = arith.constant 0 : i32
      %ne3A_316 = arith.cmpi ne, %rem3A_314, %ne3A_315 : i32
      %and3A_317 = arith.andi %ne3A_313, %ne3A_316 : i1
      %sub3A_318 = arith.constant 1 : i32
      %sub3A_319 = arith.subi %div3A_298, %sub3A_318 : i32
      %select_n3A_320 = arith.select %and3A_317, %sub3A_319, %div3A_298 : i32
      %get3A_321 = arith.index_cast %select_n3A_320 : i32 to index
      %get3A_322 = arith.constant 0 : index
      %get3A_323 = tpu.vector_load %arg7[%get3A_321, %get3A_322] {strides = array<i32>} : memref<40x128xi32, #tpu.memory_space<vmem>>, vector<1x16xi32>,
      %get3A_324 = vector.shape_cast %get3A_323 : vector<1x16xi32> to vector<16xi32>
      %shift_right_logical3A_325 = arith.constant 16 : i32
      %shift_right_logical3A_326 = vector.broadcast %shift_right_logical3A_325 : i32 to vector<16xi32>
      %shift_right_logical3A_327 = arith.shrui %get3A_324, %shift_right_logical3A_326 : vector<16xi32>
      %swap3A_328 = arith.constant 0 : i32
      %swap3A_329 = arith.index_cast %swap3A_328 : i32 to index
      %swap3A_330 = arith.constant 0 : index
      %swap3A_331 = tpu.vector_load %arg10[%swap3A_329, %swap3A_330] {strides = array<i32>} : memref<1x128xi32, #tpu.memory_space<vmem>>, vector<1x16xi32>,
      %swap3A_332 = vector.shape_cast %swap3A_331 : vector<1x16xi32> to vector<16xi32>
      %swap3A_333 = vector.shape_cast %shift_right_logical3A_327 : vector<16xi32> to vector<1x16xi32>
      tpu.vector_store %arg10[%swap3A_329, %swap3A_330], %swap3A_333 {strides = array<i32>} : memref<1x128xi32, #tpu.memory_space<vmem>>, vector<1x16xi32>,
      %get3A_334 = arith.index_cast %select_n3A_320 : i32 to index
      %get3A_335 = arith.constant 16 : index
      %get3A_336 = tpu.vector_load %arg7[%get3A_334, %get3A_335] {strides = array<i32>} : memref<40x128xi32, #tpu.memory_space<vmem>>, vector<1x16xi32>,
      %get3A_337 = vector.shape_cast %get3A_336 : vector<1x16xi32> to vector<16xi32>
      %shift_right_logical3A_338 = arith.constant 16 : i32
      %shift_right_logical3A_339 = vector.broadcast %shift_right_logical3A_338 : i32 to vector<16xi32>
      %shift_right_logical3A_340 = arith.shrui %get3A_337, %shift_right_logical3A_339 : vector<16xi32>
      %swap3A_341 = arith.constant 0 : i32
      %swap3A_342 = arith.index_cast %swap3A_341 : i32 to index
      %swap3A_343 = arith.constant 16 : index
      %swap3A_344 = tpu.vector_load %arg10[%swap3A_342, %swap3A_343] {strides = array<i32>} : memref<1x128xi32, #tpu.memory_space<vmem>>, vector<1x16xi32>,
      %swap3A_345 = vector.shape_cast %swap3A_344 : vector<1x16xi32> to vector<16xi32>
      %swap3A_346 = vector.shape_cast %shift_right_logical3A_340 : vector<16xi32> to vector<1x16xi32>
      tpu.vector_store %arg10[%swap3A_342, %swap3A_343], %swap3A_346 {strides = array<i32>} : memref<1x128xi32, #tpu.memory_space<vmem>>, vector<1x16xi32>,
      %get3A_347 = arith.index_cast %select_n3A_320 : i32 to index
      %get3A_348 = arith.constant 32 : index
      %get3A_349 = tpu.vector_load %arg7[%get3A_347, %get3A_348] {strides = array<i32>} : memref<40x128xi32, #tpu.memory_space<vmem>>, vector<1x16xi32>,
      %get3A_350 = vector.shape_cast %get3A_349 : vector<1x16xi32> to vector<16xi32>
      %shift_right_logical3A_351 = arith.constant 16 : i32
      %shift_right_logical3A_352 = vector.broadcast %shift_right_logical3A_351 : i32 to vector<16xi32>
      %shift_right_logical3A_353 = arith.shrui %get3A_350, %shift_right_logical3A_352 : vector<16xi32>
      %swap3A_354 = arith.constant 0 : i32
      %swap3A_355 = arith.index_cast %swap3A_354 : i32 to index
      %swap3A_356 = arith.constant 32 : index
      %swap3A_357 = tpu.vector_load %arg10[%swap3A_355, %swap3A_356] {strides = array<i32>} : memref<1x128xi32, #tpu.memory_space<vmem>>, vector<1x16xi32>,
      %swap3A_358 = vector.shape_cast %swap3A_357 : vector<1x16xi32> to vector<16xi32>
      %swap3A_359 = vector.shape_cast %shift_right_logical3A_353 : vector<16xi32> to vector<1x16xi32>
      tpu.vector_store %arg10[%swap3A_355, %swap3A_356], %swap3A_359 {strides = array<i32>} : memref<1x128xi32, #tpu.memory_space<vmem>>, vector<1x16xi32>,
      %get3A_360 = arith.index_cast %select_n3A_320 : i32 to index
      %get3A_361 = arith.constant 48 : index
      %get3A_362 = tpu.vector_load %arg7[%get3A_360, %get3A_361] {strides = array<i32>} : memref<40x128xi32, #tpu.memory_space<vmem>>, vector<1x16xi32>,
      %get3A_363 = vector.shape_cast %get3A_362 : vector<1x16xi32> to vector<16xi32>
      %shift_right_logical3A_364 = arith.constant 16 : i32
      %shift_right_logical3A_365 = vector.broadcast %shift_right_logical3A_364 : i32 to vector<16xi32>
      %shift_right_logical3A_366 = arith.shrui %get3A_363, %shift_right_logical3A_365 : vector<16xi32>
      %swap3A_367 = arith.constant 0 : i32
      %swap3A_368 = arith.index_cast %swap3A_367 : i32 to index
      %swap3A_369 = arith.constant 48 : index
      %swap3A_370 = tpu.vector_load %arg10[%swap3A_368, %swap3A_369] {strides = array<i32>} : memref<1x128xi32, #tpu.memory_space<vmem>>, vector<1x16xi32>,
      %swap3A_371 = vector.shape_cast %swap3A_370 : vector<1x16xi32> to vector<16xi32>
      %swap3A_372 = vector.shape_cast %shift_right_logical3A_366 : vector<16xi32> to vector<1x16xi32>
      tpu.vector_store %arg10[%swap3A_368, %swap3A_369], %swap3A_372 {strides = array<i32>} : memref<1x128xi32, #tpu.memory_space<vmem>>, vector<1x16xi32>,
      %get3A_373 = arith.index_cast %select_n3A_320 : i32 to index
      %get3A_374 = arith.constant 64 : index
      %get3A_375 = tpu.vector_load %arg7[%get3A_373, %get3A_374] {strides = array<i32>} : memref<40x128xi32, #tpu.memory_space<vmem>>, vector<1x16xi32>,
      %get3A_376 = vector.shape_cast %get3A_375 : vector<1x16xi32> to vector<16xi32>
      %shift_right_logical3A_377 = arith.constant 16 : i32
      %shift_right_logical3A_378 = vector.broadcast %shift_right_logical3A_377 : i32 to vector<16xi32>
      %shift_right_logical3A_379 = arith.shrui %get3A_376, %shift_right_logical3A_378 : vector<16xi32>
      %swap3A_380 = arith.constant 0 : i32
      %swap3A_381 = arith.index_cast %swap3A_380 : i32 to index
      %swap3A_382 = arith.constant 64 : index
      %swap3A_383 = tpu.vector_load %arg10[%swap3A_381, %swap3A_382] {strides = array<i32>} : memref<1x128xi32, #tpu.memory_space<vmem>>, vector<1x16xi32>,
      %swap3A_384 = vector.shape_cast %swap3A_383 : vector<1x16xi32> to vector<16xi32>
      %swap3A_385 = vector.shape_cast %shift_right_logical3A_379 : vector<16xi32> to vector<1x16xi32>
      tpu.vector_store %arg10[%swap3A_381, %swap3A_382], %swap3A_385 {strides = array<i32>} : memref<1x128xi32, #tpu.memory_space<vmem>>, vector<1x16xi32>,
      %get3A_386 = arith.index_cast %select_n3A_320 : i32 to index
      %get3A_387 = arith.constant 80 : index
      %get3A_388 = tpu.vector_load %arg7[%get3A_386, %get3A_387] {strides = array<i32>} : memref<40x128xi32, #tpu.memory_space<vmem>>, vector<1x16xi32>,
      %get3A_389 = vector.shape_cast %get3A_388 : vector<1x16xi32> to vector<16xi32>
      %shift_right_logical3A_390 = arith.constant 16 : i32
      %shift_right_logical3A_391 = vector.broadcast %shift_right_logical3A_390 : i32 to vector<16xi32>
      %shift_right_logical3A_392 = arith.shrui %get3A_389, %shift_right_logical3A_391 : vector<16xi32>
      %swap3A_393 = arith.constant 0 : i32
      %swap3A_394 = arith.index_cast %swap3A_393 : i32 to index
      %swap3A_395 = arith.constant 80 : index
      %swap3A_396 = tpu.vector_load %arg10[%swap3A_394, %swap3A_395] {strides = array<i32>} : memref<1x128xi32, #tpu.memory_space<vmem>>, vector<1x16xi32>,
      %swap3A_397 = vector.shape_cast %swap3A_396 : vector<1x16xi32> to vector<16xi32>
      %swap3A_398 = vector.shape_cast %shift_right_logical3A_392 : vector<16xi32> to vector<1x16xi32>
      tpu.vector_store %arg10[%swap3A_394, %swap3A_395], %swap3A_398 {strides = array<i32>} : memref<1x128xi32, #tpu.memory_space<vmem>>, vector<1x16xi32>,
      %get3A_399 = arith.index_cast %select_n3A_320 : i32 to index
      %get3A_400 = arith.constant 96 : index
      %get3A_401 = tpu.vector_load %arg7[%get3A_399, %get3A_400] {strides = array<i32>} : memref<40x128xi32, #tpu.memory_space<vmem>>, vector<1x16xi32>,
      %get3A_402 = vector.shape_cast %get3A_401 : vector<1x16xi32> to vector<16xi32>
      %shift_right_logical3A_403 = arith.constant 16 : i32
      %shift_right_logical3A_404 = vector.broadcast %shift_right_logical3A_403 : i32 to vector<16xi32>
      %shift_right_logical3A_405 = arith.shrui %get3A_402, %shift_right_logical3A_404 : vector<16xi32>
      %swap3A_406 = arith.constant 0 : i32
      %swap3A_407 = arith.index_cast %swap3A_406 : i32 to index
      %swap3A_408 = arith.constant 96 : index
      %swap3A_409 = tpu.vector_load %arg10[%swap3A_407, %swap3A_408] {strides = array<i32>} : memref<1x128xi32, #tpu.memory_space<vmem>>, vector<1x16xi32>,
      %swap3A_410 = vector.shape_cast %swap3A_409 : vector<1x16xi32> to vector<16xi32>
      %swap3A_411 = vector.shape_cast %shift_right_logical3A_405 : vector<16xi32> to vector<1x16xi32>
      tpu.vector_store %arg10[%swap3A_407, %swap3A_408], %swap3A_411 {strides = array<i32>} : memref<1x128xi32, #tpu.memory_space<vmem>>, vector<1x16xi32>,
      %get3A_412 = arith.index_cast %select_n3A_320 : i32 to index
      %get3A_413 = arith.constant 112 : index
      %get3A_414 = tpu.vector_load %arg7[%get3A_412, %get3A_413] {strides = array<i32>} : memref<40x128xi32, #tpu.memory_space<vmem>>, vector<1x16xi32>,
      %get3A_415 = vector.shape_cast %get3A_414 : vector<1x16xi32> to vector<16xi32>
      %shift_right_logical3A_416 = arith.constant 16 : i32
      %shift_right_logical3A_417 = vector.broadcast %shift_right_logical3A_416 : i32 to vector<16xi32>
      %shift_right_logical3A_418 = arith.shrui %get3A_415, %shift_right_logical3A_417 : vector<16xi32>
      %swap3A_419 = arith.constant 0 : i32
      %swap3A_420 = arith.index_cast %swap3A_419 : i32 to index
      %swap3A_421 = arith.constant 112 : index
      %swap3A_422 = tpu.vector_load %arg10[%swap3A_420, %swap3A_421] {strides = array<i32>} : memref<1x128xi32, #tpu.memory_space<vmem>>, vector<1x16xi32>,
      %swap3A_423 = vector.shape_cast %swap3A_422 : vector<1x16xi32> to vector<16xi32>
      %swap3A_424 = vector.shape_cast %shift_right_logical3A_418 : vector<16xi32> to vector<1x16xi32>
      tpu.vector_store %arg10[%swap3A_420, %swap3A_421], %swap3A_424 {strides = array<i32>} : memref<1x128xi32, #tpu.memory_space<vmem>>, vector<1x16xi32>,
      %dma_start3A_425 = arith.constant 0 : i32
      %dma_start3A_426 = arith.constant 0 : i32
      %dma_start3A_427 = tpu.memref_slice %arg10[%dma_start3A_425, %dma_start3A_426] : memref<1x128xi32, #tpu.memory_space<vmem>> -> memref<1x128xi32, #tpu.memory_space<vmem>>
      %dma_start3A_428 = tpu.memref_squeeze %dma_start3A_427 : memref<1x128xi32, #tpu.memory_space<vmem>> -> memref<128xi32, #tpu.memory_space<vmem>>
      %dma_start3A_429 = arith.constant 0 : i32
      %dma_start3A_430 = arith.constant 0 : i32
      %dma_start3A_431 = tpu.memref_slice %arg2[%dma_start3A_429, %dma_start3A_430] : memref<10240x128xf32, #tpu.memory_space<hbm>> -> memref<10240x128xf32, #tpu.memory_space<hbm>>
      tpu.enqueue_indirect_dma source(%dma_start3A_431 : memref<10240x128xf32, #tpu.memory_space<hbm>>) target(%arg14 : memref<128x128xf32, #tpu.memory_space<vmem>>) offsets(%dma_start3A_428 : memref<128xi32, #tpu.memory_space<vmem>>) semaphore(%arg17 : memref<!tpu.dma_semaphore, #tpu.memory_space<semaphore_mem>>)
      %sub3A_432 = arith.constant 1 : i32
      %sub3A_433 = arith.subi %add3A_291, %sub3A_432 : i32
      %dma_wait3A_434 = arith.constant 0 : i32
      %dma_wait3A_435 = arith.constant 0 : i32
      %dma_wait3A_436 = tpu.memref_slice %arg9[%dma_wait3A_434, %dma_wait3A_435] : memref<1x128xi32, #tpu.memory_space<vmem>> -> memref<1x128xi32, #tpu.memory_space<vmem>>
      %dma_wait3A_437 = tpu.memref_squeeze %dma_wait3A_436 : memref<1x128xi32, #tpu.memory_space<vmem>> -> memref<128xi32, #tpu.memory_space<vmem>>
      %dma_wait3A_438 = arith.constant 0 : i32
      %dma_wait3A_439 = arith.constant 0 : i32
      %dma_wait3A_440 = tpu.memref_slice %arg2[%dma_wait3A_438, %dma_wait3A_439] : memref<10240x128xf32, #tpu.memory_space<hbm>> -> memref<10240x128xf32, #tpu.memory_space<hbm>>
      tpu.wait_indirect_dma semaphore(%arg16 : memref<!tpu.dma_semaphore, #tpu.memory_space<semaphore_mem>>) src(%dma_wait3A_440 : memref<10240x128xf32, #tpu.memory_space<hbm>>) dst(%arg13 : memref<128x128xf32, #tpu.memory_space<vmem>>)
      %jit3A_441 = arith.constant 2 : i32
      %div3A_442 = arith.divsi %sub3A_433, %jit3A_441 : i32
      %sign3A_443 = arith.constant 0 : i32
      %sign3A_444 = arith.cmpi sgt, %sub3A_433, %sign3A_443 : i32
      %sign3A_445 = arith.extui %sign3A_444 : i1 to i32
      %sign3A_446 = arith.constant 0 : i32
      %sign3A_447 = arith.cmpi slt, %sub3A_433, %sign3A_446 : i32
      %sign3A_448 = arith.extui %sign3A_447 : i1 to i32
      %sign3A_449 = arith.subi %sign3A_445, %sign3A_448 : i32
      %sign3A_450 = arith.constant 0 : i32
      %sign3A_451 = arith.cmpi sgt, %jit3A_441, %sign3A_450 : i32
      %sign3A_452 = arith.extui %sign3A_451 : i1 to i32
      %sign3A_453 = arith.constant 0 : i32
      %sign3A_454 = arith.cmpi slt, %jit3A_441, %sign3A_453 : i32
      %sign3A_455 = arith.extui %sign3A_454 : i1 to i32
      %sign3A_456 = arith.subi %sign3A_452, %sign3A_455 : i32
      %ne3A_457 = arith.cmpi ne, %sign3A_449, %sign3A_456 : i32
      %rem3A_458 = arith.remsi %sub3A_433, %jit3A_441 : i32
      %ne3A_459 = arith.constant 0 : i32
      %ne3A_460 = arith.cmpi ne, %rem3A_458, %ne3A_459 : i32
      %and3A_461 = arith.andi %ne3A_457, %ne3A_460 : i1
      %sub3A_462 = arith.constant 1 : i32
      %sub3A_463 = arith.subi %div3A_442, %sub3A_462 : i32
      %select_n3A_464 = arith.select %and3A_461, %sub3A_463, %div3A_442 : i32
      %get3A_465 = arith.index_cast %select_n3A_464 : i32 to index
      %get3A_466 = arith.constant 0 : index
      %get3A_467 = tpu.vector_load %arg8[%get3A_465, %get3A_466] {strides = array<i32>} : memref<40x128xi32, #tpu.memory_space<vmem>>, vector<1x16xi32>,
      %get3A_468 = vector.shape_cast %get3A_467 : vector<1x16xi32> to vector<16xi32>
      %and3A_469 = arith.constant 65535 : i32
      %and3A_470 = vector.broadcast %and3A_469 : i32 to vector<16xi32>
      %and3A_471 = arith.andi %get3A_468, %and3A_470 : vector<16xi32>
      %swap3A_472 = arith.constant 0 : i32
      %swap3A_473 = arith.index_cast %swap3A_472 : i32 to index
      %swap3A_474 = arith.constant 0 : index
      %swap3A_475 = tpu.vector_load %arg11[%swap3A_473, %swap3A_474] {strides = array<i32>} : memref<1x128xi32, #tpu.memory_space<vmem>>, vector<1x16xi32>,
      %swap3A_476 = vector.shape_cast %swap3A_475 : vector<1x16xi32> to vector<16xi32>
      %swap3A_477 = vector.shape_cast %and3A_471 : vector<16xi32> to vector<1x16xi32>
      tpu.vector_store %arg11[%swap3A_473, %swap3A_474], %swap3A_477 {strides = array<i32>} : memref<1x128xi32, #tpu.memory_space<vmem>>, vector<1x16xi32>,
      %get3A_478 = arith.index_cast %select_n3A_464 : i32 to index
      %get3A_479 = arith.constant 16 : index
      %get3A_480 = tpu.vector_load %arg8[%get3A_478, %get3A_479] {strides = array<i32>} : memref<40x128xi32, #tpu.memory_space<vmem>>, vector<1x16xi32>,
      %get3A_481 = vector.shape_cast %get3A_480 : vector<1x16xi32> to vector<16xi32>
      %and3A_482 = arith.constant 65535 : i32
      %and3A_483 = vector.broadcast %and3A_482 : i32 to vector<16xi32>
      %and3A_484 = arith.andi %get3A_481, %and3A_483 : vector<16xi32>
      %swap3A_485 = arith.constant 0 : i32
      %swap3A_486 = arith.index_cast %swap3A_485 : i32 to index
      %swap3A_487 = arith.constant 16 : index
      %swap3A_488 = tpu.vector_load %arg11[%swap3A_486, %swap3A_487] {strides = array<i32>} : memref<1x128xi32, #tpu.memory_space<vmem>>, vector<1x16xi32>,
      %swap3A_489 = vector.shape_cast %swap3A_488 : vector<1x16xi32> to vector<16xi32>
      %swap3A_490 = vector.shape_cast %and3A_484 : vector<16xi32> to vector<1x16xi32>
      tpu.vector_store %arg11[%swap3A_486, %swap3A_487], %swap3A_490 {strides = array<i32>} : memref<1x128xi32, #tpu.memory_space<vmem>>, vector<1x16xi32>,
      %get3A_491 = arith.index_cast %select_n3A_464 : i32 to index
      %get3A_492 = arith.constant 32 : index
      %get3A_493 = tpu.vector_load %arg8[%get3A_491, %get3A_492] {strides = array<i32>} : memref<40x128xi32, #tpu.memory_space<vmem>>, vector<1x16xi32>,
      %get3A_494 = vector.shape_cast %get3A_493 : vector<1x16xi32> to vector<16xi32>
      %and3A_495 = arith.constant 65535 : i32
      %and3A_496 = vector.broadcast %and3A_495 : i32 to vector<16xi32>
      %and3A_497 = arith.andi %get3A_494, %and3A_496 : vector<16xi32>
      %swap3A_498 = arith.constant 0 : i32
      %swap3A_499 = arith.index_cast %swap3A_498 : i32 to index
      %swap3A_500 = arith.constant 32 : index
      %swap3A_501 = tpu.vector_load %arg11[%swap3A_499, %swap3A_500] {strides = array<i32>} : memref<1x128xi32, #tpu.memory_space<vmem>>, vector<1x16xi32>,
      %swap3A_502 = vector.shape_cast %swap3A_501 : vector<1x16xi32> to vector<16xi32>
      %swap3A_503 = vector.shape_cast %and3A_497 : vector<16xi32> to vector<1x16xi32>
      tpu.vector_store %arg11[%swap3A_499, %swap3A_500], %swap3A_503 {strides = array<i32>} : memref<1x128xi32, #tpu.memory_space<vmem>>, vector<1x16xi32>,
      %get3A_504 = arith.index_cast %select_n3A_464 : i32 to index
      %get3A_505 = arith.constant 48 : index
      %get3A_506 = tpu.vector_load %arg8[%get3A_504, %get3A_505] {strides = array<i32>} : memref<40x128xi32, #tpu.memory_space<vmem>>, vector<1x16xi32>,
      %get3A_507 = vector.shape_cast %get3A_506 : vector<1x16xi32> to vector<16xi32>
      %and3A_508 = arith.constant 65535 : i32
      %and3A_509 = vector.broadcast %and3A_508 : i32 to vector<16xi32>
      %and3A_510 = arith.andi %get3A_507, %and3A_509 : vector<16xi32>
      %swap3A_511 = arith.constant 0 : i32
      %swap3A_512 = arith.index_cast %swap3A_511 : i32 to index
      %swap3A_513 = arith.constant 48 : index
      %swap3A_514 = tpu.vector_load %arg11[%swap3A_512, %swap3A_513] {strides = array<i32>} : memref<1x128xi32, #tpu.memory_space<vmem>>, vector<1x16xi32>,
      %swap3A_515 = vector.shape_cast %swap3A_514 : vector<1x16xi32> to vector<16xi32>
      %swap3A_516 = vector.shape_cast %and3A_510 : vector<16xi32> to vector<1x16xi32>
      tpu.vector_store %arg11[%swap3A_512, %swap3A_513], %swap3A_516 {strides = array<i32>} : memref<1x128xi32, #tpu.memory_space<vmem>>, vector<1x16xi32>,
      %get3A_517 = arith.index_cast %select_n3A_464 : i32 to index
      %get3A_518 = arith.constant 64 : index
      %get3A_519 = tpu.vector_load %arg8[%get3A_517, %get3A_518] {strides = array<i32>} : memref<40x128xi32, #tpu.memory_space<vmem>>, vector<1x16xi32>,
      %get3A_520 = vector.shape_cast %get3A_519 : vector<1x16xi32> to vector<16xi32>
      %and3A_521 = arith.constant 65535 : i32
      %and3A_522 = vector.broadcast %and3A_521 : i32 to vector<16xi32>
      %and3A_523 = arith.andi %get3A_520, %and3A_522 : vector<16xi32>
      %swap3A_524 = arith.constant 0 : i32
      %swap3A_525 = arith.index_cast %swap3A_524 : i32 to index
      %swap3A_526 = arith.constant 64 : index
      %swap3A_527 = tpu.vector_load %arg11[%swap3A_525, %swap3A_526] {strides = array<i32>} : memref<1x128xi32, #tpu.memory_space<vmem>>, vector<1x16xi32>,
      %swap3A_528 = vector.shape_cast %swap3A_527 : vector<1x16xi32> to vector<16xi32>
      %swap3A_529 = vector.shape_cast %and3A_523 : vector<16xi32> to vector<1x16xi32>
      tpu.vector_store %arg11[%swap3A_525, %swap3A_526], %swap3A_529 {strides = array<i32>} : memref<1x128xi32, #tpu.memory_space<vmem>>, vector<1x16xi32>,
      %get3A_530 = arith.index_cast %select_n3A_464 : i32 to index
      %get3A_531 = arith.constant 80 : index
      %get3A_532 = tpu.vector_load %arg8[%get3A_530, %get3A_531] {strides = array<i32>} : memref<40x128xi32, #tpu.memory_space<vmem>>, vector<1x16xi32>,
      %get3A_533 = vector.shape_cast %get3A_532 : vector<1x16xi32> to vector<16xi32>
      %and3A_534 = arith.constant 65535 : i32
      %and3A_535 = vector.broadcast %and3A_534 : i32 to vector<16xi32>
      %and3A_536 = arith.andi %get3A_533, %and3A_535 : vector<16xi32>
      %swap3A_537 = arith.constant 0 : i32
      %swap3A_538 = arith.index_cast %swap3A_537 : i32 to index
      %swap3A_539 = arith.constant 80 : index
      %swap3A_540 = tpu.vector_load %arg11[%swap3A_538, %swap3A_539] {strides = array<i32>} : memref<1x128xi32, #tpu.memory_space<vmem>>, vector<1x16xi32>,
      %swap3A_541 = vector.shape_cast %swap3A_540 : vector<1x16xi32> to vector<16xi32>
      %swap3A_542 = vector.shape_cast %and3A_536 : vector<16xi32> to vector<1x16xi32>
      tpu.vector_store %arg11[%swap3A_538, %swap3A_539], %swap3A_542 {strides = array<i32>} : memref<1x128xi32, #tpu.memory_space<vmem>>, vector<1x16xi32>,
      %get3A_543 = arith.index_cast %select_n3A_464 : i32 to index
      %get3A_544 = arith.constant 96 : index
      %get3A_545 = tpu.vector_load %arg8[%get3A_543, %get3A_544] {strides = array<i32>} : memref<40x128xi32, #tpu.memory_space<vmem>>, vector<1x16xi32>,
      %get3A_546 = vector.shape_cast %get3A_545 : vector<1x16xi32> to vector<16xi32>
      %and3A_547 = arith.constant 65535 : i32
      %and3A_548 = vector.broadcast %and3A_547 : i32 to vector<16xi32>
      %and3A_549 = arith.andi %get3A_546, %and3A_548 : vector<16xi32>
      %swap3A_550 = arith.constant 0 : i32
      %swap3A_551 = arith.index_cast %swap3A_550 : i32 to index
      %swap3A_552 = arith.constant 96 : index
      %swap3A_553 = tpu.vector_load %arg11[%swap3A_551, %swap3A_552] {strides = array<i32>} : memref<1x128xi32, #tpu.memory_space<vmem>>, vector<1x16xi32>,
      %swap3A_554 = vector.shape_cast %swap3A_553 : vector<1x16xi32> to vector<16xi32>
      %swap3A_555 = vector.shape_cast %and3A_549 : vector<16xi32> to vector<1x16xi32>
      tpu.vector_store %arg11[%swap3A_551, %swap3A_552], %swap3A_555 {strides = array<i32>} : memref<1x128xi32, #tpu.memory_space<vmem>>, vector<1x16xi32>,
      %get3A_556 = arith.index_cast %select_n3A_464 : i32 to index
      %get3A_557 = arith.constant 112 : index
      %get3A_558 = tpu.vector_load %arg8[%get3A_556, %get3A_557] {strides = array<i32>} : memref<40x128xi32, #tpu.memory_space<vmem>>, vector<1x16xi32>,
      %get3A_559 = vector.shape_cast %get3A_558 : vector<1x16xi32> to vector<16xi32>
      %and3A_560 = arith.constant 65535 : i32
      %and3A_561 = vector.broadcast %and3A_560 : i32 to vector<16xi32>
      %and3A_562 = arith.andi %get3A_559, %and3A_561 : vector<16xi32>
      %swap3A_563 = arith.constant 0 : i32
      %swap3A_564 = arith.index_cast %swap3A_563 : i32 to index
      %swap3A_565 = arith.constant 112 : index
      %swap3A_566 = tpu.vector_load %arg11[%swap3A_564, %swap3A_565] {strides = array<i32>} : memref<1x128xi32, #tpu.memory_space<vmem>>, vector<1x16xi32>,
      %swap3A_567 = vector.shape_cast %swap3A_566 : vector<1x16xi32> to vector<16xi32>
      %swap3A_568 = vector.shape_cast %and3A_562 : vector<16xi32> to vector<1x16xi32>
      tpu.vector_store %arg11[%swap3A_564, %swap3A_565], %swap3A_568 {strides = array<i32>} : memref<1x128xi32, #tpu.memory_space<vmem>>, vector<1x16xi32>,
      %dma_start3A_569 = arith.constant 0 : i32
      %dma_start3A_570 = arith.constant 0 : i32
      %dma_start3A_571 = tpu.memref_slice %arg11[%dma_start3A_569, %dma_start3A_570] : memref<1x128xi32, #tpu.memory_space<vmem>> -> memref<1x128xi32, #tpu.memory_space<vmem>>
      %dma_start3A_572 = tpu.memref_squeeze %dma_start3A_571 : memref<1x128xi32, #tpu.memory_space<vmem>> -> memref<128xi32, #tpu.memory_space<vmem>>
      %dma_start3A_573 = arith.constant 0 : i32
      %dma_start3A_574 = arith.constant 0 : i32
      %dma_start3A_575 = tpu.memref_slice %arg15[%dma_start3A_573, %dma_start3A_574] : memref<10240x128xf32, #tpu.memory_space<vmem_shared>> -> memref<10240x128xf32, #tpu.memory_space<vmem_shared>>
      tpu.enqueue_indirect_dma source(%arg13 : memref<128x128xf32, #tpu.memory_space<vmem>>) target(%dma_start3A_575 : memref<10240x128xf32, #tpu.memory_space<vmem_shared>>) offsets(%dma_start3A_572 : memref<128xi32, #tpu.memory_space<vmem>>) semaphore(%arg18 : memref<!tpu.dma_semaphore, #tpu.memory_space<semaphore_mem>>) {add = true}
    }
    %scan3A_6 = arith.constant 40 : i32
    %dma_wait3A = arith.constant 0 : i32
    %dma_wait3A_7 = arith.constant 0 : i32
    %dma_wait3A_8 = tpu.memref_slice %arg10[%dma_wait3A, %dma_wait3A_7] : memref<1x128xi32, #tpu.memory_space<vmem>> -> memref<1x128xi32, #tpu.memory_space<vmem>>
    %dma_wait3A_9 = tpu.memref_squeeze %dma_wait3A_8 : memref<1x128xi32, #tpu.memory_space<vmem>> -> memref<128xi32, #tpu.memory_space<vmem>>
    %dma_wait3A_10 = arith.constant 0 : i32
    %dma_wait3A_11 = arith.constant 0 : i32
    %dma_wait3A_12 = tpu.memref_slice %arg2[%dma_wait3A_10, %dma_wait3A_11] : memref<10240x128xf32, #tpu.memory_space<hbm>> -> memref<10240x128xf32, #tpu.memory_space<hbm>>
    tpu.wait_indirect_dma semaphore(%arg17 : memref<!tpu.dma_semaphore, #tpu.memory_space<semaphore_mem>>) src(%dma_wait3A_12 : memref<10240x128xf32, #tpu.memory_space<hbm>>) dst(%arg14 : memref<128x128xf32, #tpu.memory_space<vmem>>)
    %get3A = arith.constant 39 : i32
    %get3A_13 = arith.index_cast %get3A : i32 to index
    %get3A_14 = arith.constant 0 : index
    %get3A_15 = tpu.vector_load %arg8[%get3A_13, %get3A_14] {strides = array<i32>} : memref<40x128xi32, #tpu.memory_space<vmem>>, vector<1x16xi32>,
    %get3A_16 = vector.shape_cast %get3A_15 : vector<1x16xi32> to vector<16xi32>
    %shift_right_logical3A = arith.constant 16 : i32
    %shift_right_logical3A_17 = vector.broadcast %shift_right_logical3A : i32 to vector<16xi32>
    %shift_right_logical3A_18 = arith.shrui %get3A_16, %shift_right_logical3A_17 : vector<16xi32>
    %swap3A = arith.constant 0 : i32
    %swap3A_19 = arith.index_cast %swap3A : i32 to index
    %swap3A_20 = arith.constant 0 : index
    %swap3A_21 = tpu.vector_load %arg12[%swap3A_19, %swap3A_20] {strides = array<i32>} : memref<1x128xi32, #tpu.memory_space<vmem>>, vector<1x16xi32>,
    %swap3A_22 = vector.shape_cast %swap3A_21 : vector<1x16xi32> to vector<16xi32>
    %swap3A_23 = vector.shape_cast %shift_right_logical3A_18 : vector<16xi32> to vector<1x16xi32>
    tpu.vector_store %arg12[%swap3A_19, %swap3A_20], %swap3A_23 {strides = array<i32>} : memref<1x128xi32, #tpu.memory_space<vmem>>, vector<1x16xi32>,
    %get3A_24 = arith.constant 39 : i32
    %get3A_25 = arith.index_cast %get3A_24 : i32 to index
    %get3A_26 = arith.constant 16 : index
    %get3A_27 = tpu.vector_load %arg8[%get3A_25, %get3A_26] {strides = array<i32>} : memref<40x128xi32, #tpu.memory_space<vmem>>, vector<1x16xi32>,
    %get3A_28 = vector.shape_cast %get3A_27 : vector<1x16xi32> to vector<16xi32>
    %shift_right_logical3A_29 = arith.constant 16 : i32
    %shift_right_logical3A_30 = vector.broadcast %shift_right_logical3A_29 : i32 to vector<16xi32>
    %shift_right_logical3A_31 = arith.shrui %get3A_28, %shift_right_logical3A_30 : vector<16xi32>
    %swap3A_32 = arith.constant 0 : i32
    %swap3A_33 = arith.index_cast %swap3A_32 : i32 to index
    %swap3A_34 = arith.constant 16 : index
    %swap3A_35 = tpu.vector_load %arg12[%swap3A_33, %swap3A_34] {strides = array<i32>} : memref<1x128xi32, #tpu.memory_space<vmem>>, vector<1x16xi32>,
    %swap3A_36 = vector.shape_cast %swap3A_35 : vector<1x16xi32> to vector<16xi32>
    %swap3A_37 = vector.shape_cast %shift_right_logical3A_31 : vector<16xi32> to vector<1x16xi32>
    tpu.vector_store %arg12[%swap3A_33, %swap3A_34], %swap3A_37 {strides = array<i32>} : memref<1x128xi32, #tpu.memory_space<vmem>>, vector<1x16xi32>,
    %get3A_38 = arith.constant 39 : i32
    %get3A_39 = arith.index_cast %get3A_38 : i32 to index
    %get3A_40 = arith.constant 32 : index
    %get3A_41 = tpu.vector_load %arg8[%get3A_39, %get3A_40] {strides = array<i32>} : memref<40x128xi32, #tpu.memory_space<vmem>>, vector<1x16xi32>,
    %get3A_42 = vector.shape_cast %get3A_41 : vector<1x16xi32> to vector<16xi32>
    %shift_right_logical3A_43 = arith.constant 16 : i32
    %shift_right_logical3A_44 = vector.broadcast %shift_right_logical3A_43 : i32 to vector<16xi32>
    %shift_right_logical3A_45 = arith.shrui %get3A_42, %shift_right_logical3A_44 : vector<16xi32>
    %swap3A_46 = arith.constant 0 : i32
    %swap3A_47 = arith.index_cast %swap3A_46 : i32 to index
    %swap3A_48 = arith.constant 32 : index
    %swap3A_49 = tpu.vector_load %arg12[%swap3A_47, %swap3A_48] {strides = array<i32>} : memref<1x128xi32, #tpu.memory_space<vmem>>, vector<1x16xi32>,
    %swap3A_50 = vector.shape_cast %swap3A_49 : vector<1x16xi32> to vector<16xi32>
    %swap3A_51 = vector.shape_cast %shift_right_logical3A_45 : vector<16xi32> to vector<1x16xi32>
    tpu.vector_store %arg12[%swap3A_47, %swap3A_48], %swap3A_51 {strides = array<i32>} : memref<1x128xi32, #tpu.memory_space<vmem>>, vector<1x16xi32>,
    %get3A_52 = arith.constant 39 : i32
    %get3A_53 = arith.index_cast %get3A_52 : i32 to index
    %get3A_54 = arith.constant 48 : index
    %get3A_55 = tpu.vector_load %arg8[%get3A_53, %get3A_54] {strides = array<i32>} : memref<40x128xi32, #tpu.memory_space<vmem>>, vector<1x16xi32>,
    %get3A_56 = vector.shape_cast %get3A_55 : vector<1x16xi32> to vector<16xi32>
    %shift_right_logical3A_57 = arith.constant 16 : i32
    %shift_right_logical3A_58 = vector.broadcast %shift_right_logical3A_57 : i32 to vector<16xi32>
    %shift_right_logical3A_59 = arith.shrui %get3A_56, %shift_right_logical3A_58 : vector<16xi32>
    %swap3A_60 = arith.constant 0 : i32
    %swap3A_61 = arith.index_cast %swap3A_60 : i32 to index
    %swap3A_62 = arith.constant 48 : index
    %swap3A_63 = tpu.vector_load %arg12[%swap3A_61, %swap3A_62] {strides = array<i32>} : memref<1x128xi32, #tpu.memory_space<vmem>>, vector<1x16xi32>,
    %swap3A_64 = vector.shape_cast %swap3A_63 : vector<1x16xi32> to vector<16xi32>
    %swap3A_65 = vector.shape_cast %shift_right_logical3A_59 : vector<16xi32> to vector<1x16xi32>
    tpu.vector_store %arg12[%swap3A_61, %swap3A_62], %swap3A_65 {strides = array<i32>} : memref<1x128xi32, #tpu.memory_space<vmem>>, vector<1x16xi32>,
    %get3A_66 = arith.constant 39 : i32
    %get3A_67 = arith.index_cast %get3A_66 : i32 to index
    %get3A_68 = arith.constant 64 : index
    %get3A_69 = tpu.vector_load %arg8[%get3A_67, %get3A_68] {strides = array<i32>} : memref<40x128xi32, #tpu.memory_space<vmem>>, vector<1x16xi32>,
    %get3A_70 = vector.shape_cast %get3A_69 : vector<1x16xi32> to vector<16xi32>
    %shift_right_logical3A_71 = arith.constant 16 : i32
    %shift_right_logical3A_72 = vector.broadcast %shift_right_logical3A_71 : i32 to vector<16xi32>
    %shift_right_logical3A_73 = arith.shrui %get3A_70, %shift_right_logical3A_72 : vector<16xi32>
    %swap3A_74 = arith.constant 0 : i32
    %swap3A_75 = arith.index_cast %swap3A_74 : i32 to index
    %swap3A_76 = arith.constant 64 : index
    %swap3A_77 = tpu.vector_load %arg12[%swap3A_75, %swap3A_76] {strides = array<i32>} : memref<1x128xi32, #tpu.memory_space<vmem>>, vector<1x16xi32>,
    %swap3A_78 = vector.shape_cast %swap3A_77 : vector<1x16xi32> to vector<16xi32>
    %swap3A_79 = vector.shape_cast %shift_right_logical3A_73 : vector<16xi32> to vector<1x16xi32>
    tpu.vector_store %arg12[%swap3A_75, %swap3A_76], %swap3A_79 {strides = array<i32>} : memref<1x128xi32, #tpu.memory_space<vmem>>, vector<1x16xi32>,
    %get3A_80 = arith.constant 39 : i32
    %get3A_81 = arith.index_cast %get3A_80 : i32 to index
    %get3A_82 = arith.constant 80 : index
    %get3A_83 = tpu.vector_load %arg8[%get3A_81, %get3A_82] {strides = array<i32>} : memref<40x128xi32, #tpu.memory_space<vmem>>, vector<1x16xi32>,
    %get3A_84 = vector.shape_cast %get3A_83 : vector<1x16xi32> to vector<16xi32>
    %shift_right_logical3A_85 = arith.constant 16 : i32
    %shift_right_logical3A_86 = vector.broadcast %shift_right_logical3A_85 : i32 to vector<16xi32>
    %shift_right_logical3A_87 = arith.shrui %get3A_84, %shift_right_logical3A_86 : vector<16xi32>
    %swap3A_88 = arith.constant 0 : i32
    %swap3A_89 = arith.index_cast %swap3A_88 : i32 to index
    %swap3A_90 = arith.constant 80 : index
    %swap3A_91 = tpu.vector_load %arg12[%swap3A_89, %swap3A_90] {strides = array<i32>} : memref<1x128xi32, #tpu.memory_space<vmem>>, vector<1x16xi32>,
    %swap3A_92 = vector.shape_cast %swap3A_91 : vector<1x16xi32> to vector<16xi32>
    %swap3A_93 = vector.shape_cast %shift_right_logical3A_87 : vector<16xi32> to vector<1x16xi32>
    tpu.vector_store %arg12[%swap3A_89, %swap3A_90], %swap3A_93 {strides = array<i32>} : memref<1x128xi32, #tpu.memory_space<vmem>>, vector<1x16xi32>,
    %get3A_94 = arith.constant 39 : i32
    %get3A_95 = arith.index_cast %get3A_94 : i32 to index
    %get3A_96 = arith.constant 96 : index
    %get3A_97 = tpu.vector_load %arg8[%get3A_95, %get3A_96] {strides = array<i32>} : memref<40x128xi32, #tpu.memory_space<vmem>>, vector<1x16xi32>,
    %get3A_98 = vector.shape_cast %get3A_97 : vector<1x16xi32> to vector<16xi32>
    %shift_right_logical3A_99 = arith.constant 16 : i32
    %shift_right_logical3A_100 = vector.broadcast %shift_right_logical3A_99 : i32 to vector<16xi32>
    %shift_right_logical3A_101 = arith.shrui %get3A_98, %shift_right_logical3A_100 : vector<16xi32>
    %swap3A_102 = arith.constant 0 : i32
    %swap3A_103 = arith.index_cast %swap3A_102 : i32 to index
    %swap3A_104 = arith.constant 96 : index
    %swap3A_105 = tpu.vector_load %arg12[%swap3A_103, %swap3A_104] {strides = array<i32>} : memref<1x128xi32, #tpu.memory_space<vmem>>, vector<1x16xi32>,
    %swap3A_106 = vector.shape_cast %swap3A_105 : vector<1x16xi32> to vector<16xi32>
    %swap3A_107 = vector.shape_cast %shift_right_logical3A_101 : vector<16xi32> to vector<1x16xi32>
    tpu.vector_store %arg12[%swap3A_103, %swap3A_104], %swap3A_107 {strides = array<i32>} : memref<1x128xi32, #tpu.memory_space<vmem>>, vector<1x16xi32>,
    %get3A_108 = arith.constant 39 : i32
    %get3A_109 = arith.index_cast %get3A_108 : i32 to index
    %get3A_110 = arith.constant 112 : index
    %get3A_111 = tpu.vector_load %arg8[%get3A_109, %get3A_110] {strides = array<i32>} : memref<40x128xi32, #tpu.memory_space<vmem>>, vector<1x16xi32>,
    %get3A_112 = vector.shape_cast %get3A_111 : vector<1x16xi32> to vector<16xi32>
    %shift_right_logical3A_113 = arith.constant 16 : i32
    %shift_right_logical3A_114 = vector.broadcast %shift_right_logical3A_113 : i32 to vector<16xi32>
    %shift_right_logical3A_115 = arith.shrui %get3A_112, %shift_right_logical3A_114 : vector<16xi32>
    %swap3A_116 = arith.constant 0 : i32
    %swap3A_117 = arith.index_cast %swap3A_116 : i32 to index
    %swap3A_118 = arith.constant 112 : index
    %swap3A_119 = tpu.vector_load %arg12[%swap3A_117, %swap3A_118] {strides = array<i32>} : memref<1x128xi32, #tpu.memory_space<vmem>>, vector<1x16xi32>,
    %swap3A_120 = vector.shape_cast %swap3A_119 : vector<1x16xi32> to vector<16xi32>
    %swap3A_121 = vector.shape_cast %shift_right_logical3A_115 : vector<16xi32> to vector<1x16xi32>
    tpu.vector_store %arg12[%swap3A_117, %swap3A_118], %swap3A_121 {strides = array<i32>} : memref<1x128xi32, #tpu.memory_space<vmem>>, vector<1x16xi32>,
    %dma_start3A = arith.constant 0 : i32
    %dma_start3A_122 = arith.constant 0 : i32
    %dma_start3A_123 = tpu.memref_slice %arg12[%dma_start3A, %dma_start3A_122] : memref<1x128xi32, #tpu.memory_space<vmem>> -> memref<1x128xi32, #tpu.memory_space<vmem>>
    %dma_start3A_124 = tpu.memref_squeeze %dma_start3A_123 : memref<1x128xi32, #tpu.memory_space<vmem>> -> memref<128xi32, #tpu.memory_space<vmem>>
    %dma_start3A_125 = arith.constant 0 : i32
    %dma_start3A_126 = arith.constant 0 : i32
    %dma_start3A_127 = tpu.memref_slice %arg15[%dma_start3A_125, %dma_start3A_126] : memref<10240x128xf32, #tpu.memory_space<vmem_shared>> -> memref<10240x128xf32, #tpu.memory_space<vmem_shared>>
    tpu.enqueue_indirect_dma source(%arg14 : memref<128x128xf32, #tpu.memory_space<vmem>>) target(%dma_start3A_127 : memref<10240x128xf32, #tpu.memory_space<vmem_shared>>) offsets(%dma_start3A_124 : memref<128xi32, #tpu.memory_space<vmem>>) semaphore(%arg19 : memref<!tpu.dma_semaphore, #tpu.memory_space<semaphore_mem>>) {add = true}
    %dma_wait3A_128 = arith.constant 0 : i32
    %dma_wait3A_129 = arith.constant 0 : i32
    %dma_wait3A_130 = tpu.memref_slice %arg11[%dma_wait3A_128, %dma_wait3A_129] : memref<1x128xi32, #tpu.memory_space<vmem>> -> memref<1x128xi32, #tpu.memory_space<vmem>>
    %dma_wait3A_131 = tpu.memref_squeeze %dma_wait3A_130 : memref<1x128xi32, #tpu.memory_space<vmem>> -> memref<128xi32, #tpu.memory_space<vmem>>
    %dma_wait3A_132 = arith.constant 0 : i32
    %dma_wait3A_133 = arith.constant 0 : i32
    %dma_wait3A_134 = tpu.memref_slice %arg15[%dma_wait3A_132, %dma_wait3A_133] : memref<10240x128xf32, #tpu.memory_space<vmem_shared>> -> memref<10240x128xf32, #tpu.memory_space<vmem_shared>>
    tpu.wait_indirect_dma semaphore(%arg18 : memref<!tpu.dma_semaphore, #tpu.memory_space<semaphore_mem>>) src(%arg13 : memref<128x128xf32, #tpu.memory_space<vmem>>) dst(%dma_wait3A_134 : memref<10240x128xf32, #tpu.memory_space<vmem_shared>>)
    %dma_wait3A_135 = arith.constant 0 : i32
    %dma_wait3A_136 = arith.constant 0 : i32
    %dma_wait3A_137 = tpu.memref_slice %arg12[%dma_wait3A_135, %dma_wait3A_136] : memref<1x128xi32, #tpu.memory_space<vmem>> -> memref<1x128xi32, #tpu.memory_space<vmem>>
    %dma_wait3A_138 = tpu.memref_squeeze %dma_wait3A_137 : memref<1x128xi32, #tpu.memory_space<vmem>> -> memref<128xi32, #tpu.memory_space<vmem>>
    %dma_wait3A_139 = arith.constant 0 : i32
    %dma_wait3A_140 = arith.constant 0 : i32
    %dma_wait3A_141 = tpu.memref_slice %arg15[%dma_wait3A_139, %dma_wait3A_140] : memref<10240x128xf32, #tpu.memory_space<vmem_shared>> -> memref<10240x128xf32, #tpu.memory_space<vmem_shared>>
    tpu.wait_indirect_dma semaphore(%arg19 : memref<!tpu.dma_semaphore, #tpu.memory_space<semaphore_mem>>) src(%arg14 : memref<128x128xf32, #tpu.memory_space<vmem>>) dst(%dma_wait3A_141 : memref<10240x128xf32, #tpu.memory_space<vmem_shared>>)
    %barrier3A_142 = arith.constant 0 : index
    tpu.barrier barrier_id(%barrier3A_142)
    %mul3A = arith.constant 640 : i32
    %mul3A_143 = arith.muli %arg1, %mul3A : i32
    %mul3A_144 = arith.constant 640 : i32
    %mul3A_145 = arith.muli %arg1, %mul3A_144 : i32
    "tpu.region"() ({
      %run_scoped3A = tpu.sem_alloc : memref<!tpu.dma_semaphore, #tpu.memory_space<semaphore_mem>>
      %dma_start3A_146 = arith.constant 0 : i32
      %dma_start3A_147 = tpu.memref_slice %arg6[%arg0, %mul3A_145, %dma_start3A_146] : memref<2x10240x128xf32, #tpu.memory_space<hbm>> -> memref<1x640x128xf32, #tpu.memory_space<hbm>>
      %dma_start3A_148 = tpu.memref_squeeze %dma_start3A_147 : memref<1x640x128xf32, #tpu.memory_space<hbm>> -> memref<640x128xf32, #tpu.memory_space<hbm>>
      %dma_start3A_149 = arith.constant 0 : i32
      %dma_start3A_150 = tpu.memref_slice %arg15[%mul3A_143, %dma_start3A_149] : memref<10240x128xf32, #tpu.memory_space<vmem_shared>> -> memref<640x128xf32, #tpu.memory_space<vmem_shared>>
      tpu.enqueue_dma source(%dma_start3A_150 : memref<640x128xf32, #tpu.memory_space<vmem_shared>>) target(%dma_start3A_148 : memref<640x128xf32, #tpu.memory_space<hbm>>) target_semaphore(%run_scoped3A : memref<!tpu.dma_semaphore, #tpu.memory_space<semaphore_mem>>)
      %dma_wait3A_151 = arith.constant 0 : i32
      %dma_wait3A_152 = tpu.memref_slice %arg6[%arg0, %mul3A_145, %dma_wait3A_151] : memref<2x10240x128xf32, #tpu.memory_space<hbm>> -> memref<1x640x128xf32, #tpu.memory_space<hbm>>
      %dma_wait3A_153 = tpu.memref_squeeze %dma_wait3A_152 : memref<1x640x128xf32, #tpu.memory_space<hbm>> -> memref<640x128xf32, #tpu.memory_space<hbm>>
      %dma_wait3A_154 = arith.constant 0 : i32
      %dma_wait3A_155 = tpu.memref_slice %arg15[%mul3A_143, %dma_wait3A_154] : memref<10240x128xf32, #tpu.memory_space<vmem_shared>> -> memref<640x128xf32, #tpu.memory_space<vmem_shared>>
      tpu.wait_dma2 semaphore(%run_scoped3A : memref<!tpu.dma_semaphore, #tpu.memory_space<semaphore_mem>>) src(%dma_wait3A_155 : memref<640x128xf32, #tpu.memory_space<vmem_shared>>) dst(%dma_wait3A_153 : memref<640x128xf32, #tpu.memory_space<hbm>>)
      tpu.yield
    }) : () -> ()
    return
  }
}

#map = affine_map<(d0, d1) -> (0, 0)>
#map1 = affine_map<(d0, d1) -> (0, 0, 0, 0)>
#map2 = affine_map<(d0, d1) -> (0, 0, 0)>
module attributes {stable_mosaic.version = 14 : i64} {
  func.func @_sc_scatter_body(%arg0: i32, %arg1: i32, %arg2: memref<10240x128xf32, #tpu.memory_space<hbm>>, %arg3: memref<2x16x40x128xi32, #tpu.memory_space<hbm>>, %arg4: memref<2x16x40x128xi32, #tpu.memory_space<hbm>>, %arg5: memref<10240x128xf32, #tpu.memory_space<hbm>>, %arg6: memref<2x10240x128xf32, #tpu.memory_space<hbm>>, %arg7: memref<40x128xi32, #tpu.memory_space<vmem>>, %arg8: memref<40x128xi32, #tpu.memory_space<vmem>>, %arg9: memref<1x128xi32, #tpu.memory_space<vmem>>, %arg10: memref<1x128xi32, #tpu.memory_space<vmem>>, %arg11: memref<1x128xi32, #tpu.memory_space<vmem>>, %arg12: memref<1x128xi32, #tpu.memory_space<vmem>>, %arg13: memref<128x128xf32, #tpu.memory_space<vmem>>, %arg14: memref<128x128xf32, #tpu.memory_space<vmem>>, %arg15: memref<10240x128xf32, #tpu.memory_space<vmem_shared>>, %arg16: memref<!tpu.dma_semaphore, #tpu.memory_space<semaphore_mem>>, %arg17: memref<!tpu.dma_semaphore, #tpu.memory_space<semaphore_mem>>, %arg18: memref<!tpu.dma_semaphore, #tpu.memory_space<semaphore_mem>>, %arg19: memref<!tpu.dma_semaphore, #tpu.memory_space<semaphore_mem>>) attributes {dimension_semantics = [#tpu.dimension_semantics<core_parallel>, #tpu.dimension_semantics<subcore_parallel>], iteration_bounds = array<i64: 2, 16>, scalar_prefetch = 0 : i64, scratch_operands = 13 : i64, tpu.core_type = #tpu.core_type<sc_vector_subcore>, window_params = [{transform_indices = #map}, {transform_indices = #map1}, {transform_indices = #map1}, {transform_indices = #map}, {transform_indices = #map2}]} {
    %eq3A = arith.constant 0 : i32
    %eq3A_0 = arith.cmpi eq, %arg1, %eq3A : i32
    %convert_element_type3A = arith.extui %eq3A_0 : i1 to i32
    %cond3A = arith.constant 0 : i32
    %cond3A_1 = arith.cmpi ne, %convert_element_type3A, %cond3A : i32
    scf.if %cond3A_1 {
      "tpu.region"() ({
        %run_scoped3A = tpu.sem_alloc : memref<!tpu.dma_semaphore, #tpu.memory_space<semaphore_mem>>
        tpu.enqueue_dma source(%arg5 : memref<10240x128xf32, #tpu.memory_space<hbm>>) target(%arg15 : memref<10240x128xf32, #tpu.memory_space<vmem_shared>>) target_semaphore(%run_scoped3A : memref<!tpu.dma_semaphore, #tpu.memory_space<semaphore_mem>>)
        tpu.wait_dma2 semaphore(%run_scoped3A : memref<!tpu.dma_semaphore, #tpu.memory_space<semaphore_mem>>) src(%arg5 : memref<10240x128xf32, #tpu.memory_space<hbm>>) dst(%arg15 : memref<10240x128xf32, #tpu.memory_space<vmem_shared>>)
        tpu.yield
      }) : () -> ()
    } else {
    }
    "tpu.region"() ({
      %run_scoped3A = tpu.sem_alloc : memref<!tpu.dma_semaphore, #tpu.memory_space<semaphore_mem>>
      %dma_start3A_146 = arith.constant 0 : i32
      %dma_start3A_147 = arith.constant 0 : i32
      %dma_start3A_148 = tpu.memref_slice %arg3[%arg0, %arg1, %dma_start3A_146, %dma_start3A_147] : memref<2x16x40x128xi32, #tpu.memory_space<hbm>> -> memref<1x1x40x128xi32, #tpu.memory_space<hbm>>
      %dma_start3A_149 = tpu.memref_squeeze %dma_start3A_148 : memref<1x1x40x128xi32, #tpu.memory_space<hbm>> -> memref<40x128xi32, #tpu.memory_space<hbm>>
      %dma_start3A_150 = arith.constant 0 : i32
      %dma_start3A_151 = arith.constant 0 : i32
      %dma_start3A_152 = tpu.memref_slice %arg3[%arg0, %arg1, %dma_start3A_150, %dma_start3A_151] : memref<2x16x40x128xi32, #tpu.memory_space<hbm>> -> memref<1x1x40x128xi32, #tpu.memory_space<hbm>>
      %dma_start3A_153 = tpu.memref_squeeze %dma_start3A_152 : memref<1x1x40x128xi32, #tpu.memory_space<hbm>> -> memref<40x128xi32, #tpu.memory_space<hbm>>
      tpu.enqueue_dma source(%dma_start3A_153 : memref<40x128xi32, #tpu.memory_space<hbm>>) target(%arg7 : memref<40x128xi32, #tpu.memory_space<vmem>>) target_semaphore(%run_scoped3A : memref<!tpu.dma_semaphore, #tpu.memory_space<semaphore_mem>>)
      %dma_wait3A_154 = arith.constant 0 : i32
      %dma_wait3A_155 = arith.constant 0 : i32
      %dma_wait3A_156 = tpu.memref_slice %arg3[%arg0, %arg1, %dma_wait3A_154, %dma_wait3A_155] : memref<2x16x40x128xi32, #tpu.memory_space<hbm>> -> memref<1x1x40x128xi32, #tpu.memory_space<hbm>>
      %dma_wait3A_157 = tpu.memref_squeeze %dma_wait3A_156 : memref<1x1x40x128xi32, #tpu.memory_space<hbm>> -> memref<40x128xi32, #tpu.memory_space<hbm>>
      %dma_wait3A_158 = arith.constant 0 : i32
      %dma_wait3A_159 = arith.constant 0 : i32
      %dma_wait3A_160 = tpu.memref_slice %arg3[%arg0, %arg1, %dma_wait3A_158, %dma_wait3A_159] : memref<2x16x40x128xi32, #tpu.memory_space<hbm>> -> memref<1x1x40x128xi32, #tpu.memory_space<hbm>>
      %dma_wait3A_161 = tpu.memref_squeeze %dma_wait3A_160 : memref<1x1x40x128xi32, #tpu.memory_space<hbm>> -> memref<40x128xi32, #tpu.memory_space<hbm>>
      tpu.wait_dma2 semaphore(%run_scoped3A : memref<!tpu.dma_semaphore, #tpu.memory_space<semaphore_mem>>) src(%dma_wait3A_161 : memref<40x128xi32, #tpu.memory_space<hbm>>) dst(%arg7 : memref<40x128xi32, #tpu.memory_space<vmem>>)
      tpu.yield
    }) : () -> ()
    "tpu.region"() ({
      %run_scoped3A = tpu.sem_alloc : memref<!tpu.dma_semaphore, #tpu.memory_space<semaphore_mem>>
      %dma_start3A_146 = arith.constant 0 : i32
      %dma_start3A_147 = arith.constant 0 : i32
      %dma_start3A_148 = tpu.memref_slice %arg4[%arg0, %arg1, %dma_start3A_146, %dma_start3A_147] : memref<2x16x40x128xi32, #tpu.memory_space<hbm>> -> memref<1x1x40x128xi32, #tpu.memory_space<hbm>>
      %dma_start3A_149 = tpu.memref_squeeze %dma_start3A_148 : memref<1x1x40x128xi32, #tpu.memory_space<hbm>> -> memref<40x128xi32, #tpu.memory_space<hbm>>
      %dma_start3A_150 = arith.constant 0 : i32
      %dma_start3A_151 = arith.constant 0 : i32
      %dma_start3A_152 = tpu.memref_slice %arg4[%arg0, %arg1, %dma_start3A_150, %dma_start3A_151] : memref<2x16x40x128xi32, #tpu.memory_space<hbm>> -> memref<1x1x40x128xi32, #tpu.memory_space<hbm>>
      %dma_start3A_153 = tpu.memref_squeeze %dma_start3A_152 : memref<1x1x40x128xi32, #tpu.memory_space<hbm>> -> memref<40x128xi32, #tpu.memory_space<hbm>>
      tpu.enqueue_dma source(%dma_start3A_153 : memref<40x128xi32, #tpu.memory_space<hbm>>) target(%arg8 : memref<40x128xi32, #tpu.memory_space<vmem>>) target_semaphore(%run_scoped3A : memref<!tpu.dma_semaphore, #tpu.memory_space<semaphore_mem>>)
      %dma_wait3A_154 = arith.constant 0 : i32
      %dma_wait3A_155 = arith.constant 0 : i32
      %dma_wait3A_156 = tpu.memref_slice %arg4[%arg0, %arg1, %dma_wait3A_154, %dma_wait3A_155] : memref<2x16x40x128xi32, #tpu.memory_space<hbm>> -> memref<1x1x40x128xi32, #tpu.memory_space<hbm>>
      %dma_wait3A_157 = tpu.memref_squeeze %dma_wait3A_156 : memref<1x1x40x128xi32, #tpu.memory_space<hbm>> -> memref<40x128xi32, #tpu.memory_space<hbm>>
      %dma_wait3A_158 = arith.constant 0 : i32
      %dma_wait3A_159 = arith.constant 0 : i32
      %dma_wait3A_160 = tpu.memref_slice %arg4[%arg0, %arg1, %dma_wait3A_158, %dma_wait3A_159] : memref<2x16x40x128xi32, #tpu.memory_space<hbm>> -> memref<1x1x40x128xi32, #tpu.memory_space<hbm>>
      %dma_wait3A_161 = tpu.memref_squeeze %dma_wait3A_160 : memref<1x1x40x128xi32, #tpu.memory_space<hbm>> -> memref<40x128xi32, #tpu.memory_space<hbm>>
      tpu.wait_dma2 semaphore(%run_scoped3A : memref<!tpu.dma_semaphore, #tpu.memory_space<semaphore_mem>>) src(%dma_wait3A_161 : memref<40x128xi32, #tpu.memory_space<hbm>>) dst(%arg8 : memref<40x128xi32, #tpu.memory_space<vmem>>)
      tpu.yield
    }) : () -> ()
    %barrier3A = arith.constant 0 : index
    tpu.barrier barrier_id(%barrier3A)
    %scan3A = arith.constant 0 : i32
    %scan3A_2 = arith.constant 0 : i32
    %scan3A_3 = arith.constant 40 : i32
    %scan3A_4 = arith.addi %scan3A_2, %scan3A_3 : i32
    %scan3A_5 = arith.constant 1 : i32
    scf.for %scan3A_146 = %scan3A_2 to %scan3A_4 step %scan3A_5  : i32 {
      %mul3A_147 = arith.constant 2 : i32
      %mul3A_148 = arith.muli %scan3A_146, %mul3A_147 : i32
      %add3A = arith.constant 0 : i32
      %add3A_149 = arith.addi %mul3A_148, %add3A : i32
      %gt3A = arith.constant 0 : i32
      %gt3A_150 = arith.cmpi sgt, %scan3A_146, %gt3A : i32
      %convert_element_type3A_151 = arith.extui %gt3A_150 : i1 to i32
      %cond3A_152 = arith.constant 0 : i32
      %cond3A_153 = arith.cmpi ne, %convert_element_type3A_151, %cond3A_152 : i32
      scf.if %cond3A_153 {
        %dma_wait3A_576 = arith.constant 0 : i32
        %dma_wait3A_577 = arith.constant 0 : i32
        %dma_wait3A_578 = tpu.memref_slice %arg11[%dma_wait3A_576, %dma_wait3A_577] : memref<1x128xi32, #tpu.memory_space<vmem>> -> memref<1x128xi32, #tpu.memory_space<vmem>>
        %dma_wait3A_579 = tpu.memref_squeeze %dma_wait3A_578 : memref<1x128xi32, #tpu.memory_space<vmem>> -> memref<128xi32, #tpu.memory_space<vmem>>
        %dma_wait3A_580 = arith.constant 0 : i32
        %dma_wait3A_581 = arith.constant 0 : i32
        %dma_wait3A_582 = tpu.memref_slice %arg15[%dma_wait3A_580, %dma_wait3A_581] : memref<10240x128xf32, #tpu.memory_space<vmem_shared>> -> memref<10240x128xf32, #tpu.memory_space<vmem_shared>>
        tpu.wait_indirect_dma semaphore(%arg18 : memref<!tpu.dma_semaphore, #tpu.memory_space<semaphore_mem>>) src(%arg13 : memref<128x128xf32, #tpu.memory_space<vmem>>) dst(%dma_wait3A_582 : memref<10240x128xf32, #tpu.memory_space<vmem_shared>>)
      } else {
      }
      %jit3A = arith.constant 2 : i32
      %div3A = arith.divsi %add3A_149, %jit3A : i32
      %sign3A = arith.constant 0 : i32
      %sign3A_154 = arith.cmpi sgt, %add3A_149, %sign3A : i32
      %sign3A_155 = arith.extui %sign3A_154 : i1 to i32
      %sign3A_156 = arith.constant 0 : i32
      %sign3A_157 = arith.cmpi slt, %add3A_149, %sign3A_156 : i32
      %sign3A_158 = arith.extui %sign3A_157 : i1 to i32
      %sign3A_159 = arith.subi %sign3A_155, %sign3A_158 : i32
      %sign3A_160 = arith.constant 0 : i32
      %sign3A_161 = arith.cmpi sgt, %jit3A, %sign3A_160 : i32
      %sign3A_162 = arith.extui %sign3A_161 : i1 to i32
      %sign3A_163 = arith.constant 0 : i32
      %sign3A_164 = arith.cmpi slt, %jit3A, %sign3A_163 : i32
      %sign3A_165 = arith.extui %sign3A_164 : i1 to i32
      %sign3A_166 = arith.subi %sign3A_162, %sign3A_165 : i32
      %ne3A = arith.cmpi ne, %sign3A_159, %sign3A_166 : i32
      %rem3A = arith.remsi %add3A_149, %jit3A : i32
      %ne3A_167 = arith.constant 0 : i32
      %ne3A_168 = arith.cmpi ne, %rem3A, %ne3A_167 : i32
      %and3A = arith.andi %ne3A, %ne3A_168 : i1
      %sub3A = arith.constant 1 : i32
      %sub3A_169 = arith.subi %div3A, %sub3A : i32
      %select_n3A = arith.select %and3A, %sub3A_169, %div3A : i32
      %get3A_170 = arith.index_cast %select_n3A : i32 to index
      %get3A_171 = arith.constant 0 : index
      %get3A_172 = tpu.vector_load %arg7[%get3A_170, %get3A_171] {strides = array<i32>} : memref<40x128xi32, #tpu.memory_space<vmem>>, vector<1x16xi32>,
      %get3A_173 = vector.shape_cast %get3A_172 : vector<1x16xi32> to vector<16xi32>
      %and3A_174 = arith.constant 65535 : i32
      %and3A_175 = vector.broadcast %and3A_174 : i32 to vector<16xi32>
      %and3A_176 = arith.andi %get3A_173, %and3A_175 : vector<16xi32>
      %swap3A_177 = arith.constant 0 : i32
      %swap3A_178 = arith.index_cast %swap3A_177 : i32 to index
      %swap3A_179 = arith.constant 0 : index
      %swap3A_180 = tpu.vector_load %arg9[%swap3A_178, %swap3A_179] {strides = array<i32>} : memref<1x128xi32, #tpu.memory_space<vmem>>, vector<1x16xi32>,
      %swap3A_181 = vector.shape_cast %swap3A_180 : vector<1x16xi32> to vector<16xi32>
      %swap3A_182 = vector.shape_cast %and3A_176 : vector<16xi32> to vector<1x16xi32>
      tpu.vector_store %arg9[%swap3A_178, %swap3A_179], %swap3A_182 {strides = array<i32>} : memref<1x128xi32, #tpu.memory_space<vmem>>, vector<1x16xi32>,
      %get3A_183 = arith.index_cast %select_n3A : i32 to index
      %get3A_184 = arith.constant 16 : index
      %get3A_185 = tpu.vector_load %arg7[%get3A_183, %get3A_184] {strides = array<i32>} : memref<40x128xi32, #tpu.memory_space<vmem>>, vector<1x16xi32>,
      %get3A_186 = vector.shape_cast %get3A_185 : vector<1x16xi32> to vector<16xi32>
      %and3A_187 = arith.constant 65535 : i32
      %and3A_188 = vector.broadcast %and3A_187 : i32 to vector<16xi32>
      %and3A_189 = arith.andi %get3A_186, %and3A_188 : vector<16xi32>
      %swap3A_190 = arith.constant 0 : i32
      %swap3A_191 = arith.index_cast %swap3A_190 : i32 to index
      %swap3A_192 = arith.constant 16 : index
      %swap3A_193 = tpu.vector_load %arg9[%swap3A_191, %swap3A_192] {strides = array<i32>} : memref<1x128xi32, #tpu.memory_space<vmem>>, vector<1x16xi32>,
      %swap3A_194 = vector.shape_cast %swap3A_193 : vector<1x16xi32> to vector<16xi32>
      %swap3A_195 = vector.shape_cast %and3A_189 : vector<16xi32> to vector<1x16xi32>
      tpu.vector_store %arg9[%swap3A_191, %swap3A_192], %swap3A_195 {strides = array<i32>} : memref<1x128xi32, #tpu.memory_space<vmem>>, vector<1x16xi32>,
      %get3A_196 = arith.index_cast %select_n3A : i32 to index
      %get3A_197 = arith.constant 32 : index
      %get3A_198 = tpu.vector_load %arg7[%get3A_196, %get3A_197] {strides = array<i32>} : memref<40x128xi32, #tpu.memory_space<vmem>>, vector<1x16xi32>,
      %get3A_199 = vector.shape_cast %get3A_198 : vector<1x16xi32> to vector<16xi32>
      %and3A_200 = arith.constant 65535 : i32
      %and3A_201 = vector.broadcast %and3A_200 : i32 to vector<16xi32>
      %and3A_202 = arith.andi %get3A_199, %and3A_201 : vector<16xi32>
      %swap3A_203 = arith.constant 0 : i32
      %swap3A_204 = arith.index_cast %swap3A_203 : i32 to index
      %swap3A_205 = arith.constant 32 : index
      %swap3A_206 = tpu.vector_load %arg9[%swap3A_204, %swap3A_205] {strides = array<i32>} : memref<1x128xi32, #tpu.memory_space<vmem>>, vector<1x16xi32>,
      %swap3A_207 = vector.shape_cast %swap3A_206 : vector<1x16xi32> to vector<16xi32>
      %swap3A_208 = vector.shape_cast %and3A_202 : vector<16xi32> to vector<1x16xi32>
      tpu.vector_store %arg9[%swap3A_204, %swap3A_205], %swap3A_208 {strides = array<i32>} : memref<1x128xi32, #tpu.memory_space<vmem>>, vector<1x16xi32>,
      %get3A_209 = arith.index_cast %select_n3A : i32 to index
      %get3A_210 = arith.constant 48 : index
      %get3A_211 = tpu.vector_load %arg7[%get3A_209, %get3A_210] {strides = array<i32>} : memref<40x128xi32, #tpu.memory_space<vmem>>, vector<1x16xi32>,
      %get3A_212 = vector.shape_cast %get3A_211 : vector<1x16xi32> to vector<16xi32>
      %and3A_213 = arith.constant 65535 : i32
      %and3A_214 = vector.broadcast %and3A_213 : i32 to vector<16xi32>
      %and3A_215 = arith.andi %get3A_212, %and3A_214 : vector<16xi32>
      %swap3A_216 = arith.constant 0 : i32
      %swap3A_217 = arith.index_cast %swap3A_216 : i32 to index
      %swap3A_218 = arith.constant 48 : index
      %swap3A_219 = tpu.vector_load %arg9[%swap3A_217, %swap3A_218] {strides = array<i32>} : memref<1x128xi32, #tpu.memory_space<vmem>>, vector<1x16xi32>,
      %swap3A_220 = vector.shape_cast %swap3A_219 : vector<1x16xi32> to vector<16xi32>
      %swap3A_221 = vector.shape_cast %and3A_215 : vector<16xi32> to vector<1x16xi32>
      tpu.vector_store %arg9[%swap3A_217, %swap3A_218], %swap3A_221 {strides = array<i32>} : memref<1x128xi32, #tpu.memory_space<vmem>>, vector<1x16xi32>,
      %get3A_222 = arith.index_cast %select_n3A : i32 to index
      %get3A_223 = arith.constant 64 : index
      %get3A_224 = tpu.vector_load %arg7[%get3A_222, %get3A_223] {strides = array<i32>} : memref<40x128xi32, #tpu.memory_space<vmem>>, vector<1x16xi32>,
      %get3A_225 = vector.shape_cast %get3A_224 : vector<1x16xi32> to vector<16xi32>
      %and3A_226 = arith.constant 65535 : i32
      %and3A_227 = vector.broadcast %and3A_226 : i32 to vector<16xi32>
      %and3A_228 = arith.andi %get3A_225, %and3A_227 : vector<16xi32>
      %swap3A_229 = arith.constant 0 : i32
      %swap3A_230 = arith.index_cast %swap3A_229 : i32 to index
      %swap3A_231 = arith.constant 64 : index
      %swap3A_232 = tpu.vector_load %arg9[%swap3A_230, %swap3A_231] {strides = array<i32>} : memref<1x128xi32, #tpu.memory_space<vmem>>, vector<1x16xi32>,
      %swap3A_233 = vector.shape_cast %swap3A_232 : vector<1x16xi32> to vector<16xi32>
      %swap3A_234 = vector.shape_cast %and3A_228 : vector<16xi32> to vector<1x16xi32>
      tpu.vector_store %arg9[%swap3A_230, %swap3A_231], %swap3A_234 {strides = array<i32>} : memref<1x128xi32, #tpu.memory_space<vmem>>, vector<1x16xi32>,
      %get3A_235 = arith.index_cast %select_n3A : i32 to index
      %get3A_236 = arith.constant 80 : index
      %get3A_237 = tpu.vector_load %arg7[%get3A_235, %get3A_236] {strides = array<i32>} : memref<40x128xi32, #tpu.memory_space<vmem>>, vector<1x16xi32>,
      %get3A_238 = vector.shape_cast %get3A_237 : vector<1x16xi32> to vector<16xi32>
      %and3A_239 = arith.constant 65535 : i32
      %and3A_240 = vector.broadcast %and3A_239 : i32 to vector<16xi32>
      %and3A_241 = arith.andi %get3A_238, %and3A_240 : vector<16xi32>
      %swap3A_242 = arith.constant 0 : i32
      %swap3A_243 = arith.index_cast %swap3A_242 : i32 to index
      %swap3A_244 = arith.constant 80 : index
      %swap3A_245 = tpu.vector_load %arg9[%swap3A_243, %swap3A_244] {strides = array<i32>} : memref<1x128xi32, #tpu.memory_space<vmem>>, vector<1x16xi32>,
      %swap3A_246 = vector.shape_cast %swap3A_245 : vector<1x16xi32> to vector<16xi32>
      %swap3A_247 = vector.shape_cast %and3A_241 : vector<16xi32> to vector<1x16xi32>
      tpu.vector_store %arg9[%swap3A_243, %swap3A_244], %swap3A_247 {strides = array<i32>} : memref<1x128xi32, #tpu.memory_space<vmem>>, vector<1x16xi32>,
      %get3A_248 = arith.index_cast %select_n3A : i32 to index
      %get3A_249 = arith.constant 96 : index
      %get3A_250 = tpu.vector_load %arg7[%get3A_248, %get3A_249] {strides = array<i32>} : memref<40x128xi32, #tpu.memory_space<vmem>>, vector<1x16xi32>,
      %get3A_251 = vector.shape_cast %get3A_250 : vector<1x16xi32> to vector<16xi32>
      %and3A_252 = arith.constant 65535 : i32
      %and3A_253 = vector.broadcast %and3A_252 : i32 to vector<16xi32>
      %and3A_254 = arith.andi %get3A_251, %and3A_253 : vector<16xi32>
      %swap3A_255 = arith.constant 0 : i32
      %swap3A_256 = arith.index_cast %swap3A_255 : i32 to index
      %swap3A_257 = arith.constant 96 : index
      %swap3A_258 = tpu.vector_load %arg9[%swap3A_256, %swap3A_257] {strides = array<i32>} : memref<1x128xi32, #tpu.memory_space<vmem>>, vector<1x16xi32>,
      %swap3A_259 = vector.shape_cast %swap3A_258 : vector<1x16xi32> to vector<16xi32>
      %swap3A_260 = vector.shape_cast %and3A_254 : vector<16xi32> to vector<1x16xi32>
      tpu.vector_store %arg9[%swap3A_256, %swap3A_257], %swap3A_260 {strides = array<i32>} : memref<1x128xi32, #tpu.memory_space<vmem>>, vector<1x16xi32>,
      %get3A_261 = arith.index_cast %select_n3A : i32 to index
      %get3A_262 = arith.constant 112 : index
      %get3A_263 = tpu.vector_load %arg7[%get3A_261, %get3A_262] {strides = array<i32>} : memref<40x128xi32, #tpu.memory_space<vmem>>, vector<1x16xi32>,
      %get3A_264 = vector.shape_cast %get3A_263 : vector<1x16xi32> to vector<16xi32>
      %and3A_265 = arith.constant 65535 : i32
      %and3A_266 = vector.broadcast %and3A_265 : i32 to vector<16xi32>
      %and3A_267 = arith.andi %get3A_264, %and3A_266 : vector<16xi32>
      %swap3A_268 = arith.constant 0 : i32
      %swap3A_269 = arith.index_cast %swap3A_268 : i32 to index
      %swap3A_270 = arith.constant 112 : index
      %swap3A_271 = tpu.vector_load %arg9[%swap3A_269, %swap3A_270] {strides = array<i32>} : memref<1x128xi32, #tpu.memory_space<vmem>>, vector<1x16xi32>,
      %swap3A_272 = vector.shape_cast %swap3A_271 : vector<1x16xi32> to vector<16xi32>
      %swap3A_273 = vector.shape_cast %and3A_267 : vector<16xi32> to vector<1x16xi32>
      tpu.vector_store %arg9[%swap3A_269, %swap3A_270], %swap3A_273 {strides = array<i32>} : memref<1x128xi32, #tpu.memory_space<vmem>>, vector<1x16xi32>,
      %dma_start3A_274 = arith.constant 0 : i32
      %dma_start3A_275 = arith.constant 0 : i32
      %dma_start3A_276 = tpu.memref_slice %arg9[%dma_start3A_274, %dma_start3A_275] : memref<1x128xi32, #tpu.memory_space<vmem>> -> memref<1x128xi32, #tpu.memory_space<vmem>>
      %dma_start3A_277 = tpu.memref_squeeze %dma_start3A_276 : memref<1x128xi32, #tpu.memory_space<vmem>> -> memref<128xi32, #tpu.memory_space<vmem>>
      %dma_start3A_278 = arith.constant 0 : i32
      %dma_start3A_279 = arith.constant 0 : i32
      %dma_start3A_280 = tpu.memref_slice %arg2[%dma_start3A_278, %dma_start3A_279] : memref<10240x128xf32, #tpu.memory_space<hbm>> -> memref<10240x128xf32, #tpu.memory_space<hbm>>
      tpu.enqueue_indirect_dma source(%dma_start3A_280 : memref<10240x128xf32, #tpu.memory_space<hbm>>) target(%arg13 : memref<128x128xf32, #tpu.memory_space<vmem>>) offsets(%dma_start3A_277 : memref<128xi32, #tpu.memory_space<vmem>>) semaphore(%arg16 : memref<!tpu.dma_semaphore, #tpu.memory_space<semaphore_mem>>)
      %sub3A_281 = arith.constant 1 : i32
      %sub3A_282 = arith.subi %add3A_149, %sub3A_281 : i32
      %gt3A_283 = arith.constant 0 : i32
      %gt3A_284 = arith.cmpi sgt, %scan3A_146, %gt3A_283 : i32
      %convert_element_type3A_285 = arith.extui %gt3A_284 : i1 to i32
      %cond3A_286 = arith.constant 0 : i32
      %cond3A_287 = arith.cmpi ne, %convert_element_type3A_285, %cond3A_286 : i32
      scf.if %cond3A_287 {
        %dma_wait3A_576 = arith.constant 0 : i32
        %dma_wait3A_577 = arith.constant 0 : i32
        %dma_wait3A_578 = tpu.memref_slice %arg10[%dma_wait3A_576, %dma_wait3A_577] : memref<1x128xi32, #tpu.memory_space<vmem>> -> memref<1x128xi32, #tpu.memory_space<vmem>>
        %dma_wait3A_579 = tpu.memref_squeeze %dma_wait3A_578 : memref<1x128xi32, #tpu.memory_space<vmem>> -> memref<128xi32, #tpu.memory_space<vmem>>
        %dma_wait3A_580 = arith.constant 0 : i32
        %dma_wait3A_581 = arith.constant 0 : i32
        %dma_wait3A_582 = tpu.memref_slice %arg2[%dma_wait3A_580, %dma_wait3A_581] : memref<10240x128xf32, #tpu.memory_space<hbm>> -> memref<10240x128xf32, #tpu.memory_space<hbm>>
        tpu.wait_indirect_dma semaphore(%arg17 : memref<!tpu.dma_semaphore, #tpu.memory_space<semaphore_mem>>) src(%dma_wait3A_582 : memref<10240x128xf32, #tpu.memory_space<hbm>>) dst(%arg14 : memref<128x128xf32, #tpu.memory_space<vmem>>)
        %jit3A_583 = arith.constant 2 : i32
        %div3A_584 = arith.divsi %sub3A_282, %jit3A_583 : i32
        %sign3A_585 = arith.constant 0 : i32
        %sign3A_586 = arith.cmpi sgt, %sub3A_282, %sign3A_585 : i32
        %sign3A_587 = arith.extui %sign3A_586 : i1 to i32
        %sign3A_588 = arith.constant 0 : i32
        %sign3A_589 = arith.cmpi slt, %sub3A_282, %sign3A_588 : i32
        %sign3A_590 = arith.extui %sign3A_589 : i1 to i32
        %sign3A_591 = arith.subi %sign3A_587, %sign3A_590 : i32
        %sign3A_592 = arith.constant 0 : i32
        %sign3A_593 = arith.cmpi sgt, %jit3A_583, %sign3A_592 : i32
        %sign3A_594 = arith.extui %sign3A_593 : i1 to i32
        %sign3A_595 = arith.constant 0 : i32
        %sign3A_596 = arith.cmpi slt, %jit3A_583, %sign3A_595 : i32
        %sign3A_597 = arith.extui %sign3A_596 : i1 to i32
        %sign3A_598 = arith.subi %sign3A_594, %sign3A_597 : i32
        %ne3A_599 = arith.cmpi ne, %sign3A_591, %sign3A_598 : i32
        %rem3A_600 = arith.remsi %sub3A_282, %jit3A_583 : i32
        %ne3A_601 = arith.constant 0 : i32
        %ne3A_602 = arith.cmpi ne, %rem3A_600, %ne3A_601 : i32
        %and3A_603 = arith.andi %ne3A_599, %ne3A_602 : i1
        %sub3A_604 = arith.constant 1 : i32
        %sub3A_605 = arith.subi %div3A_584, %sub3A_604 : i32
        %select_n3A_606 = arith.select %and3A_603, %sub3A_605, %div3A_584 : i32
        %get3A_607 = arith.index_cast %select_n3A_606 : i32 to index
        %get3A_608 = arith.constant 0 : index
        %get3A_609 = tpu.vector_load %arg8[%get3A_607, %get3A_608] {strides = array<i32>} : memref<40x128xi32, #tpu.memory_space<vmem>>, vector<1x16xi32>,
        %get3A_610 = vector.shape_cast %get3A_609 : vector<1x16xi32> to vector<16xi32>
        %shift_right_logical3A_611 = arith.constant 16 : i32
        %shift_right_logical3A_612 = vector.broadcast %shift_right_logical3A_611 : i32 to vector<16xi32>
        %shift_right_logical3A_613 = arith.shrui %get3A_610, %shift_right_logical3A_612 : vector<16xi32>
        %swap3A_614 = arith.constant 0 : i32
        %swap3A_615 = arith.index_cast %swap3A_614 : i32 to index
        %swap3A_616 = arith.constant 0 : index
        %swap3A_617 = tpu.vector_load %arg12[%swap3A_615, %swap3A_616] {strides = array<i32>} : memref<1x128xi32, #tpu.memory_space<vmem>>, vector<1x16xi32>,
        %swap3A_618 = vector.shape_cast %swap3A_617 : vector<1x16xi32> to vector<16xi32>
        %swap3A_619 = vector.shape_cast %shift_right_logical3A_613 : vector<16xi32> to vector<1x16xi32>
        tpu.vector_store %arg12[%swap3A_615, %swap3A_616], %swap3A_619 {strides = array<i32>} : memref<1x128xi32, #tpu.memory_space<vmem>>, vector<1x16xi32>,
        %get3A_620 = arith.index_cast %select_n3A_606 : i32 to index
        %get3A_621 = arith.constant 16 : index
        %get3A_622 = tpu.vector_load %arg8[%get3A_620, %get3A_621] {strides = array<i32>} : memref<40x128xi32, #tpu.memory_space<vmem>>, vector<1x16xi32>,
        %get3A_623 = vector.shape_cast %get3A_622 : vector<1x16xi32> to vector<16xi32>
        %shift_right_logical3A_624 = arith.constant 16 : i32
        %shift_right_logical3A_625 = vector.broadcast %shift_right_logical3A_624 : i32 to vector<16xi32>
        %shift_right_logical3A_626 = arith.shrui %get3A_623, %shift_right_logical3A_625 : vector<16xi32>
        %swap3A_627 = arith.constant 0 : i32
        %swap3A_628 = arith.index_cast %swap3A_627 : i32 to index
        %swap3A_629 = arith.constant 16 : index
        %swap3A_630 = tpu.vector_load %arg12[%swap3A_628, %swap3A_629] {strides = array<i32>} : memref<1x128xi32, #tpu.memory_space<vmem>>, vector<1x16xi32>,
        %swap3A_631 = vector.shape_cast %swap3A_630 : vector<1x16xi32> to vector<16xi32>
        %swap3A_632 = vector.shape_cast %shift_right_logical3A_626 : vector<16xi32> to vector<1x16xi32>
        tpu.vector_store %arg12[%swap3A_628, %swap3A_629], %swap3A_632 {strides = array<i32>} : memref<1x128xi32, #tpu.memory_space<vmem>>, vector<1x16xi32>,
        %get3A_633 = arith.index_cast %select_n3A_606 : i32 to index
        %get3A_634 = arith.constant 32 : index
        %get3A_635 = tpu.vector_load %arg8[%get3A_633, %get3A_634] {strides = array<i32>} : memref<40x128xi32, #tpu.memory_space<vmem>>, vector<1x16xi32>,
        %get3A_636 = vector.shape_cast %get3A_635 : vector<1x16xi32> to vector<16xi32>
        %shift_right_logical3A_637 = arith.constant 16 : i32
        %shift_right_logical3A_638 = vector.broadcast %shift_right_logical3A_637 : i32 to vector<16xi32>
        %shift_right_logical3A_639 = arith.shrui %get3A_636, %shift_right_logical3A_638 : vector<16xi32>
        %swap3A_640 = arith.constant 0 : i32
        %swap3A_641 = arith.index_cast %swap3A_640 : i32 to index
        %swap3A_642 = arith.constant 32 : index
        %swap3A_643 = tpu.vector_load %arg12[%swap3A_641, %swap3A_642] {strides = array<i32>} : memref<1x128xi32, #tpu.memory_space<vmem>>, vector<1x16xi32>,
        %swap3A_644 = vector.shape_cast %swap3A_643 : vector<1x16xi32> to vector<16xi32>
        %swap3A_645 = vector.shape_cast %shift_right_logical3A_639 : vector<16xi32> to vector<1x16xi32>
        tpu.vector_store %arg12[%swap3A_641, %swap3A_642], %swap3A_645 {strides = array<i32>} : memref<1x128xi32, #tpu.memory_space<vmem>>, vector<1x16xi32>,
        %get3A_646 = arith.index_cast %select_n3A_606 : i32 to index
        %get3A_647 = arith.constant 48 : index
        %get3A_648 = tpu.vector_load %arg8[%get3A_646, %get3A_647] {strides = array<i32>} : memref<40x128xi32, #tpu.memory_space<vmem>>, vector<1x16xi32>,
        %get3A_649 = vector.shape_cast %get3A_648 : vector<1x16xi32> to vector<16xi32>
        %shift_right_logical3A_650 = arith.constant 16 : i32
        %shift_right_logical3A_651 = vector.broadcast %shift_right_logical3A_650 : i32 to vector<16xi32>
        %shift_right_logical3A_652 = arith.shrui %get3A_649, %shift_right_logical3A_651 : vector<16xi32>
        %swap3A_653 = arith.constant 0 : i32
        %swap3A_654 = arith.index_cast %swap3A_653 : i32 to index
        %swap3A_655 = arith.constant 48 : index
        %swap3A_656 = tpu.vector_load %arg12[%swap3A_654, %swap3A_655] {strides = array<i32>} : memref<1x128xi32, #tpu.memory_space<vmem>>, vector<1x16xi32>,
        %swap3A_657 = vector.shape_cast %swap3A_656 : vector<1x16xi32> to vector<16xi32>
        %swap3A_658 = vector.shape_cast %shift_right_logical3A_652 : vector<16xi32> to vector<1x16xi32>
        tpu.vector_store %arg12[%swap3A_654, %swap3A_655], %swap3A_658 {strides = array<i32>} : memref<1x128xi32, #tpu.memory_space<vmem>>, vector<1x16xi32>,
        %get3A_659 = arith.index_cast %select_n3A_606 : i32 to index
        %get3A_660 = arith.constant 64 : index
        %get3A_661 = tpu.vector_load %arg8[%get3A_659, %get3A_660] {strides = array<i32>} : memref<40x128xi32, #tpu.memory_space<vmem>>, vector<1x16xi32>,
        %get3A_662 = vector.shape_cast %get3A_661 : vector<1x16xi32> to vector<16xi32>
        %shift_right_logical3A_663 = arith.constant 16 : i32
        %shift_right_logical3A_664 = vector.broadcast %shift_right_logical3A_663 : i32 to vector<16xi32>
        %shift_right_logical3A_665 = arith.shrui %get3A_662, %shift_right_logical3A_664 : vector<16xi32>
        %swap3A_666 = arith.constant 0 : i32
        %swap3A_667 = arith.index_cast %swap3A_666 : i32 to index
        %swap3A_668 = arith.constant 64 : index
        %swap3A_669 = tpu.vector_load %arg12[%swap3A_667, %swap3A_668] {strides = array<i32>} : memref<1x128xi32, #tpu.memory_space<vmem>>, vector<1x16xi32>,
        %swap3A_670 = vector.shape_cast %swap3A_669 : vector<1x16xi32> to vector<16xi32>
        %swap3A_671 = vector.shape_cast %shift_right_logical3A_665 : vector<16xi32> to vector<1x16xi32>
        tpu.vector_store %arg12[%swap3A_667, %swap3A_668], %swap3A_671 {strides = array<i32>} : memref<1x128xi32, #tpu.memory_space<vmem>>, vector<1x16xi32>,
        %get3A_672 = arith.index_cast %select_n3A_606 : i32 to index
        %get3A_673 = arith.constant 80 : index
        %get3A_674 = tpu.vector_load %arg8[%get3A_672, %get3A_673] {strides = array<i32>} : memref<40x128xi32, #tpu.memory_space<vmem>>, vector<1x16xi32>,
        %get3A_675 = vector.shape_cast %get3A_674 : vector<1x16xi32> to vector<16xi32>
        %shift_right_logical3A_676 = arith.constant 16 : i32
        %shift_right_logical3A_677 = vector.broadcast %shift_right_logical3A_676 : i32 to vector<16xi32>
        %shift_right_logical3A_678 = arith.shrui %get3A_675, %shift_right_logical3A_677 : vector<16xi32>
        %swap3A_679 = arith.constant 0 : i32
        %swap3A_680 = arith.index_cast %swap3A_679 : i32 to index
        %swap3A_681 = arith.constant 80 : index
        %swap3A_682 = tpu.vector_load %arg12[%swap3A_680, %swap3A_681] {strides = array<i32>} : memref<1x128xi32, #tpu.memory_space<vmem>>, vector<1x16xi32>,
        %swap3A_683 = vector.shape_cast %swap3A_682 : vector<1x16xi32> to vector<16xi32>
        %swap3A_684 = vector.shape_cast %shift_right_logical3A_678 : vector<16xi32> to vector<1x16xi32>
        tpu.vector_store %arg12[%swap3A_680, %swap3A_681], %swap3A_684 {strides = array<i32>} : memref<1x128xi32, #tpu.memory_space<vmem>>, vector<1x16xi32>,
        %get3A_685 = arith.index_cast %select_n3A_606 : i32 to index
        %get3A_686 = arith.constant 96 : index
        %get3A_687 = tpu.vector_load %arg8[%get3A_685, %get3A_686] {strides = array<i32>} : memref<40x128xi32, #tpu.memory_space<vmem>>, vector<1x16xi32>,
        %get3A_688 = vector.shape_cast %get3A_687 : vector<1x16xi32> to vector<16xi32>
        %shift_right_logical3A_689 = arith.constant 16 : i32
        %shift_right_logical3A_690 = vector.broadcast %shift_right_logical3A_689 : i32 to vector<16xi32>
        %shift_right_logical3A_691 = arith.shrui %get3A_688, %shift_right_logical3A_690 : vector<16xi32>
        %swap3A_692 = arith.constant 0 : i32
        %swap3A_693 = arith.index_cast %swap3A_692 : i32 to index
        %swap3A_694 = arith.constant 96 : index
        %swap3A_695 = tpu.vector_load %arg12[%swap3A_693, %swap3A_694] {strides = array<i32>} : memref<1x128xi32, #tpu.memory_space<vmem>>, vector<1x16xi32>,
        %swap3A_696 = vector.shape_cast %swap3A_695 : vector<1x16xi32> to vector<16xi32>
        %swap3A_697 = vector.shape_cast %shift_right_logical3A_691 : vector<16xi32> to vector<1x16xi32>
        tpu.vector_store %arg12[%swap3A_693, %swap3A_694], %swap3A_697 {strides = array<i32>} : memref<1x128xi32, #tpu.memory_space<vmem>>, vector<1x16xi32>,
        %get3A_698 = arith.index_cast %select_n3A_606 : i32 to index
        %get3A_699 = arith.constant 112 : index
        %get3A_700 = tpu.vector_load %arg8[%get3A_698, %get3A_699] {strides = array<i32>} : memref<40x128xi32, #tpu.memory_space<vmem>>, vector<1x16xi32>,
        %get3A_701 = vector.shape_cast %get3A_700 : vector<1x16xi32> to vector<16xi32>
        %shift_right_logical3A_702 = arith.constant 16 : i32
        %shift_right_logical3A_703 = vector.broadcast %shift_right_logical3A_702 : i32 to vector<16xi32>
        %shift_right_logical3A_704 = arith.shrui %get3A_701, %shift_right_logical3A_703 : vector<16xi32>
        %swap3A_705 = arith.constant 0 : i32
        %swap3A_706 = arith.index_cast %swap3A_705 : i32 to index
        %swap3A_707 = arith.constant 112 : index
        %swap3A_708 = tpu.vector_load %arg12[%swap3A_706, %swap3A_707] {strides = array<i32>} : memref<1x128xi32, #tpu.memory_space<vmem>>, vector<1x16xi32>,
        %swap3A_709 = vector.shape_cast %swap3A_708 : vector<1x16xi32> to vector<16xi32>
        %swap3A_710 = vector.shape_cast %shift_right_logical3A_704 : vector<16xi32> to vector<1x16xi32>
        tpu.vector_store %arg12[%swap3A_706, %swap3A_707], %swap3A_710 {strides = array<i32>} : memref<1x128xi32, #tpu.memory_space<vmem>>, vector<1x16xi32>,
        %dma_start3A_711 = arith.constant 0 : i32
        %dma_start3A_712 = arith.constant 0 : i32
        %dma_start3A_713 = tpu.memref_slice %arg12[%dma_start3A_711, %dma_start3A_712] : memref<1x128xi32, #tpu.memory_space<vmem>> -> memref<1x128xi32, #tpu.memory_space<vmem>>
        %dma_start3A_714 = tpu.memref_squeeze %dma_start3A_713 : memref<1x128xi32, #tpu.memory_space<vmem>> -> memref<128xi32, #tpu.memory_space<vmem>>
        %dma_start3A_715 = arith.constant 0 : i32
        %dma_start3A_716 = arith.constant 0 : i32
        %dma_start3A_717 = tpu.memref_slice %arg15[%dma_start3A_715, %dma_start3A_716] : memref<10240x128xf32, #tpu.memory_space<vmem_shared>> -> memref<10240x128xf32, #tpu.memory_space<vmem_shared>>
        tpu.enqueue_indirect_dma source(%arg14 : memref<128x128xf32, #tpu.memory_space<vmem>>) target(%dma_start3A_717 : memref<10240x128xf32, #tpu.memory_space<vmem_shared>>) offsets(%dma_start3A_714 : memref<128xi32, #tpu.memory_space<vmem>>) semaphore(%arg19 : memref<!tpu.dma_semaphore, #tpu.memory_space<semaphore_mem>>) {add = true}
      } else {
      }
      %mul3A_288 = arith.constant 2 : i32
      %mul3A_289 = arith.muli %scan3A_146, %mul3A_288 : i32
      %add3A_290 = arith.constant 1 : i32
      %add3A_291 = arith.addi %mul3A_289, %add3A_290 : i32
      %gt3A_292 = arith.constant 0 : i32
      %gt3A_293 = arith.cmpi sgt, %scan3A_146, %gt3A_292 : i32
      %convert_element_type3A_294 = arith.extui %gt3A_293 : i1 to i32
      %cond3A_295 = arith.constant 0 : i32
      %cond3A_296 = arith.cmpi ne, %convert_element_type3A_294, %cond3A_295 : i32
      scf.if %cond3A_296 {
        %dma_wait3A_576 = arith.constant 0 : i32
        %dma_wait3A_577 = arith.constant 0 : i32
        %dma_wait3A_578 = tpu.memref_slice %arg12[%dma_wait3A_576, %dma_wait3A_577] : memref<1x128xi32, #tpu.memory_space<vmem>> -> memref<1x128xi32, #tpu.memory_space<vmem>>
        %dma_wait3A_579 = tpu.memref_squeeze %dma_wait3A_578 : memref<1x128xi32, #tpu.memory_space<vmem>> -> memref<128xi32, #tpu.memory_space<vmem>>
        %dma_wait3A_580 = arith.constant 0 : i32
        %dma_wait3A_581 = arith.constant 0 : i32
        %dma_wait3A_582 = tpu.memref_slice %arg15[%dma_wait3A_580, %dma_wait3A_581] : memref<10240x128xf32, #tpu.memory_space<vmem_shared>> -> memref<10240x128xf32, #tpu.memory_space<vmem_shared>>
        tpu.wait_indirect_dma semaphore(%arg19 : memref<!tpu.dma_semaphore, #tpu.memory_space<semaphore_mem>>) src(%arg14 : memref<128x128xf32, #tpu.memory_space<vmem>>) dst(%dma_wait3A_582 : memref<10240x128xf32, #tpu.memory_space<vmem_shared>>)
      } else {
      }
      %jit3A_297 = arith.constant 2 : i32
      %div3A_298 = arith.divsi %add3A_291, %jit3A_297 : i32
      %sign3A_299 = arith.constant 0 : i32
      %sign3A_300 = arith.cmpi sgt, %add3A_291, %sign3A_299 : i32
      %sign3A_301 = arith.extui %sign3A_300 : i1 to i32
      %sign3A_302 = arith.constant 0 : i32
      %sign3A_303 = arith.cmpi slt, %add3A_291, %sign3A_302 : i32
      %sign3A_304 = arith.extui %sign3A_303 : i1 to i32
      %sign3A_305 = arith.subi %sign3A_301, %sign3A_304 : i32
      %sign3A_306 = arith.constant 0 : i32
      %sign3A_307 = arith.cmpi sgt, %jit3A_297, %sign3A_306 : i32
      %sign3A_308 = arith.extui %sign3A_307 : i1 to i32
      %sign3A_309 = arith.constant 0 : i32
      %sign3A_310 = arith.cmpi slt, %jit3A_297, %sign3A_309 : i32
      %sign3A_311 = arith.extui %sign3A_310 : i1 to i32
      %sign3A_312 = arith.subi %sign3A_308, %sign3A_311 : i32
      %ne3A_313 = arith.cmpi ne, %sign3A_305, %sign3A_312 : i32
      %rem3A_314 = arith.remsi %add3A_291, %jit3A_297 : i32
      %ne3A_315 = arith.constant 0 : i32
      %ne3A_316 = arith.cmpi ne, %rem3A_314, %ne3A_315 : i32
      %and3A_317 = arith.andi %ne3A_313, %ne3A_316 : i1
      %sub3A_318 = arith.constant 1 : i32
      %sub3A_319 = arith.subi %div3A_298, %sub3A_318 : i32
      %select_n3A_320 = arith.select %and3A_317, %sub3A_319, %div3A_298 : i32
      %get3A_321 = arith.index_cast %select_n3A_320 : i32 to index
      %get3A_322 = arith.constant 0 : index
      %get3A_323 = tpu.vector_load %arg7[%get3A_321, %get3A_322] {strides = array<i32>} : memref<40x128xi32, #tpu.memory_space<vmem>>, vector<1x16xi32>,
      %get3A_324 = vector.shape_cast %get3A_323 : vector<1x16xi32> to vector<16xi32>
      %shift_right_logical3A_325 = arith.constant 16 : i32
      %shift_right_logical3A_326 = vector.broadcast %shift_right_logical3A_325 : i32 to vector<16xi32>
      %shift_right_logical3A_327 = arith.shrui %get3A_324, %shift_right_logical3A_326 : vector<16xi32>
      %swap3A_328 = arith.constant 0 : i32
      %swap3A_329 = arith.index_cast %swap3A_328 : i32 to index
      %swap3A_330 = arith.constant 0 : index
      %swap3A_331 = tpu.vector_load %arg10[%swap3A_329, %swap3A_330] {strides = array<i32>} : memref<1x128xi32, #tpu.memory_space<vmem>>, vector<1x16xi32>,
      %swap3A_332 = vector.shape_cast %swap3A_331 : vector<1x16xi32> to vector<16xi32>
      %swap3A_333 = vector.shape_cast %shift_right_logical3A_327 : vector<16xi32> to vector<1x16xi32>
      tpu.vector_store %arg10[%swap3A_329, %swap3A_330], %swap3A_333 {strides = array<i32>} : memref<1x128xi32, #tpu.memory_space<vmem>>, vector<1x16xi32>,
      %get3A_334 = arith.index_cast %select_n3A_320 : i32 to index
      %get3A_335 = arith.constant 16 : index
      %get3A_336 = tpu.vector_load %arg7[%get3A_334, %get3A_335] {strides = array<i32>} : memref<40x128xi32, #tpu.memory_space<vmem>>, vector<1x16xi32>,
      %get3A_337 = vector.shape_cast %get3A_336 : vector<1x16xi32> to vector<16xi32>
      %shift_right_logical3A_338 = arith.constant 16 : i32
      %shift_right_logical3A_339 = vector.broadcast %shift_right_logical3A_338 : i32 to vector<16xi32>
      %shift_right_logical3A_340 = arith.shrui %get3A_337, %shift_right_logical3A_339 : vector<16xi32>
      %swap3A_341 = arith.constant 0 : i32
      %swap3A_342 = arith.index_cast %swap3A_341 : i32 to index
      %swap3A_343 = arith.constant 16 : index
      %swap3A_344 = tpu.vector_load %arg10[%swap3A_342, %swap3A_343] {strides = array<i32>} : memref<1x128xi32, #tpu.memory_space<vmem>>, vector<1x16xi32>,
      %swap3A_345 = vector.shape_cast %swap3A_344 : vector<1x16xi32> to vector<16xi32>
      %swap3A_346 = vector.shape_cast %shift_right_logical3A_340 : vector<16xi32> to vector<1x16xi32>
      tpu.vector_store %arg10[%swap3A_342, %swap3A_343], %swap3A_346 {strides = array<i32>} : memref<1x128xi32, #tpu.memory_space<vmem>>, vector<1x16xi32>,
      %get3A_347 = arith.index_cast %select_n3A_320 : i32 to index
      %get3A_348 = arith.constant 32 : index
      %get3A_349 = tpu.vector_load %arg7[%get3A_347, %get3A_348] {strides = array<i32>} : memref<40x128xi32, #tpu.memory_space<vmem>>, vector<1x16xi32>,
      %get3A_350 = vector.shape_cast %get3A_349 : vector<1x16xi32> to vector<16xi32>
      %shift_right_logical3A_351 = arith.constant 16 : i32
      %shift_right_logical3A_352 = vector.broadcast %shift_right_logical3A_351 : i32 to vector<16xi32>
      %shift_right_logical3A_353 = arith.shrui %get3A_350, %shift_right_logical3A_352 : vector<16xi32>
      %swap3A_354 = arith.constant 0 : i32
      %swap3A_355 = arith.index_cast %swap3A_354 : i32 to index
      %swap3A_356 = arith.constant 32 : index
      %swap3A_357 = tpu.vector_load %arg10[%swap3A_355, %swap3A_356] {strides = array<i32>} : memref<1x128xi32, #tpu.memory_space<vmem>>, vector<1x16xi32>,
      %swap3A_358 = vector.shape_cast %swap3A_357 : vector<1x16xi32> to vector<16xi32>
      %swap3A_359 = vector.shape_cast %shift_right_logical3A_353 : vector<16xi32> to vector<1x16xi32>
      tpu.vector_store %arg10[%swap3A_355, %swap3A_356], %swap3A_359 {strides = array<i32>} : memref<1x128xi32, #tpu.memory_space<vmem>>, vector<1x16xi32>,
      %get3A_360 = arith.index_cast %select_n3A_320 : i32 to index
      %get3A_361 = arith.constant 48 : index
      %get3A_362 = tpu.vector_load %arg7[%get3A_360, %get3A_361] {strides = array<i32>} : memref<40x128xi32, #tpu.memory_space<vmem>>, vector<1x16xi32>,
      %get3A_363 = vector.shape_cast %get3A_362 : vector<1x16xi32> to vector<16xi32>
      %shift_right_logical3A_364 = arith.constant 16 : i32
      %shift_right_logical3A_365 = vector.broadcast %shift_right_logical3A_364 : i32 to vector<16xi32>
      %shift_right_logical3A_366 = arith.shrui %get3A_363, %shift_right_logical3A_365 : vector<16xi32>
      %swap3A_367 = arith.constant 0 : i32
      %swap3A_368 = arith.index_cast %swap3A_367 : i32 to index
      %swap3A_369 = arith.constant 48 : index
      %swap3A_370 = tpu.vector_load %arg10[%swap3A_368, %swap3A_369] {strides = array<i32>} : memref<1x128xi32, #tpu.memory_space<vmem>>, vector<1x16xi32>,
      %swap3A_371 = vector.shape_cast %swap3A_370 : vector<1x16xi32> to vector<16xi32>
      %swap3A_372 = vector.shape_cast %shift_right_logical3A_366 : vector<16xi32> to vector<1x16xi32>
      tpu.vector_store %arg10[%swap3A_368, %swap3A_369], %swap3A_372 {strides = array<i32>} : memref<1x128xi32, #tpu.memory_space<vmem>>, vector<1x16xi32>,
      %get3A_373 = arith.index_cast %select_n3A_320 : i32 to index
      %get3A_374 = arith.constant 64 : index
      %get3A_375 = tpu.vector_load %arg7[%get3A_373, %get3A_374] {strides = array<i32>} : memref<40x128xi32, #tpu.memory_space<vmem>>, vector<1x16xi32>,
      %get3A_376 = vector.shape_cast %get3A_375 : vector<1x16xi32> to vector<16xi32>
      %shift_right_logical3A_377 = arith.constant 16 : i32
      %shift_right_logical3A_378 = vector.broadcast %shift_right_logical3A_377 : i32 to vector<16xi32>
      %shift_right_logical3A_379 = arith.shrui %get3A_376, %shift_right_logical3A_378 : vector<16xi32>
      %swap3A_380 = arith.constant 0 : i32
      %swap3A_381 = arith.index_cast %swap3A_380 : i32 to index
      %swap3A_382 = arith.constant 64 : index
      %swap3A_383 = tpu.vector_load %arg10[%swap3A_381, %swap3A_382] {strides = array<i32>} : memref<1x128xi32, #tpu.memory_space<vmem>>, vector<1x16xi32>,
      %swap3A_384 = vector.shape_cast %swap3A_383 : vector<1x16xi32> to vector<16xi32>
      %swap3A_385 = vector.shape_cast %shift_right_logical3A_379 : vector<16xi32> to vector<1x16xi32>
      tpu.vector_store %arg10[%swap3A_381, %swap3A_382], %swap3A_385 {strides = array<i32>} : memref<1x128xi32, #tpu.memory_space<vmem>>, vector<1x16xi32>,
      %get3A_386 = arith.index_cast %select_n3A_320 : i32 to index
      %get3A_387 = arith.constant 80 : index
      %get3A_388 = tpu.vector_load %arg7[%get3A_386, %get3A_387] {strides = array<i32>} : memref<40x128xi32, #tpu.memory_space<vmem>>, vector<1x16xi32>,
      %get3A_389 = vector.shape_cast %get3A_388 : vector<1x16xi32> to vector<16xi32>
      %shift_right_logical3A_390 = arith.constant 16 : i32
      %shift_right_logical3A_391 = vector.broadcast %shift_right_logical3A_390 : i32 to vector<16xi32>
      %shift_right_logical3A_392 = arith.shrui %get3A_389, %shift_right_logical3A_391 : vector<16xi32>
      %swap3A_393 = arith.constant 0 : i32
      %swap3A_394 = arith.index_cast %swap3A_393 : i32 to index
      %swap3A_395 = arith.constant 80 : index
      %swap3A_396 = tpu.vector_load %arg10[%swap3A_394, %swap3A_395] {strides = array<i32>} : memref<1x128xi32, #tpu.memory_space<vmem>>, vector<1x16xi32>,
      %swap3A_397 = vector.shape_cast %swap3A_396 : vector<1x16xi32> to vector<16xi32>
      %swap3A_398 = vector.shape_cast %shift_right_logical3A_392 : vector<16xi32> to vector<1x16xi32>
      tpu.vector_store %arg10[%swap3A_394, %swap3A_395], %swap3A_398 {strides = array<i32>} : memref<1x128xi32, #tpu.memory_space<vmem>>, vector<1x16xi32>,
      %get3A_399 = arith.index_cast %select_n3A_320 : i32 to index
      %get3A_400 = arith.constant 96 : index
      %get3A_401 = tpu.vector_load %arg7[%get3A_399, %get3A_400] {strides = array<i32>} : memref<40x128xi32, #tpu.memory_space<vmem>>, vector<1x16xi32>,
      %get3A_402 = vector.shape_cast %get3A_401 : vector<1x16xi32> to vector<16xi32>
      %shift_right_logical3A_403 = arith.constant 16 : i32
      %shift_right_logical3A_404 = vector.broadcast %shift_right_logical3A_403 : i32 to vector<16xi32>
      %shift_right_logical3A_405 = arith.shrui %get3A_402, %shift_right_logical3A_404 : vector<16xi32>
      %swap3A_406 = arith.constant 0 : i32
      %swap3A_407 = arith.index_cast %swap3A_406 : i32 to index
      %swap3A_408 = arith.constant 96 : index
      %swap3A_409 = tpu.vector_load %arg10[%swap3A_407, %swap3A_408] {strides = array<i32>} : memref<1x128xi32, #tpu.memory_space<vmem>>, vector<1x16xi32>,
      %swap3A_410 = vector.shape_cast %swap3A_409 : vector<1x16xi32> to vector<16xi32>
      %swap3A_411 = vector.shape_cast %shift_right_logical3A_405 : vector<16xi32> to vector<1x16xi32>
      tpu.vector_store %arg10[%swap3A_407, %swap3A_408], %swap3A_411 {strides = array<i32>} : memref<1x128xi32, #tpu.memory_space<vmem>>, vector<1x16xi32>,
      %get3A_412 = arith.index_cast %select_n3A_320 : i32 to index
      %get3A_413 = arith.constant 112 : index
      %get3A_414 = tpu.vector_load %arg7[%get3A_412, %get3A_413] {strides = array<i32>} : memref<40x128xi32, #tpu.memory_space<vmem>>, vector<1x16xi32>,
      %get3A_415 = vector.shape_cast %get3A_414 : vector<1x16xi32> to vector<16xi32>
      %shift_right_logical3A_416 = arith.constant 16 : i32
      %shift_right_logical3A_417 = vector.broadcast %shift_right_logical3A_416 : i32 to vector<16xi32>
      %shift_right_logical3A_418 = arith.shrui %get3A_415, %shift_right_logical3A_417 : vector<16xi32>
      %swap3A_419 = arith.constant 0 : i32
      %swap3A_420 = arith.index_cast %swap3A_419 : i32 to index
      %swap3A_421 = arith.constant 112 : index
      %swap3A_422 = tpu.vector_load %arg10[%swap3A_420, %swap3A_421] {strides = array<i32>} : memref<1x128xi32, #tpu.memory_space<vmem>>, vector<1x16xi32>,
      %swap3A_423 = vector.shape_cast %swap3A_422 : vector<1x16xi32> to vector<16xi32>
      %swap3A_424 = vector.shape_cast %shift_right_logical3A_418 : vector<16xi32> to vector<1x16xi32>
      tpu.vector_store %arg10[%swap3A_420, %swap3A_421], %swap3A_424 {strides = array<i32>} : memref<1x128xi32, #tpu.memory_space<vmem>>, vector<1x16xi32>,
      %dma_start3A_425 = arith.constant 0 : i32
      %dma_start3A_426 = arith.constant 0 : i32
      %dma_start3A_427 = tpu.memref_slice %arg10[%dma_start3A_425, %dma_start3A_426] : memref<1x128xi32, #tpu.memory_space<vmem>> -> memref<1x128xi32, #tpu.memory_space<vmem>>
      %dma_start3A_428 = tpu.memref_squeeze %dma_start3A_427 : memref<1x128xi32, #tpu.memory_space<vmem>> -> memref<128xi32, #tpu.memory_space<vmem>>
      %dma_start3A_429 = arith.constant 0 : i32
      %dma_start3A_430 = arith.constant 0 : i32
      %dma_start3A_431 = tpu.memref_slice %arg2[%dma_start3A_429, %dma_start3A_430] : memref<10240x128xf32, #tpu.memory_space<hbm>> -> memref<10240x128xf32, #tpu.memory_space<hbm>>
      tpu.enqueue_indirect_dma source(%dma_start3A_431 : memref<10240x128xf32, #tpu.memory_space<hbm>>) target(%arg14 : memref<128x128xf32, #tpu.memory_space<vmem>>) offsets(%dma_start3A_428 : memref<128xi32, #tpu.memory_space<vmem>>) semaphore(%arg17 : memref<!tpu.dma_semaphore, #tpu.memory_space<semaphore_mem>>)
      %sub3A_432 = arith.constant 1 : i32
      %sub3A_433 = arith.subi %add3A_291, %sub3A_432 : i32
      %dma_wait3A_434 = arith.constant 0 : i32
      %dma_wait3A_435 = arith.constant 0 : i32
      %dma_wait3A_436 = tpu.memref_slice %arg9[%dma_wait3A_434, %dma_wait3A_435] : memref<1x128xi32, #tpu.memory_space<vmem>> -> memref<1x128xi32, #tpu.memory_space<vmem>>
      %dma_wait3A_437 = tpu.memref_squeeze %dma_wait3A_436 : memref<1x128xi32, #tpu.memory_space<vmem>> -> memref<128xi32, #tpu.memory_space<vmem>>
      %dma_wait3A_438 = arith.constant 0 : i32
      %dma_wait3A_439 = arith.constant 0 : i32
      %dma_wait3A_440 = tpu.memref_slice %arg2[%dma_wait3A_438, %dma_wait3A_439] : memref<10240x128xf32, #tpu.memory_space<hbm>> -> memref<10240x128xf32, #tpu.memory_space<hbm>>
      tpu.wait_indirect_dma semaphore(%arg16 : memref<!tpu.dma_semaphore, #tpu.memory_space<semaphore_mem>>) src(%dma_wait3A_440 : memref<10240x128xf32, #tpu.memory_space<hbm>>) dst(%arg13 : memref<128x128xf32, #tpu.memory_space<vmem>>)
      %jit3A_441 = arith.constant 2 : i32
      %div3A_442 = arith.divsi %sub3A_433, %jit3A_441 : i32
      %sign3A_443 = arith.constant 0 : i32
      %sign3A_444 = arith.cmpi sgt, %sub3A_433, %sign3A_443 : i32
      %sign3A_445 = arith.extui %sign3A_444 : i1 to i32
      %sign3A_446 = arith.constant 0 : i32
      %sign3A_447 = arith.cmpi slt, %sub3A_433, %sign3A_446 : i32
      %sign3A_448 = arith.extui %sign3A_447 : i1 to i32
      %sign3A_449 = arith.subi %sign3A_445, %sign3A_448 : i32
      %sign3A_450 = arith.constant 0 : i32
      %sign3A_451 = arith.cmpi sgt, %jit3A_441, %sign3A_450 : i32
      %sign3A_452 = arith.extui %sign3A_451 : i1 to i32
      %sign3A_453 = arith.constant 0 : i32
      %sign3A_454 = arith.cmpi slt, %jit3A_441, %sign3A_453 : i32
      %sign3A_455 = arith.extui %sign3A_454 : i1 to i32
      %sign3A_456 = arith.subi %sign3A_452, %sign3A_455 : i32
      %ne3A_457 = arith.cmpi ne, %sign3A_449, %sign3A_456 : i32
      %rem3A_458 = arith.remsi %sub3A_433, %jit3A_441 : i32
      %ne3A_459 = arith.constant 0 : i32
      %ne3A_460 = arith.cmpi ne, %rem3A_458, %ne3A_459 : i32
      %and3A_461 = arith.andi %ne3A_457, %ne3A_460 : i1
      %sub3A_462 = arith.constant 1 : i32
      %sub3A_463 = arith.subi %div3A_442, %sub3A_462 : i32
      %select_n3A_464 = arith.select %and3A_461, %sub3A_463, %div3A_442 : i32
      %get3A_465 = arith.index_cast %select_n3A_464 : i32 to index
      %get3A_466 = arith.constant 0 : index
      %get3A_467 = tpu.vector_load %arg8[%get3A_465, %get3A_466] {strides = array<i32>} : memref<40x128xi32, #tpu.memory_space<vmem>>, vector<1x16xi32>,
      %get3A_468 = vector.shape_cast %get3A_467 : vector<1x16xi32> to vector<16xi32>
      %and3A_469 = arith.constant 65535 : i32
      %and3A_470 = vector.broadcast %and3A_469 : i32 to vector<16xi32>
      %and3A_471 = arith.andi %get3A_468, %and3A_470 : vector<16xi32>
      %swap3A_472 = arith.constant 0 : i32
      %swap3A_473 = arith.index_cast %swap3A_472 : i32 to index
      %swap3A_474 = arith.constant 0 : index
      %swap3A_475 = tpu.vector_load %arg11[%swap3A_473, %swap3A_474] {strides = array<i32>} : memref<1x128xi32, #tpu.memory_space<vmem>>, vector<1x16xi32>,
      %swap3A_476 = vector.shape_cast %swap3A_475 : vector<1x16xi32> to vector<16xi32>
      %swap3A_477 = vector.shape_cast %and3A_471 : vector<16xi32> to vector<1x16xi32>
      tpu.vector_store %arg11[%swap3A_473, %swap3A_474], %swap3A_477 {strides = array<i32>} : memref<1x128xi32, #tpu.memory_space<vmem>>, vector<1x16xi32>,
      %get3A_478 = arith.index_cast %select_n3A_464 : i32 to index
      %get3A_479 = arith.constant 16 : index
      %get3A_480 = tpu.vector_load %arg8[%get3A_478, %get3A_479] {strides = array<i32>} : memref<40x128xi32, #tpu.memory_space<vmem>>, vector<1x16xi32>,
      %get3A_481 = vector.shape_cast %get3A_480 : vector<1x16xi32> to vector<16xi32>
      %and3A_482 = arith.constant 65535 : i32
      %and3A_483 = vector.broadcast %and3A_482 : i32 to vector<16xi32>
      %and3A_484 = arith.andi %get3A_481, %and3A_483 : vector<16xi32>
      %swap3A_485 = arith.constant 0 : i32
      %swap3A_486 = arith.index_cast %swap3A_485 : i32 to index
      %swap3A_487 = arith.constant 16 : index
      %swap3A_488 = tpu.vector_load %arg11[%swap3A_486, %swap3A_487] {strides = array<i32>} : memref<1x128xi32, #tpu.memory_space<vmem>>, vector<1x16xi32>,
      %swap3A_489 = vector.shape_cast %swap3A_488 : vector<1x16xi32> to vector<16xi32>
      %swap3A_490 = vector.shape_cast %and3A_484 : vector<16xi32> to vector<1x16xi32>
      tpu.vector_store %arg11[%swap3A_486, %swap3A_487], %swap3A_490 {strides = array<i32>} : memref<1x128xi32, #tpu.memory_space<vmem>>, vector<1x16xi32>,
      %get3A_491 = arith.index_cast %select_n3A_464 : i32 to index
      %get3A_492 = arith.constant 32 : index
      %get3A_493 = tpu.vector_load %arg8[%get3A_491, %get3A_492] {strides = array<i32>} : memref<40x128xi32, #tpu.memory_space<vmem>>, vector<1x16xi32>,
      %get3A_494 = vector.shape_cast %get3A_493 : vector<1x16xi32> to vector<16xi32>
      %and3A_495 = arith.constant 65535 : i32
      %and3A_496 = vector.broadcast %and3A_495 : i32 to vector<16xi32>
      %and3A_497 = arith.andi %get3A_494, %and3A_496 : vector<16xi32>
      %swap3A_498 = arith.constant 0 : i32
      %swap3A_499 = arith.index_cast %swap3A_498 : i32 to index
      %swap3A_500 = arith.constant 32 : index
      %swap3A_501 = tpu.vector_load %arg11[%swap3A_499, %swap3A_500] {strides = array<i32>} : memref<1x128xi32, #tpu.memory_space<vmem>>, vector<1x16xi32>,
      %swap3A_502 = vector.shape_cast %swap3A_501 : vector<1x16xi32> to vector<16xi32>
      %swap3A_503 = vector.shape_cast %and3A_497 : vector<16xi32> to vector<1x16xi32>
      tpu.vector_store %arg11[%swap3A_499, %swap3A_500], %swap3A_503 {strides = array<i32>} : memref<1x128xi32, #tpu.memory_space<vmem>>, vector<1x16xi32>,
      %get3A_504 = arith.index_cast %select_n3A_464 : i32 to index
      %get3A_505 = arith.constant 48 : index
      %get3A_506 = tpu.vector_load %arg8[%get3A_504, %get3A_505] {strides = array<i32>} : memref<40x128xi32, #tpu.memory_space<vmem>>, vector<1x16xi32>,
      %get3A_507 = vector.shape_cast %get3A_506 : vector<1x16xi32> to vector<16xi32>
      %and3A_508 = arith.constant 65535 : i32
      %and3A_509 = vector.broadcast %and3A_508 : i32 to vector<16xi32>
      %and3A_510 = arith.andi %get3A_507, %and3A_509 : vector<16xi32>
      %swap3A_511 = arith.constant 0 : i32
      %swap3A_512 = arith.index_cast %swap3A_511 : i32 to index
      %swap3A_513 = arith.constant 48 : index
      %swap3A_514 = tpu.vector_load %arg11[%swap3A_512, %swap3A_513] {strides = array<i32>} : memref<1x128xi32, #tpu.memory_space<vmem>>, vector<1x16xi32>,
      %swap3A_515 = vector.shape_cast %swap3A_514 : vector<1x16xi32> to vector<16xi32>
      %swap3A_516 = vector.shape_cast %and3A_510 : vector<16xi32> to vector<1x16xi32>
      tpu.vector_store %arg11[%swap3A_512, %swap3A_513], %swap3A_516 {strides = array<i32>} : memref<1x128xi32, #tpu.memory_space<vmem>>, vector<1x16xi32>,
      %get3A_517 = arith.index_cast %select_n3A_464 : i32 to index
      %get3A_518 = arith.constant 64 : index
      %get3A_519 = tpu.vector_load %arg8[%get3A_517, %get3A_518] {strides = array<i32>} : memref<40x128xi32, #tpu.memory_space<vmem>>, vector<1x16xi32>,
      %get3A_520 = vector.shape_cast %get3A_519 : vector<1x16xi32> to vector<16xi32>
      %and3A_521 = arith.constant 65535 : i32
      %and3A_522 = vector.broadcast %and3A_521 : i32 to vector<16xi32>
      %and3A_523 = arith.andi %get3A_520, %and3A_522 : vector<16xi32>
      %swap3A_524 = arith.constant 0 : i32
      %swap3A_525 = arith.index_cast %swap3A_524 : i32 to index
      %swap3A_526 = arith.constant 64 : index
      %swap3A_527 = tpu.vector_load %arg11[%swap3A_525, %swap3A_526] {strides = array<i32>} : memref<1x128xi32, #tpu.memory_space<vmem>>, vector<1x16xi32>,
      %swap3A_528 = vector.shape_cast %swap3A_527 : vector<1x16xi32> to vector<16xi32>
      %swap3A_529 = vector.shape_cast %and3A_523 : vector<16xi32> to vector<1x16xi32>
      tpu.vector_store %arg11[%swap3A_525, %swap3A_526], %swap3A_529 {strides = array<i32>} : memref<1x128xi32, #tpu.memory_space<vmem>>, vector<1x16xi32>,
      %get3A_530 = arith.index_cast %select_n3A_464 : i32 to index
      %get3A_531 = arith.constant 80 : index
      %get3A_532 = tpu.vector_load %arg8[%get3A_530, %get3A_531] {strides = array<i32>} : memref<40x128xi32, #tpu.memory_space<vmem>>, vector<1x16xi32>,
      %get3A_533 = vector.shape_cast %get3A_532 : vector<1x16xi32> to vector<16xi32>
      %and3A_534 = arith.constant 65535 : i32
      %and3A_535 = vector.broadcast %and3A_534 : i32 to vector<16xi32>
      %and3A_536 = arith.andi %get3A_533, %and3A_535 : vector<16xi32>
      %swap3A_537 = arith.constant 0 : i32
      %swap3A_538 = arith.index_cast %swap3A_537 : i32 to index
      %swap3A_539 = arith.constant 80 : index
      %swap3A_540 = tpu.vector_load %arg11[%swap3A_538, %swap3A_539] {strides = array<i32>} : memref<1x128xi32, #tpu.memory_space<vmem>>, vector<1x16xi32>,
      %swap3A_541 = vector.shape_cast %swap3A_540 : vector<1x16xi32> to vector<16xi32>
      %swap3A_542 = vector.shape_cast %and3A_536 : vector<16xi32> to vector<1x16xi32>
      tpu.vector_store %arg11[%swap3A_538, %swap3A_539], %swap3A_542 {strides = array<i32>} : memref<1x128xi32, #tpu.memory_space<vmem>>, vector<1x16xi32>,
      %get3A_543 = arith.index_cast %select_n3A_464 : i32 to index
      %get3A_544 = arith.constant 96 : index
      %get3A_545 = tpu.vector_load %arg8[%get3A_543, %get3A_544] {strides = array<i32>} : memref<40x128xi32, #tpu.memory_space<vmem>>, vector<1x16xi32>,
      %get3A_546 = vector.shape_cast %get3A_545 : vector<1x16xi32> to vector<16xi32>
      %and3A_547 = arith.constant 65535 : i32
      %and3A_548 = vector.broadcast %and3A_547 : i32 to vector<16xi32>
      %and3A_549 = arith.andi %get3A_546, %and3A_548 : vector<16xi32>
      %swap3A_550 = arith.constant 0 : i32
      %swap3A_551 = arith.index_cast %swap3A_550 : i32 to index
      %swap3A_552 = arith.constant 96 : index
      %swap3A_553 = tpu.vector_load %arg11[%swap3A_551, %swap3A_552] {strides = array<i32>} : memref<1x128xi32, #tpu.memory_space<vmem>>, vector<1x16xi32>,
      %swap3A_554 = vector.shape_cast %swap3A_553 : vector<1x16xi32> to vector<16xi32>
      %swap3A_555 = vector.shape_cast %and3A_549 : vector<16xi32> to vector<1x16xi32>
      tpu.vector_store %arg11[%swap3A_551, %swap3A_552], %swap3A_555 {strides = array<i32>} : memref<1x128xi32, #tpu.memory_space<vmem>>, vector<1x16xi32>,
      %get3A_556 = arith.index_cast %select_n3A_464 : i32 to index
      %get3A_557 = arith.constant 112 : index
      %get3A_558 = tpu.vector_load %arg8[%get3A_556, %get3A_557] {strides = array<i32>} : memref<40x128xi32, #tpu.memory_space<vmem>>, vector<1x16xi32>,
      %get3A_559 = vector.shape_cast %get3A_558 : vector<1x16xi32> to vector<16xi32>
      %and3A_560 = arith.constant 65535 : i32
      %and3A_561 = vector.broadcast %and3A_560 : i32 to vector<16xi32>
      %and3A_562 = arith.andi %get3A_559, %and3A_561 : vector<16xi32>
      %swap3A_563 = arith.constant 0 : i32
      %swap3A_564 = arith.index_cast %swap3A_563 : i32 to index
      %swap3A_565 = arith.constant 112 : index
      %swap3A_566 = tpu.vector_load %arg11[%swap3A_564, %swap3A_565] {strides = array<i32>} : memref<1x128xi32, #tpu.memory_space<vmem>>, vector<1x16xi32>,
      %swap3A_567 = vector.shape_cast %swap3A_566 : vector<1x16xi32> to vector<16xi32>
      %swap3A_568 = vector.shape_cast %and3A_562 : vector<16xi32> to vector<1x16xi32>
      tpu.vector_store %arg11[%swap3A_564, %swap3A_565], %swap3A_568 {strides = array<i32>} : memref<1x128xi32, #tpu.memory_space<vmem>>, vector<1x16xi32>,
      %dma_start3A_569 = arith.constant 0 : i32
      %dma_start3A_570 = arith.constant 0 : i32
      %dma_start3A_571 = tpu.memref_slice %arg11[%dma_start3A_569, %dma_start3A_570] : memref<1x128xi32, #tpu.memory_space<vmem>> -> memref<1x128xi32, #tpu.memory_space<vmem>>
      %dma_start3A_572 = tpu.memref_squeeze %dma_start3A_571 : memref<1x128xi32, #tpu.memory_space<vmem>> -> memref<128xi32, #tpu.memory_space<vmem>>
      %dma_start3A_573 = arith.constant 0 : i32
      %dma_start3A_574 = arith.constant 0 : i32
      %dma_start3A_575 = tpu.memref_slice %arg15[%dma_start3A_573, %dma_start3A_574] : memref<10240x128xf32, #tpu.memory_space<vmem_shared>> -> memref<10240x128xf32, #tpu.memory_space<vmem_shared>>
      tpu.enqueue_indirect_dma source(%arg13 : memref<128x128xf32, #tpu.memory_space<vmem>>) target(%dma_start3A_575 : memref<10240x128xf32, #tpu.memory_space<vmem_shared>>) offsets(%dma_start3A_572 : memref<128xi32, #tpu.memory_space<vmem>>) semaphore(%arg18 : memref<!tpu.dma_semaphore, #tpu.memory_space<semaphore_mem>>) {add = true}
    }
    %scan3A_6 = arith.constant 40 : i32
    %dma_wait3A = arith.constant 0 : i32
    %dma_wait3A_7 = arith.constant 0 : i32
    %dma_wait3A_8 = tpu.memref_slice %arg10[%dma_wait3A, %dma_wait3A_7] : memref<1x128xi32, #tpu.memory_space<vmem>> -> memref<1x128xi32, #tpu.memory_space<vmem>>
    %dma_wait3A_9 = tpu.memref_squeeze %dma_wait3A_8 : memref<1x128xi32, #tpu.memory_space<vmem>> -> memref<128xi32, #tpu.memory_space<vmem>>
    %dma_wait3A_10 = arith.constant 0 : i32
    %dma_wait3A_11 = arith.constant 0 : i32
    %dma_wait3A_12 = tpu.memref_slice %arg2[%dma_wait3A_10, %dma_wait3A_11] : memref<10240x128xf32, #tpu.memory_space<hbm>> -> memref<10240x128xf32, #tpu.memory_space<hbm>>
    tpu.wait_indirect_dma semaphore(%arg17 : memref<!tpu.dma_semaphore, #tpu.memory_space<semaphore_mem>>) src(%dma_wait3A_12 : memref<10240x128xf32, #tpu.memory_space<hbm>>) dst(%arg14 : memref<128x128xf32, #tpu.memory_space<vmem>>)
    %get3A = arith.constant 39 : i32
    %get3A_13 = arith.index_cast %get3A : i32 to index
    %get3A_14 = arith.constant 0 : index
    %get3A_15 = tpu.vector_load %arg8[%get3A_13, %get3A_14] {strides = array<i32>} : memref<40x128xi32, #tpu.memory_space<vmem>>, vector<1x16xi32>,
    %get3A_16 = vector.shape_cast %get3A_15 : vector<1x16xi32> to vector<16xi32>
    %shift_right_logical3A = arith.constant 16 : i32
    %shift_right_logical3A_17 = vector.broadcast %shift_right_logical3A : i32 to vector<16xi32>
    %shift_right_logical3A_18 = arith.shrui %get3A_16, %shift_right_logical3A_17 : vector<16xi32>
    %swap3A = arith.constant 0 : i32
    %swap3A_19 = arith.index_cast %swap3A : i32 to index
    %swap3A_20 = arith.constant 0 : index
    %swap3A_21 = tpu.vector_load %arg12[%swap3A_19, %swap3A_20] {strides = array<i32>} : memref<1x128xi32, #tpu.memory_space<vmem>>, vector<1x16xi32>,
    %swap3A_22 = vector.shape_cast %swap3A_21 : vector<1x16xi32> to vector<16xi32>
    %swap3A_23 = vector.shape_cast %shift_right_logical3A_18 : vector<16xi32> to vector<1x16xi32>
    tpu.vector_store %arg12[%swap3A_19, %swap3A_20], %swap3A_23 {strides = array<i32>} : memref<1x128xi32, #tpu.memory_space<vmem>>, vector<1x16xi32>,
    %get3A_24 = arith.constant 39 : i32
    %get3A_25 = arith.index_cast %get3A_24 : i32 to index
    %get3A_26 = arith.constant 16 : index
    %get3A_27 = tpu.vector_load %arg8[%get3A_25, %get3A_26] {strides = array<i32>} : memref<40x128xi32, #tpu.memory_space<vmem>>, vector<1x16xi32>,
    %get3A_28 = vector.shape_cast %get3A_27 : vector<1x16xi32> to vector<16xi32>
    %shift_right_logical3A_29 = arith.constant 16 : i32
    %shift_right_logical3A_30 = vector.broadcast %shift_right_logical3A_29 : i32 to vector<16xi32>
    %shift_right_logical3A_31 = arith.shrui %get3A_28, %shift_right_logical3A_30 : vector<16xi32>
    %swap3A_32 = arith.constant 0 : i32
    %swap3A_33 = arith.index_cast %swap3A_32 : i32 to index
    %swap3A_34 = arith.constant 16 : index
    %swap3A_35 = tpu.vector_load %arg12[%swap3A_33, %swap3A_34] {strides = array<i32>} : memref<1x128xi32, #tpu.memory_space<vmem>>, vector<1x16xi32>,
    %swap3A_36 = vector.shape_cast %swap3A_35 : vector<1x16xi32> to vector<16xi32>
    %swap3A_37 = vector.shape_cast %shift_right_logical3A_31 : vector<16xi32> to vector<1x16xi32>
    tpu.vector_store %arg12[%swap3A_33, %swap3A_34], %swap3A_37 {strides = array<i32>} : memref<1x128xi32, #tpu.memory_space<vmem>>, vector<1x16xi32>,
    %get3A_38 = arith.constant 39 : i32
    %get3A_39 = arith.index_cast %get3A_38 : i32 to index
    %get3A_40 = arith.constant 32 : index
    %get3A_41 = tpu.vector_load %arg8[%get3A_39, %get3A_40] {strides = array<i32>} : memref<40x128xi32, #tpu.memory_space<vmem>>, vector<1x16xi32>,
    %get3A_42 = vector.shape_cast %get3A_41 : vector<1x16xi32> to vector<16xi32>
    %shift_right_logical3A_43 = arith.constant 16 : i32
    %shift_right_logical3A_44 = vector.broadcast %shift_right_logical3A_43 : i32 to vector<16xi32>
    %shift_right_logical3A_45 = arith.shrui %get3A_42, %shift_right_logical3A_44 : vector<16xi32>
    %swap3A_46 = arith.constant 0 : i32
    %swap3A_47 = arith.index_cast %swap3A_46 : i32 to index
    %swap3A_48 = arith.constant 32 : index
    %swap3A_49 = tpu.vector_load %arg12[%swap3A_47, %swap3A_48] {strides = array<i32>} : memref<1x128xi32, #tpu.memory_space<vmem>>, vector<1x16xi32>,
    %swap3A_50 = vector.shape_cast %swap3A_49 : vector<1x16xi32> to vector<16xi32>
    %swap3A_51 = vector.shape_cast %shift_right_logical3A_45 : vector<16xi32> to vector<1x16xi32>
    tpu.vector_store %arg12[%swap3A_47, %swap3A_48], %swap3A_51 {strides = array<i32>} : memref<1x128xi32, #tpu.memory_space<vmem>>, vector<1x16xi32>,
    %get3A_52 = arith.constant 39 : i32
    %get3A_53 = arith.index_cast %get3A_52 : i32 to index
    %get3A_54 = arith.constant 48 : index
    %get3A_55 = tpu.vector_load %arg8[%get3A_53, %get3A_54] {strides = array<i32>} : memref<40x128xi32, #tpu.memory_space<vmem>>, vector<1x16xi32>,
    %get3A_56 = vector.shape_cast %get3A_55 : vector<1x16xi32> to vector<16xi32>
    %shift_right_logical3A_57 = arith.constant 16 : i32
    %shift_right_logical3A_58 = vector.broadcast %shift_right_logical3A_57 : i32 to vector<16xi32>
    %shift_right_logical3A_59 = arith.shrui %get3A_56, %shift_right_logical3A_58 : vector<16xi32>
    %swap3A_60 = arith.constant 0 : i32
    %swap3A_61 = arith.index_cast %swap3A_60 : i32 to index
    %swap3A_62 = arith.constant 48 : index
    %swap3A_63 = tpu.vector_load %arg12[%swap3A_61, %swap3A_62] {strides = array<i32>} : memref<1x128xi32, #tpu.memory_space<vmem>>, vector<1x16xi32>,
    %swap3A_64 = vector.shape_cast %swap3A_63 : vector<1x16xi32> to vector<16xi32>
    %swap3A_65 = vector.shape_cast %shift_right_logical3A_59 : vector<16xi32> to vector<1x16xi32>
    tpu.vector_store %arg12[%swap3A_61, %swap3A_62], %swap3A_65 {strides = array<i32>} : memref<1x128xi32, #tpu.memory_space<vmem>>, vector<1x16xi32>,
    %get3A_66 = arith.constant 39 : i32
    %get3A_67 = arith.index_cast %get3A_66 : i32 to index
    %get3A_68 = arith.constant 64 : index
    %get3A_69 = tpu.vector_load %arg8[%get3A_67, %get3A_68] {strides = array<i32>} : memref<40x128xi32, #tpu.memory_space<vmem>>, vector<1x16xi32>,
    %get3A_70 = vector.shape_cast %get3A_69 : vector<1x16xi32> to vector<16xi32>
    %shift_right_logical3A_71 = arith.constant 16 : i32
    %shift_right_logical3A_72 = vector.broadcast %shift_right_logical3A_71 : i32 to vector<16xi32>
    %shift_right_logical3A_73 = arith.shrui %get3A_70, %shift_right_logical3A_72 : vector<16xi32>
    %swap3A_74 = arith.constant 0 : i32
    %swap3A_75 = arith.index_cast %swap3A_74 : i32 to index
    %swap3A_76 = arith.constant 64 : index
    %swap3A_77 = tpu.vector_load %arg12[%swap3A_75, %swap3A_76] {strides = array<i32>} : memref<1x128xi32, #tpu.memory_space<vmem>>, vector<1x16xi32>,
    %swap3A_78 = vector.shape_cast %swap3A_77 : vector<1x16xi32> to vector<16xi32>
    %swap3A_79 = vector.shape_cast %shift_right_logical3A_73 : vector<16xi32> to vector<1x16xi32>
    tpu.vector_store %arg12[%swap3A_75, %swap3A_76], %swap3A_79 {strides = array<i32>} : memref<1x128xi32, #tpu.memory_space<vmem>>, vector<1x16xi32>,
    %get3A_80 = arith.constant 39 : i32
    %get3A_81 = arith.index_cast %get3A_80 : i32 to index
    %get3A_82 = arith.constant 80 : index
    %get3A_83 = tpu.vector_load %arg8[%get3A_81, %get3A_82] {strides = array<i32>} : memref<40x128xi32, #tpu.memory_space<vmem>>, vector<1x16xi32>,
    %get3A_84 = vector.shape_cast %get3A_83 : vector<1x16xi32> to vector<16xi32>
    %shift_right_logical3A_85 = arith.constant 16 : i32
    %shift_right_logical3A_86 = vector.broadcast %shift_right_logical3A_85 : i32 to vector<16xi32>
    %shift_right_logical3A_87 = arith.shrui %get3A_84, %shift_right_logical3A_86 : vector<16xi32>
    %swap3A_88 = arith.constant 0 : i32
    %swap3A_89 = arith.index_cast %swap3A_88 : i32 to index
    %swap3A_90 = arith.constant 80 : index
    %swap3A_91 = tpu.vector_load %arg12[%swap3A_89, %swap3A_90] {strides = array<i32>} : memref<1x128xi32, #tpu.memory_space<vmem>>, vector<1x16xi32>,
    %swap3A_92 = vector.shape_cast %swap3A_91 : vector<1x16xi32> to vector<16xi32>
    %swap3A_93 = vector.shape_cast %shift_right_logical3A_87 : vector<16xi32> to vector<1x16xi32>
    tpu.vector_store %arg12[%swap3A_89, %swap3A_90], %swap3A_93 {strides = array<i32>} : memref<1x128xi32, #tpu.memory_space<vmem>>, vector<1x16xi32>,
    %get3A_94 = arith.constant 39 : i32
    %get3A_95 = arith.index_cast %get3A_94 : i32 to index
    %get3A_96 = arith.constant 96 : index
    %get3A_97 = tpu.vector_load %arg8[%get3A_95, %get3A_96] {strides = array<i32>} : memref<40x128xi32, #tpu.memory_space<vmem>>, vector<1x16xi32>,
    %get3A_98 = vector.shape_cast %get3A_97 : vector<1x16xi32> to vector<16xi32>
    %shift_right_logical3A_99 = arith.constant 16 : i32
    %shift_right_logical3A_100 = vector.broadcast %shift_right_logical3A_99 : i32 to vector<16xi32>
    %shift_right_logical3A_101 = arith.shrui %get3A_98, %shift_right_logical3A_100 : vector<16xi32>
    %swap3A_102 = arith.constant 0 : i32
    %swap3A_103 = arith.index_cast %swap3A_102 : i32 to index
    %swap3A_104 = arith.constant 96 : index
    %swap3A_105 = tpu.vector_load %arg12[%swap3A_103, %swap3A_104] {strides = array<i32>} : memref<1x128xi32, #tpu.memory_space<vmem>>, vector<1x16xi32>,
    %swap3A_106 = vector.shape_cast %swap3A_105 : vector<1x16xi32> to vector<16xi32>
    %swap3A_107 = vector.shape_cast %shift_right_logical3A_101 : vector<16xi32> to vector<1x16xi32>
    tpu.vector_store %arg12[%swap3A_103, %swap3A_104], %swap3A_107 {strides = array<i32>} : memref<1x128xi32, #tpu.memory_space<vmem>>, vector<1x16xi32>,
    %get3A_108 = arith.constant 39 : i32
    %get3A_109 = arith.index_cast %get3A_108 : i32 to index
    %get3A_110 = arith.constant 112 : index
    %get3A_111 = tpu.vector_load %arg8[%get3A_109, %get3A_110] {strides = array<i32>} : memref<40x128xi32, #tpu.memory_space<vmem>>, vector<1x16xi32>,
    %get3A_112 = vector.shape_cast %get3A_111 : vector<1x16xi32> to vector<16xi32>
    %shift_right_logical3A_113 = arith.constant 16 : i32
    %shift_right_logical3A_114 = vector.broadcast %shift_right_logical3A_113 : i32 to vector<16xi32>
    %shift_right_logical3A_115 = arith.shrui %get3A_112, %shift_right_logical3A_114 : vector<16xi32>
    %swap3A_116 = arith.constant 0 : i32
    %swap3A_117 = arith.index_cast %swap3A_116 : i32 to index
    %swap3A_118 = arith.constant 112 : index
    %swap3A_119 = tpu.vector_load %arg12[%swap3A_117, %swap3A_118] {strides = array<i32>} : memref<1x128xi32, #tpu.memory_space<vmem>>, vector<1x16xi32>,
    %swap3A_120 = vector.shape_cast %swap3A_119 : vector<1x16xi32> to vector<16xi32>
    %swap3A_121 = vector.shape_cast %shift_right_logical3A_115 : vector<16xi32> to vector<1x16xi32>
    tpu.vector_store %arg12[%swap3A_117, %swap3A_118], %swap3A_121 {strides = array<i32>} : memref<1x128xi32, #tpu.memory_space<vmem>>, vector<1x16xi32>,
    %dma_start3A = arith.constant 0 : i32
    %dma_start3A_122 = arith.constant 0 : i32
    %dma_start3A_123 = tpu.memref_slice %arg12[%dma_start3A, %dma_start3A_122] : memref<1x128xi32, #tpu.memory_space<vmem>> -> memref<1x128xi32, #tpu.memory_space<vmem>>
    %dma_start3A_124 = tpu.memref_squeeze %dma_start3A_123 : memref<1x128xi32, #tpu.memory_space<vmem>> -> memref<128xi32, #tpu.memory_space<vmem>>
    %dma_start3A_125 = arith.constant 0 : i32
    %dma_start3A_126 = arith.constant 0 : i32
    %dma_start3A_127 = tpu.memref_slice %arg15[%dma_start3A_125, %dma_start3A_126] : memref<10240x128xf32, #tpu.memory_space<vmem_shared>> -> memref<10240x128xf32, #tpu.memory_space<vmem_shared>>
    tpu.enqueue_indirect_dma source(%arg14 : memref<128x128xf32, #tpu.memory_space<vmem>>) target(%dma_start3A_127 : memref<10240x128xf32, #tpu.memory_space<vmem_shared>>) offsets(%dma_start3A_124 : memref<128xi32, #tpu.memory_space<vmem>>) semaphore(%arg19 : memref<!tpu.dma_semaphore, #tpu.memory_space<semaphore_mem>>) {add = true}
    %dma_wait3A_128 = arith.constant 0 : i32
    %dma_wait3A_129 = arith.constant 0 : i32
    %dma_wait3A_130 = tpu.memref_slice %arg11[%dma_wait3A_128, %dma_wait3A_129] : memref<1x128xi32, #tpu.memory_space<vmem>> -> memref<1x128xi32, #tpu.memory_space<vmem>>
    %dma_wait3A_131 = tpu.memref_squeeze %dma_wait3A_130 : memref<1x128xi32, #tpu.memory_space<vmem>> -> memref<128xi32, #tpu.memory_space<vmem>>
    %dma_wait3A_132 = arith.constant 0 : i32
    %dma_wait3A_133 = arith.constant 0 : i32
    %dma_wait3A_134 = tpu.memref_slice %arg15[%dma_wait3A_132, %dma_wait3A_133] : memref<10240x128xf32, #tpu.memory_space<vmem_shared>> -> memref<10240x128xf32, #tpu.memory_space<vmem_shared>>
    tpu.wait_indirect_dma semaphore(%arg18 : memref<!tpu.dma_semaphore, #tpu.memory_space<semaphore_mem>>) src(%arg13 : memref<128x128xf32, #tpu.memory_space<vmem>>) dst(%dma_wait3A_134 : memref<10240x128xf32, #tpu.memory_space<vmem_shared>>)
    %dma_wait3A_135 = arith.constant 0 : i32
    %dma_wait3A_136 = arith.constant 0 : i32
    %dma_wait3A_137 = tpu.memref_slice %arg12[%dma_wait3A_135, %dma_wait3A_136] : memref<1x128xi32, #tpu.memory_space<vmem>> -> memref<1x128xi32, #tpu.memory_space<vmem>>
    %dma_wait3A_138 = tpu.memref_squeeze %dma_wait3A_137 : memref<1x128xi32, #tpu.memory_space<vmem>> -> memref<128xi32, #tpu.memory_space<vmem>>
    %dma_wait3A_139 = arith.constant 0 : i32
    %dma_wait3A_140 = arith.constant 0 : i32
    %dma_wait3A_141 = tpu.memref_slice %arg15[%dma_wait3A_139, %dma_wait3A_140] : memref<10240x128xf32, #tpu.memory_space<vmem_shared>> -> memref<10240x128xf32, #tpu.memory_space<vmem_shared>>
    tpu.wait_indirect_dma semaphore(%arg19 : memref<!tpu.dma_semaphore, #tpu.memory_space<semaphore_mem>>) src(%arg14 : memref<128x128xf32, #tpu.memory_space<vmem>>) dst(%dma_wait3A_141 : memref<10240x128xf32, #tpu.memory_space<vmem_shared>>)
    %barrier3A_142 = arith.constant 0 : index
    tpu.barrier barrier_id(%barrier3A_142)
    %mul3A = arith.constant 640 : i32
    %mul3A_143 = arith.muli %arg1, %mul3A : i32
    %mul3A_144 = arith.constant 640 : i32
    %mul3A_145 = arith.muli %arg1, %mul3A_144 : i32
    "tpu.region"() ({
      %run_scoped3A = tpu.sem_alloc : memref<!tpu.dma_semaphore, #tpu.memory_space<semaphore_mem>>
      %dma_start3A_146 = arith.constant 0 : i32
      %dma_start3A_147 = tpu.memref_slice %arg6[%arg0, %mul3A_145, %dma_start3A_146] : memref<2x10240x128xf32, #tpu.memory_space<hbm>> -> memref<1x640x128xf32, #tpu.memory_space<hbm>>
      %dma_start3A_148 = tpu.memref_squeeze %dma_start3A_147 : memref<1x640x128xf32, #tpu.memory_space<hbm>> -> memref<640x128xf32, #tpu.memory_space<hbm>>
      %dma_start3A_149 = arith.constant 0 : i32
      %dma_start3A_150 = tpu.memref_slice %arg15[%mul3A_143, %dma_start3A_149] : memref<10240x128xf32, #tpu.memory_space<vmem_shared>> -> memref<640x128xf32, #tpu.memory_space<vmem_shared>>
      tpu.enqueue_dma source(%dma_start3A_150 : memref<640x128xf32, #tpu.memory_space<vmem_shared>>) target(%dma_start3A_148 : memref<640x128xf32, #tpu.memory_space<hbm>>) target_semaphore(%run_scoped3A : memref<!tpu.dma_semaphore, #tpu.memory_space<semaphore_mem>>)
      %dma_wait3A_151 = arith.constant 0 : i32
      %dma_wait3A_152 = tpu.memref_slice %arg6[%arg0, %mul3A_145, %dma_wait3A_151] : memref<2x10240x128xf32, #tpu.memory_space<hbm>> -> memref<1x640x128xf32, #tpu.memory_space<hbm>>
      %dma_wait3A_153 = tpu.memref_squeeze %dma_wait3A_152 : memref<1x640x128xf32, #tpu.memory_space<hbm>> -> memref<640x128xf32, #tpu.memory_space<hbm>>
      %dma_wait3A_154 = arith.constant 0 : i32
      %dma_wait3A_155 = tpu.memref_slice %arg15[%mul3A_143, %dma_wait3A_154] : memref<10240x128xf32, #tpu.memory_space<vmem_shared>> -> memref<640x128xf32, #tpu.memory_space<vmem_shared>>
      tpu.wait_dma2 semaphore(%run_scoped3A : memref<!tpu.dma_semaphore, #tpu.memory_space<semaphore_mem>>) src(%dma_wait3A_155 : memref<640x128xf32, #tpu.memory_space<vmem_shared>>) dst(%dma_wait3A_153 : memref<640x128xf32, #tpu.memory_space<hbm>>)
      tpu.yield
    }) : () -> ()
    return
  }
}

module attributes {stable_mosaic.version = 14 : i64} {
  func.func @_mm3_body(%arg0: i32, %arg1: memref<1280x128xf32, #tpu.memory_space<vmem>>, %arg2: memref<128x128xf32, #tpu.memory_space<vmem>>, %arg3: memref<128x128xf32, #tpu.memory_space<vmem>>, %arg4: memref<128x128xf32, #tpu.memory_space<vmem>>, %arg5: memref<1280x128xf32, #tpu.memory_space<vmem>>, %arg6: memref<1280x128xf32, #tpu.memory_space<vmem>>, %arg7: memref<1280x128xf32, #tpu.memory_space<vmem>>) attributes {dimension_semantics = [#tpu.dimension_semantics<arbitrary>], iteration_bounds = array<i64: 8>, scalar_prefetch = 0 : i64, scratch_operands = 0 : i64, tpu.core_type = #tpu.core_type<tc>, window_params = [{transform_indices = @transform_0, window_bounds = array<i64: 1280, 128>}, {pipeline_mode = #tpu.pipeline_mode<synchronous>, transform_indices = @transform_1, window_bounds = array<i64: 128, 128>}, {pipeline_mode = #tpu.pipeline_mode<synchronous>, transform_indices = @transform_2, window_bounds = array<i64: 128, 128>}, {pipeline_mode = #tpu.pipeline_mode<synchronous>, transform_indices = @transform_3, window_bounds = array<i64: 128, 128>}, {transform_indices = @transform_4, window_bounds = array<i64: 1280, 128>}, {transform_indices = @transform_5, window_bounds = array<i64: 1280, 128>}, {transform_indices = @transform_6, window_bounds = array<i64: 1280, 128>}]} {
    %get3A = arith.constant 0 : index
    %get3A_0 = arith.constant 0 : index
    %get3A_1 = vector.load %arg1[%get3A, %get3A_0] : memref<1280x128xf32, #tpu.memory_space<vmem>>, vector<1280x128xf32>
    %get3A_2 = arith.constant 0 : index
    %get3A_3 = arith.constant 0 : index
    %get3A_4 = vector.load %arg2[%get3A_2, %get3A_3] : memref<128x128xf32, #tpu.memory_space<vmem>>, vector<128x128xf32>
    %dot_general3A = arith.constant dense<0.000000e+00> : vector<1280x128xf32>
    %dot_general3A_5 = tpu.matmul %get3A_1, %get3A_4, %dot_general3A {dimension_numbers = #tpu.dot_dimension_numbers<[1], [0], [0], [1], [0, 0, 1, 1], [], []>, transpose_lhs_hint = false} : vector<1280x128xf32>, vector<128x128xf32>, vector<1280x128xf32> -> vector<1280x128xf32>
    %swap3A = arith.constant 0 : index
    %swap3A_6 = arith.constant 0 : index
    %swap3A_7 = vector.load %arg5[%swap3A, %swap3A_6] : memref<1280x128xf32, #tpu.memory_space<vmem>>, vector<1280x128xf32>
    tpu.vector_store %arg5[%swap3A, %swap3A_6], %dot_general3A_5 {strides = array<i32>} : memref<1280x128xf32, #tpu.memory_space<vmem>>, vector<1280x128xf32>,
    %get3A_8 = arith.constant 0 : index
    %get3A_9 = arith.constant 0 : index
    %get3A_10 = vector.load %arg3[%get3A_8, %get3A_9] : memref<128x128xf32, #tpu.memory_space<vmem>>, vector<128x128xf32>
    %dot_general3A_11 = arith.constant dense<0.000000e+00> : vector<1280x128xf32>
    %dot_general3A_12 = tpu.matmul %get3A_1, %get3A_10, %dot_general3A_11 {dimension_numbers = #tpu.dot_dimension_numbers<[1], [0], [0], [1], [0, 0, 1, 1], [], []>, transpose_lhs_hint = false} : vector<1280x128xf32>, vector<128x128xf32>, vector<1280x128xf32> -> vector<1280x128xf32>
    %swap3A_13 = arith.constant 0 : index
    %swap3A_14 = arith.constant 0 : index
    %swap3A_15 = vector.load %arg6[%swap3A_13, %swap3A_14] : memref<1280x128xf32, #tpu.memory_space<vmem>>, vector<1280x128xf32>
    tpu.vector_store %arg6[%swap3A_13, %swap3A_14], %dot_general3A_12 {strides = array<i32>} : memref<1280x128xf32, #tpu.memory_space<vmem>>, vector<1280x128xf32>,
    %get3A_16 = arith.constant 0 : index
    %get3A_17 = arith.constant 0 : index
    %get3A_18 = vector.load %arg4[%get3A_16, %get3A_17] : memref<128x128xf32, #tpu.memory_space<vmem>>, vector<128x128xf32>
    %dot_general3A_19 = arith.constant dense<0.000000e+00> : vector<1280x128xf32>
    %dot_general3A_20 = tpu.matmul %get3A_1, %get3A_18, %dot_general3A_19 {dimension_numbers = #tpu.dot_dimension_numbers<[1], [0], [0], [1], [0, 0, 1, 1], [], []>, transpose_lhs_hint = false} : vector<1280x128xf32>, vector<128x128xf32>, vector<1280x128xf32> -> vector<1280x128xf32>
    %swap3A_21 = arith.constant 0 : index
    %swap3A_22 = arith.constant 0 : index
    %swap3A_23 = vector.load %arg7[%swap3A_21, %swap3A_22] : memref<1280x128xf32, #tpu.memory_space<vmem>>, vector<1280x128xf32>
    tpu.vector_store %arg7[%swap3A_21, %swap3A_22], %dot_general3A_20 {strides = array<i32>} : memref<1280x128xf32, #tpu.memory_space<vmem>>, vector<1280x128xf32>,
    return
  }
  func.func @transform_0(%arg0: i32) -> (i32, i32) {
    %c0_i32 = arith.constant 0 : i32
    %c0_i32_0 = arith.constant 0 : i32
    return %arg0, %c0_i32 : i32, i32
  }
  func.func @transform_1(%arg0: i32) -> (i32, i32) {
    %c0_i32 = arith.constant 0 : i32
    %c0_i32_0 = arith.constant 0 : i32
    %c0_i32_1 = arith.constant 0 : i32
    return %c0_i32, %c0_i32_0 : i32, i32
  }
  func.func @transform_2(%arg0: i32) -> (i32, i32) {
    %c0_i32 = arith.constant 0 : i32
    %c0_i32_0 = arith.constant 0 : i32
    %c0_i32_1 = arith.constant 0 : i32
    return %c0_i32, %c0_i32_0 : i32, i32
  }
  func.func @transform_3(%arg0: i32) -> (i32, i32) {
    %c0_i32 = arith.constant 0 : i32
    %c0_i32_0 = arith.constant 0 : i32
    %c0_i32_1 = arith.constant 0 : i32
    return %c0_i32, %c0_i32_0 : i32, i32
  }
  func.func @transform_4(%arg0: i32) -> (i32, i32) {
    %c0_i32 = arith.constant 0 : i32
    %c0_i32_0 = arith.constant 0 : i32
    return %arg0, %c0_i32 : i32, i32
  }
  func.func @transform_5(%arg0: i32) -> (i32, i32) {
    %c0_i32 = arith.constant 0 : i32
    %c0_i32_0 = arith.constant 0 : i32
    return %arg0, %c0_i32 : i32, i32
  }
  func.func @transform_6(%arg0: i32) -> (i32, i32) {
    %c0_i32 = arith.constant 0 : i32
    %c0_i32_0 = arith.constant 0 : i32
    return %arg0, %c0_i32 : i32, i32
  }
}

module attributes {stable_mosaic.version = 14 : i64} {
  func.func @_combine_mm_body(%arg0: i32, %arg1: memref<2x1280x128xf32, #tpu.memory_space<vmem>>, %arg2: memref<1280x128xf32, #tpu.memory_space<vmem>>, %arg3: memref<1x128xf32, #tpu.memory_space<vmem>>, %arg4: memref<128x128xf32, #tpu.memory_space<vmem>>, %arg5: memref<1280x128xf32, #tpu.memory_space<vmem>>) attributes {dimension_semantics = [#tpu.dimension_semantics<arbitrary>], iteration_bounds = array<i64: 8>, scalar_prefetch = 0 : i64, scratch_operands = 0 : i64, tpu.core_type = #tpu.core_type<tc>, window_params = [{transform_indices = @transform_0, window_bounds = array<i64: 2, 1280, 128>}, {transform_indices = @transform_1, window_bounds = array<i64: 1280, 128>}, {pipeline_mode = #tpu.pipeline_mode<synchronous>, transform_indices = @transform_2, window_bounds = array<i64: 1, 128>}, {pipeline_mode = #tpu.pipeline_mode<synchronous>, transform_indices = @transform_3, window_bounds = array<i64: 128, 128>}, {transform_indices = @transform_4, window_bounds = array<i64: 1280, 128>}]} {
    %get3A = arith.constant 0 : index
    %get3A_0 = arith.constant 0 : index
    %get3A_1 = arith.constant 0 : index
    %get3A_2 = vector.load %arg1[%get3A, %get3A_0, %get3A_1] : memref<2x1280x128xf32, #tpu.memory_space<vmem>>, vector<1x1280x128xf32>
    %get3A_3 = vector.shape_cast %get3A_2 : vector<1x1280x128xf32> to vector<1280x128xf32>
    %get3A_4 = arith.constant 1 : index
    %get3A_5 = arith.constant 0 : index
    %get3A_6 = arith.constant 0 : index
    %get3A_7 = vector.load %arg1[%get3A_4, %get3A_5, %get3A_6] : memref<2x1280x128xf32, #tpu.memory_space<vmem>>, vector<1x1280x128xf32>
    %get3A_8 = vector.shape_cast %get3A_7 : vector<1x1280x128xf32> to vector<1280x128xf32>
    %add3A = arith.addf %get3A_3, %get3A_8 : vector<1280x128xf32>
    %get3A_9 = arith.constant 0 : index
    %get3A_10 = arith.constant 0 : index
    %get3A_11 = vector.load %arg2[%get3A_9, %get3A_10] : memref<1280x128xf32, #tpu.memory_space<vmem>>, vector<1280x128xf32>
    %add3A_12 = arith.addf %add3A, %get3A_11 : vector<1280x128xf32>
    %get3A_13 = arith.constant 0 : index
    %get3A_14 = arith.constant 0 : index
    %get3A_15 = vector.load %arg3[%get3A_13, %get3A_14] : memref<1x128xf32, #tpu.memory_space<vmem>>, vector<1x128xf32>
    %add3A_16 = vector.broadcast %get3A_15 : vector<1x128xf32> to vector<1280x128xf32>
    %add3A_17 = arith.addf %add3A_12, %add3A_16 : vector<1280x128xf32>
    %max3A = arith.constant 0.000000e+00 : f32
    %max3A_18 = vector.broadcast %max3A : f32 to vector<1280x128xf32>
    %max3A_19 = arith.maximumf %add3A_17, %max3A_18 : vector<1280x128xf32>
    %get3A_20 = arith.constant 0 : index
    %get3A_21 = arith.constant 0 : index
    %get3A_22 = vector.load %arg4[%get3A_20, %get3A_21] : memref<128x128xf32, #tpu.memory_space<vmem>>, vector<128x128xf32>
    %dot_general3A = arith.constant dense<0.000000e+00> : vector<1280x128xf32>
    %dot_general3A_23 = tpu.matmul %max3A_19, %get3A_22, %dot_general3A {dimension_numbers = #tpu.dot_dimension_numbers<[1], [0], [0], [1], [0, 0, 1, 1], [], []>, transpose_lhs_hint = false} : vector<1280x128xf32>, vector<128x128xf32>, vector<1280x128xf32> -> vector<1280x128xf32>
    %swap3A = arith.constant 0 : index
    %swap3A_24 = arith.constant 0 : index
    %swap3A_25 = vector.load %arg5[%swap3A, %swap3A_24] : memref<1280x128xf32, #tpu.memory_space<vmem>>, vector<1280x128xf32>
    tpu.vector_store %arg5[%swap3A, %swap3A_24], %dot_general3A_23 {strides = array<i32>} : memref<1280x128xf32, #tpu.memory_space<vmem>>, vector<1280x128xf32>,
    return
  }
  func.func @transform_0(%arg0: i32) -> (i32, i32, i32) {
    %c0_i32 = arith.constant 0 : i32
    %c0_i32_0 = arith.constant 0 : i32
    %c0_i32_1 = arith.constant 0 : i32
    return %c0_i32, %arg0, %c0_i32_0 : i32, i32, i32
  }
  func.func @transform_1(%arg0: i32) -> (i32, i32) {
    %c0_i32 = arith.constant 0 : i32
    %c0_i32_0 = arith.constant 0 : i32
    return %arg0, %c0_i32 : i32, i32
  }
  func.func @transform_2(%arg0: i32) -> (i32, i32) {
    %c0_i32 = arith.constant 0 : i32
    %c0_i32_0 = arith.constant 0 : i32
    %c0_i32_1 = arith.constant 0 : i32
    return %c0_i32, %c0_i32_0 : i32, i32
  }
  func.func @transform_3(%arg0: i32) -> (i32, i32) {
    %c0_i32 = arith.constant 0 : i32
    %c0_i32_0 = arith.constant 0 : i32
    %c0_i32_1 = arith.constant 0 : i32
    return %c0_i32, %c0_i32_0 : i32, i32
  }
  func.func @transform_4(%arg0: i32) -> (i32, i32) {
    %c0_i32 = arith.constant 0 : i32
    %c0_i32_0 = arith.constant 0 : i32
    return %arg0, %c0_i32 : i32, i32
  }
}

module attributes {stable_mosaic.version = 14 : i64} {
  func.func @_combine_body(%arg0: i32, %arg1: memref<2x1280x128xf32, #tpu.memory_space<vmem>>, %arg2: memref<1280x128xf32, #tpu.memory_space<vmem>>, %arg3: memref<1x128xf32, #tpu.memory_space<vmem>>, %arg4: memref<1280x128xf32, #tpu.memory_space<vmem>>) attributes {dimension_semantics = [#tpu.dimension_semantics<arbitrary>], iteration_bounds = array<i64: 8>, scalar_prefetch = 0 : i64, scratch_operands = 0 : i64, tpu.core_type = #tpu.core_type<tc>, window_params = [{transform_indices = @transform_0, window_bounds = array<i64: 2, 1280, 128>}, {transform_indices = @transform_1, window_bounds = array<i64: 1280, 128>}, {pipeline_mode = #tpu.pipeline_mode<synchronous>, transform_indices = @transform_2, window_bounds = array<i64: 1, 128>}, {transform_indices = @transform_3, window_bounds = array<i64: 1280, 128>}]} {
    %get3A = arith.constant 0 : index
    %get3A_0 = arith.constant 0 : index
    %get3A_1 = arith.constant 0 : index
    %get3A_2 = vector.load %arg1[%get3A, %get3A_0, %get3A_1] : memref<2x1280x128xf32, #tpu.memory_space<vmem>>, vector<1x1280x128xf32>
    %get3A_3 = vector.shape_cast %get3A_2 : vector<1x1280x128xf32> to vector<1280x128xf32>
    %get3A_4 = arith.constant 1 : index
    %get3A_5 = arith.constant 0 : index
    %get3A_6 = arith.constant 0 : index
    %get3A_7 = vector.load %arg1[%get3A_4, %get3A_5, %get3A_6] : memref<2x1280x128xf32, #tpu.memory_space<vmem>>, vector<1x1280x128xf32>
    %get3A_8 = vector.shape_cast %get3A_7 : vector<1x1280x128xf32> to vector<1280x128xf32>
    %add3A = arith.addf %get3A_3, %get3A_8 : vector<1280x128xf32>
    %get3A_9 = arith.constant 0 : index
    %get3A_10 = arith.constant 0 : index
    %get3A_11 = vector.load %arg2[%get3A_9, %get3A_10] : memref<1280x128xf32, #tpu.memory_space<vmem>>, vector<1280x128xf32>
    %add3A_12 = arith.addf %add3A, %get3A_11 : vector<1280x128xf32>
    %get3A_13 = arith.constant 0 : index
    %get3A_14 = arith.constant 0 : index
    %get3A_15 = vector.load %arg3[%get3A_13, %get3A_14] : memref<1x128xf32, #tpu.memory_space<vmem>>, vector<1x128xf32>
    %add3A_16 = vector.broadcast %get3A_15 : vector<1x128xf32> to vector<1280x128xf32>
    %add3A_17 = arith.addf %add3A_12, %add3A_16 : vector<1280x128xf32>
    %max3A = arith.constant 0.000000e+00 : f32
    %max3A_18 = vector.broadcast %max3A : f32 to vector<1280x128xf32>
    %max3A_19 = arith.maximumf %add3A_17, %max3A_18 : vector<1280x128xf32>
    %swap3A = arith.constant 0 : index
    %swap3A_20 = arith.constant 0 : index
    %swap3A_21 = vector.load %arg4[%swap3A, %swap3A_20] : memref<1280x128xf32, #tpu.memory_space<vmem>>, vector<1280x128xf32>
    tpu.vector_store %arg4[%swap3A, %swap3A_20], %max3A_19 {strides = array<i32>} : memref<1280x128xf32, #tpu.memory_space<vmem>>, vector<1280x128xf32>,
    return
  }
  func.func @transform_0(%arg0: i32) -> (i32, i32, i32) {
    %c0_i32 = arith.constant 0 : i32
    %c0_i32_0 = arith.constant 0 : i32
    %c0_i32_1 = arith.constant 0 : i32
    return %c0_i32, %arg0, %c0_i32_0 : i32, i32, i32
  }
  func.func @transform_1(%arg0: i32) -> (i32, i32) {
    %c0_i32 = arith.constant 0 : i32
    %c0_i32_0 = arith.constant 0 : i32
    return %arg0, %c0_i32 : i32, i32
  }
  func.func @transform_2(%arg0: i32) -> (i32, i32) {
    %c0_i32 = arith.constant 0 : i32
    %c0_i32_0 = arith.constant 0 : i32
    %c0_i32_1 = arith.constant 0 : i32
    return %c0_i32, %c0_i32_0 : i32, i32
  }
  func.func @transform_3(%arg0: i32) -> (i32, i32) {
    %c0_i32 = arith.constant 0 : i32
    %c0_i32_0 = arith.constant 0 : i32
    return %arg0, %c0_i32 : i32, i32
  }
}

</mosaic_0001>

<sc_bundles>
// kernel: kernel.10.cloned.1.call-start
scs
__scs_entry_jumppad:
0x0: {  	(pc) =	sbr.rel $0x88, $3  }
0x1: {  	(tag) =	ssettag $0x0;
	lr =	simm.s32 $0x1  }
0x2: {  	[smem:$0x3F98] =	sst lr;
	_ =	strace $0xD0000000  }
0x3: {  	_ = 	snop  }
0x4: {  	_ = 	snop  }
0x5: {  	_ = 	snop  }
0x6: {  	_ = 	snop  }
0x7: {  	_ = 	snop  }
__scs_overlays_trampoline_lowered:
0x8: {  	[smem:$0x3FA7] =	sst s0  }
0x9: {  	[smem:$0x3FA8] =	sst s1  }
0xa: {  	[smem:$0x3FA9] =	sst s2  }
0xb: {  	[smem:$0x3FAA] =	sst s3  }
0xc: {  	[smem:$0x3FAB] =	sst s4  }
0xd: {  	[smem:$0x3FAC] =	sst s5  }
0xe: {  	[smem:$0x3FAD] =	sst s6  }
0xf: {  	[smem:$0x3FAE] =	sst s7  }
0x10: {  	[smem:$0x3FAF] =	sst s8  }
0x11: {  	[smem:$0x3FB0] =	sst s9;
	s0 =	simm.s32 @!p0 $0x0  }
0x12: {  	s1 =	sld [smem:$0x3F96];
	s0 =	simm.s32 @p0 $0x1  }
0x13: {  	[smem:$0x3FB1] =	sst s0;
	s0 =	simm.s32 @!p1 $0x0  }
0x14: {  	s2 =	sld [smem:$0x3F95];
	s0 =	simm.s32 @p1 $0x1  }
0x15: {  	[smem:$0x3FB2] =	sst s0;
	s0 =	simm.s32 @!p2 $0x0  }
0x16: {  	s3 =	sld [smem:$0x3FDB];
	s0 =	simm.s32 @p2 $0x1  }
0x17: {  	s4 =	simm.s32 $0x1BF5;
	[smem:$0x3FB4] =	sst s0  }
0x18: {  	s0 =	sld [smem:$0x3F97];
	_ =	swait.ge [sflag:s4], $0x0  }
0x19: {  	s7 =	sld [smem:$0x3F98]  }
0x1a: {  	s8 =	sadd.s32 $0xFFFFE003, lr  }
0x1b: {  	s9 =	sadd.s32 $0xFFFFFEF7, lr;
	s5 =	simm.s32 $0xFFFFFFFF;
	p2 =	slt.u32 s8, $0xFFFFF086  }
0x1c: {  	p1 =	slt.u32 s9, $0xF7A;
	s5 =	simm.s32 @!p2 $0x0  }
0x1d: {  	s5 =	simm.s32 @p1 $0x1;
	p0 =	seq.s32 s7, s2  }
0x1e: {  	s7 =	smul.u32 @!p0 $0xF7A, s2;
	p2 =	seq.s32 @!p0 s5, $0x0  }
0x1f: {  	s9 =	smul.u32 $0xF7A, s1;
	s8 =	simm.s32 @!p0 $0x1BF5;
	p2 =	por !p2, p0  }
0x20: {  	[sflag:s8] =	ssyncset.s32 @!p0 $0xFFFFF086;
	s6 =	sadd.s32 @!p0 s3, s7;
	s7 =	simm.s32 @!p0 $0x108  }
0x21: {  	s3 =	sadd.s32 s3, s9;
	s6 =	sadd.s32 @!p0 $0x88, s6;
	s7 =	simm.s32 @p2 $0x1082  }
0x22: {  	[simem:s7], [sflag:s8] =	dma.local @!p0 [hbm:s6], $0xF7A  }
0x23: {  	s9 =	sor.u32 $0xD0000000, s2;
	s6 =	simm.s32 $0x108;
	_ =	swait.ge @!p0 [sflag:s8], $0x0  }
0x24: {  	s3 =	sadd.s32 $0x88, s3;
	s6 =	simm.s32 @!p1 $0x1082;
	[sflag:s4] =	ssyncset.s32 $0xFFFFF086  }
0x25: {  	[simem:s6], [sflag:s4] =	dma.local [hbm:s3], $0xF7A  }
0x26: {  	[smem:$0x3F98] =	sst s1;
	(tag) =	ssettag s2;
	_ =	strace s9  }
0x27: {  	s1 =	sld [smem:$0x3FA8]  }
0x28: {  	s2 =	sld [smem:$0x3FA9]  }
0x29: {  	s4 =	sld [smem:$0x3FAB]  }
0x2a: {  	p0 =	seq.s32 s5, $0x0;
	s5 =	sld [smem:$0x3FAC]  }
0x2b: {  	s6 =	sld [smem:$0x3FAD]  }
0x2c: {  	s7 =	sld [smem:$0x3FAE]  }
0x2d: {  	s3 =	simm.s32 $0x108;
	s8 =	sld [smem:$0x3FAF]  }
0x2e: {  	s3 =	simm.s32 @!p0 $0x1082;
	s9 =	sld [smem:$0x3FB0]  }
0x2f: {  	lr =	sadd.s32 s0, s3;
	s0 =	sld [smem:$0x3FA7]  }
0x30: {  	s3 =	sld [smem:$0x3FAA]  }
0x31: {  	[smem:$0x3FB3] =	sst s10  }
0x32: {  	s10 =	sld [smem:$0x3FB1];
	_ =	sdelay $0x3  }
0x33: {  	p0 =	seq.s32 s10, $0x1;
	s10 =	sld [smem:$0x3FB3];
	_ =	sdelay $0x3  }
0x34: {  	[smem:$0x3FB3] =	sst s10  }
0x35: {  	s10 =	sld [smem:$0x3FB2];
	_ =	sdelay $0x3  }
0x36: {  	p1 =	seq.s32 s10, $0x1;
	s10 =	sld [smem:$0x3FB3];
	_ =	sdelay $0x3  }
0x37: {  	[smem:$0x3FB3] =	sst s10  }
0x38: {  	s10 =	sld [smem:$0x3FB4]  }
0x39: {  	_ = 	snop;
	(pc) =	sbr.ind lr, $3  }
0x3a: {  	_ = 	snop  }
0x3b: {  	_ = 	snop  }
0x3c: {  	p2 =	seq.s32 s10, $0x1;
	s10 =	sld [smem:$0x3FB3]  }
0x3d: {  	_ =	shalt  }
0x3e: {  	_ =	shalt  }
0x3f: {  	_ =	shalt  }
0x40: {  	_ =	shalt  }
0x41: {  	_ =	shalt  }
0x42: {  	_ =	shalt  }
0x43: {  	_ =	shalt  }
0x44: {  	_ =	shalt  }
0x45: {  	_ =	shalt  }
0x46: {  	_ =	shalt  }
0x47: {  	_ =	shalt  }
0x48: {  	_ =	shalt  }
0x49: {  	_ =	shalt  }
0x4a: {  	_ =	shalt  }
0x4b: {  	_ =	shalt  }
0x4c: {  	_ =	shalt  }
0x4d: {  	_ =	shalt  }
0x4e: {  	_ =	shalt  }
0x4f: {  	_ =	shalt  }
0x50: {  	_ =	shalt  }
0x51: {  	_ =	shalt  }
0x52: {  	_ =	shalt  }
0x53: {  	_ =	shalt  }
0x54: {  	_ =	shalt  }
0x55: {  	_ =	shalt  }
0x56: {  	_ =	shalt  }
0x57: {  	_ =	shalt  }
0x58: {  	_ =	shalt  }
0x59: {  	_ =	shalt  }
0x5a: {  	_ =	shalt  }
0x5b: {  	_ =	shalt  }
0x5c: {  	_ =	shalt  }
0x5d: {  	_ =	shalt  }
0x5e: {  	_ =	shalt  }
0x5f: {  	_ =	shalt  }
0x60: {  	_ =	shalt  }
0x61: {  	_ =	shalt  }
0x62: {  	_ =	shalt  }
0x63: {  	_ =	shalt  }
0x64: {  	_ =	shalt  }
0x65: {  	_ =	shalt  }
0x66: {  	_ =	shalt  }
0x67: {  	_ =	shalt  }
0x68: {  	_ =	shalt  }
0x69: {  	_ =	shalt  }
0x6a: {  	_ =	shalt  }
0x6b: {  	_ =	shalt  }
0x6c: {  	_ =	shalt  }
0x6d: {  	_ =	shalt  }
0x6e: {  	_ =	shalt  }
0x6f: {  	_ =	shalt  }
0x70: {  	_ =	shalt  }
0x71: {  	_ =	shalt  }
0x72: {  	_ =	shalt  }
0x73: {  	_ =	shalt  }
0x74: {  	_ =	shalt  }
0x75: {  	_ =	shalt  }
0x76: {  	_ =	shalt  }
0x77: {  	_ =	shalt  }
0x78: {  	_ =	shalt  }
0x79: {  	_ =	shalt  }
0x7a: {  	_ =	shalt  }
0x7b: {  	_ =	shalt  }
0x7c: {  	_ =	shalt  }
0x7d: {  	_ =	shalt  }
0x7e: {  	_ =	shalt  }
0x7f: {  	_ =	shalt  }
0x80: {  	_ =	shalt  }
0x81: {  	_ =	shalt  }
0x82: {  	_ =	shalt  }
0x83: {  	_ =	shalt  }
0x84: {  	_ =	shalt  }
0x85: {  	_ =	shalt  }
0x86: {  	_ =	shalt  }
0x87: {  	_ =	shalt  }
.Lfunc_end0:
.L_simem_size_0:
called_computation.1_lowered:
.L_overlay_start_0:
0x88: {  	s2 =	sld [smem:$0x3FD9]  }
0x89: {  	s3 =	sld [smem:$0x3FFE];
	_ =	sdelay $0x1  }
0x8a: {  	s1 =	srdreg.scid  }
0x8b: {  	s0 =	sand.u32 $0x1, s1  }
0x8c: {  	s16 =	sshll.u32 s0, $0xA;
	s2 =	sadd.s32 s3, s2  }
0x8d: {  	s2 =	sadd.s32 s2, s16  }
0x8e: {  	[smem:$0x3FBF] =	sst s2  }
0x8f: {  	_ = 	snop  }
0x90: {  	(tm) =	ssettm $0x1  }
0x91: {  	s17 =	sld [smem:$0x3FFB];
	_ =	sdelay $0x3  }
0x92: {  	_ =	strace s17  }
0x93: {  	s2 =	sld [smem:$0x3FFC];
	_ =	sdelay $0x3  }
0x94: {  	_ =	strace s2  }
0x95: {  	s2 =	sld [smem:$0x3FFD];
	_ =	sdelay $0x3  }
0x96: {  	_ =	strace s2  }
0x97: {  	_ =	strace $0x8FFFFFFF  }
0x98: {  	s18 =	sld [smem:$0x3FDB];
	_ =	sdelay $0x1  }
0x99: {  	s19 =	simm.s32 $_scs_section_size  }
0x9a: {  	s4 =	simm.s32 $_size__tile_overlayer_lowered;
	s5 =	simm.s32 $_tile_overlayer_lowered  }
0x9b: {  	s22 =	simm.s32 $0x1BFF;
	s21 =	sshll.u32 s5, $0x1;
	s2 =	sadd.s32 s19, s18  }
0x9c: {  	s6 =	simm.s32 $0x0;
	s20 =	sshll.u32 s4, $0x1;
	s4 =	sadd.s32 s21, s2  }
0x9d: {  	[timem:s6], [sflag:s22] =	dma.local [hbm:s4], s20  }
0x9e: {  	_ =	swait.ge [sflag:s22], s20  }
0x9f: {  	s3 =	ssub.s32 $0x0, s20;
	[sflag:s22] =	ssyncset.done $0x0  }
0xa0: {  	[sflag:s22] =	ssyncadd.s32 s3;
	_ =	sdelay $0x1  }
0xa1: {  	s23 =	simm.s32 $0x1B8B  }
0xa2: {  	_ =	swait.ge [sflag:s23], $0x1  }
0xa3: {  	[sflag:s23] =	ssyncset.done $0x0  }
0xa4: {  	s25 =	simm.s32 $0x1B8E;
	s24 =	sld [smem:$0x3FFE];
	[sflag:s23] =	ssyncadd.s32 $0xFFFFFFFF  }
0xa5: {  	s26 =	simm.s32 $execute0_lowered;
	[smem:$0x3FD2] =	sst s25  }
0xa6: {  	s4 =	sshll.u32 s26, $0x1;
	_ =	strace $0x80000049;
	[dreg:$0x1] =	wrdreg $0xFFFFFFFF  }
0xa7: {  	s28 =	simm.s32 $_size_execute0_lowered;
	s2 =	sadd.s32 s2, s4;
	[dreg:$0x0] =	wrdreg $0x0  }
0xa8: {  	s4 =	sshll.u32 s28, $0x1;
	[dreg:$0x2] =	wrdreg s2  }
0xa9: {  	[dreg:$0x3] =	wrdreg s4  }
0xaa: {  	[dreg:$0x4] =	wrdreg $0xC0  }
0xab: {  	_ =	task [dreg:s6], $0x5FFFF  }
0xac: {  	[dreg:$0x1] =	wrdreg $0xFFFFFFFF  }
0xad: {  	[dreg:$0x0] =	wrdreg $0x60  }
0xae: {  	[dreg:$0x2] =	wrdreg s24  }
0xaf: {  	[dreg:$0x3] =	wrdreg $0xAA000  }
0xb0: {  	[dreg:$0x4] =	wrdreg $0x9  }
0xb1: {  	_ =	task.clear_ibuf [dreg:s6], $0x5FFFF;
	_ =	strace $0x90000049  }
0xb2: {  	s29 =	simm.s32 $0x9;
	_ =	strace $0x8000004B  }
0xb3: {  	_ =	swait.ge [sflag:s29], $0x1  }
0xb4: {  	[sflag:s29] =	ssyncadd.s32 $0xFFFFFFFF  }
0xb5: {  	_ =	strace $0x9000004B  }
0xb6: {  	_ =	sfence  }
0xb7: {  	s30 =	sld [smem:$0x0];
	_ =	sdelay $0x2  }
0xb8: {  	s31 =	sshll.u32 s1, $0xD;
	s1 =	sshrl.u32 s1, $0x2  }
0xb9: {  	s3 =	sand.u32 $0x4000, s31;
	s1 =	sadd.s32 s1, s30  }
0xba: {  	s0 =	sor.u32 s3, s0;
	s1 =	sshll.u32 s1, $0x11  }
0xbb: {  	s0 =	sor.u32 s1, s0  }
0xbc: {  	s0 =	sadd.s32 $0x8F2B, s0  }
0xbd: {  	[sflag:s0] =	ssyncadd.remote.s32 $0x1  }
0xbe: {  	_ =	sfence.sel $0xFFFF  }
0xbf: {  	[dreg:$0x0] =	wrdreg $0xFFFFFFFF;
	(pc) =	sbr.abs _section_cstart, $3  }
0xc0: {  	[dreg:$0x1] =	wrdreg $0xFFFFFFFF  }
0xc1: {  	_ =	task.clear_ibuf [dreg:s6], $0x2FFFF;
	_ =	strace $0x9FFFFFFF  }
0xc2: {  	(tm) =	ssettm $0x7FFFFFFF  }
0xc3: {  	_ =	shalt  }
tec
execute0_lowered:
.L_overlay_start_1:
0x0: {  	(tag) =	ssettag $0x1  }
0x1: {  	s0 =	srdreg.scid  }
0x2: {  	s6 =	rddreg [dreg:$0x0];
	s1 =	stileid.u32  }
0x3: {  	s2 =	rddreg [dreg:$0x1];
	s3 =	simm.s32 $0x0;
	s13 =	simm.s32 $0x80  }
0x4: {  	s14 =	simm.s32 $0x2800;
	s15 =	simm.s32 $0x2A00;
	s16 =	simm.s32 $0x2880  }
0x5: {  	s17 =	simm.s32 $0x6A00;
	s18 =	simm.s32 $0x1;
	s5 =	smul.u32 $0x1400, s1  }
0x6: {  	s19 =	simm.s32 $0x2900;
	s20 =	simm.s32 $0x2;
	s29 =	smul.u32 $0x14000, s1  }
0x7: {  	s22 =	simm.s32 $0x3;
	s7 =	sand.u32 $0x1, s0;
	s10 =	smul.u32 $0x50000, s1  }
0x8: {  	s23 =	simm.s32 $0x4;
	s25 =	simm.s32 $0x0;
	s4 =	smul.u32 $0x14000, s7  }
0x9: {  	[smem:$0x7FF] =	sst s3;
	s8 =	smul.u32 $0x140000, s7;
	s7 =	ssub.s32 $0x2, s7  }
0xa: {  	p0 =	sne.s32 s1, $0x0;
	_ =	strace $0x8000004A;
	s30 =	sshrl.u32 s7, $0x1  }
0xb: {  	s31 =	sshrl.u32 s10, $0x2;
	s10 =	sshrl.u32 @!p0 s2, $0x3;
	s4 =	sadd.s32 s5, s4  }
0xc: {  	s8 =	sadd.s32 s29, s8;
	s5 =	sadd.s32 $0x2E600, s6;
	s11 =	ssub.s32 s7, s30  }
0xd: {  	s24 =	sadd.s32 s31, s2;
	s9 =	sshrl.u32 s4, $0x3;
	s4 =	sadd.s32 $0x1600, s6  }
0xe: {  	s8 =	sshrl.u32 s8, $0x3;
	s24 =	sshrl.u32 s24, $0x3;
	s9 =	sadd.s32 s9, s6  }
0xf: {  	s8 =	sadd.s32 s8, s6;
	s6 =	sadd.s32 $0xA6600, s9;
	s7 =	sadd.s32 $0xAB600, s9  }
0x10: {  	s8 =	sadd.s32 $0x56600, s8;
	s9 =	smax.u32 s11, $0x1;
	s11 =	simm.s32 $0x5  }
.LBB2_1:
0x11: {  	s26 =	simm.s32 @!p0 $0x1C05  }
0x12: {  	[spmem:s10], [sflag:s26] =	dma.local @!p0 [hbm:s5], $0x28000  }
0x13: {  	s26 =	simm.s32 @!p0 $0x5  }
0x14: {  	_ =	swait.ge @!p0 [sflag:s26], $0x28000  }
0x15: {  	[sflag:s26] =	ssyncset.done @!p0 $0x0  }
0x16: {  	[sflag:s26] =	ssyncadd.s32 @!p0 $0xFFFD8000  }
0x17: {  	[tilespmem:s3], [sflag:$0x5] =	stream.linear.gather [hbm4b:s6+s3], $0x1400, $0x38;
	[tilespmem:$0x1EA00] =	vst v63  }
0x18: {  	_ =	swait.ge [sflag:s11], $0x1400  }
0x19: {  	[sflag:s11] =	ssyncset.done $0x0  }
0x1a: {  	s0 =	simm.s32 $0x1400;
	[sflag:s11] =	ssyncadd.s32 $0xFFFFEC00  }
0x1b: {  	[tilespmem:s0], [sflag:$0x5] =	stream.linear.gather [hbm4b:s7+s3], $0x1400, $0x38;
	[tilespmem:$0x1EA00] =	vst v63  }
0x1c: {  	_ =	swait.ge [sflag:s11], $0x1400  }
0x1d: {  	[sflag:s11] =	ssyncset.done $0x0  }
0x1e: {  	p1 =	por $0x1, $0x1;
	[sflag:s11] =	ssyncadd.s32 $0xFFFFEC00  }
0x1f: {  	s28 =	simm.s32 @!p1 $0x3;
	[bflag:$0x0] =	sbarrier.arrive $0xFFFF  }
0x20: {  	_ =	swait.ge @!p1 [sflag:s28], $0x4000  }
0x21: {  	[sflag:s28] =	ssyncset.done @!p1 $0x0  }
0x22: {  	s21 =	simm.s32 $0x40;
	[sflag:s28] =	ssyncadd.s32 @!p1 $0xFFFFC000  }
0x23: {  	v0 =	vld [tilespmem:s21+$0xFFFFFFC0];
	_ =	sdelay $0x4  }
0x24: {  	v0 =	vand.u32 $0xFFFF, v0  }
0x25: {  	[tilespmem:$0x2800] =	vst v0  }
0x26: {  	v0 =	vld [tilespmem:s21+$0xFFFFFFD0];
	_ =	sdelay $0x4  }
0x27: {  	v0 =	vand.u32 $0xFFFF, v0  }
0x28: {  	[tilespmem:$0x2810] =	vst v0  }
0x29: {  	v0 =	vld [tilespmem:s21+$0xFFFFFFE0];
	_ =	sdelay $0x4  }
0x2a: {  	v0 =	vand.u32 $0xFFFF, v0  }
0x2b: {  	[tilespmem:$0x2820] =	vst v0  }
0x2c: {  	v0 =	vld [tilespmem:s21+$0xFFFFFFF0];
	_ =	sdelay $0x4  }
0x2d: {  	v0 =	vand.u32 $0xFFFF, v0  }
0x2e: {  	[tilespmem:$0x2830] =	vst v0  }
0x2f: {  	v0 =	vld [tilespmem:s21+$0x0];
	_ =	sdelay $0x4  }
0x30: {  	v0 =	vand.u32 $0xFFFF, v0  }
0x31: {  	[tilespmem:$0x2840] =	vst v0  }
0x32: {  	v0 =	vld [tilespmem:s21+$0x10];
	_ =	sdelay $0x4  }
0x33: {  	v0 =	vand.u32 $0xFFFF, v0  }
0x34: {  	[tilespmem:$0x2850] =	vst v0  }
0x35: {  	v0 =	vld [tilespmem:s21+$0x20];
	_ =	sdelay $0x4  }
0x36: {  	v0 =	vand.u32 $0xFFFF, v0  }
0x37: {  	[tilespmem:$0x2860] =	vst v0  }
0x38: {  	v0 =	vld [tilespmem:s21+$0x30]  }
0x39: {  	s28 =	simm.s32 $0xFFFFFFFF  }
0x3a: {  	s28 =	sand.u32 @!p1 $0x80, s28  }
0x3b: {  	s28 =	sshrl.u32 @!p1 s28, $0x7  }
0x3c: {  	s28 =	sadd.s32 @!p1 $0xFFFFFFFF, s28  }
0x3d: {  	s28 =	sshll.u32 @!p1 s28, $0x18;
	v0 =	vand.u32 $0xFFFF, v0  }
0x3e: {  	s29 =	simm.s32 @!p1 $0x2;
	s28 =	sshra.s32 @!p1 s28, $0x19;
	[tilespmem:$0x2870] =	vst v0  }
0x3f: {  	[tilespmem:s15], [sflag:$0x1] =	stream.indirect.gather [hbm4b:s4+s13], $0x80, s14, s13, $0xb8;
	[tilespmem:$0x1EA00] =	vst v63  }
0x40: {  	s28 =	sadd.s32 @!p1 $0xFFFFFFFF, s28;
	_ =	swait.ge @!p1 [sflag:s29], $0x4000  }
0x41: {  	s28 =	sshll.u32 @!p1 s28, $0x9;
	[sflag:s29] =	ssyncset.done @!p1 $0x0  }
0x42: {  	s28 =	sshra.s32 @!p1 s28, $0x2;
	[sflag:s29] =	ssyncadd.s32 @!p1 $0xFFFFC000  }
0x43: {  	v0 =	vld @!p1 [tilespmem:s28+$0x1400];
	_ =	sdelay $0x4  }
0x44: {  	v0 =	vshrl.u32 @!p1 v0, $0x10  }
0x45: {  	[tilespmem:$0x2980] =	vst @!p1 v0  }
0x46: {  	v0 =	vld @!p1 [tilespmem:s28+$0x1410];
	_ =	sdelay $0x4  }
0x47: {  	v0 =	vshrl.u32 @!p1 v0, $0x10  }
0x48: {  	[tilespmem:$0x2990] =	vst @!p1 v0  }
0x49: {  	v0 =	vld @!p1 [tilespmem:s28+$0x1420];
	_ =	sdelay $0x4  }
0x4a: {  	v0 =	vshrl.u32 @!p1 v0, $0x10  }
0x4b: {  	[tilespmem:$0x29A0] =	vst @!p1 v0  }
0x4c: {  	v0 =	vld @!p1 [tilespmem:s28+$0x1430];
	_ =	sdelay $0x4  }
0x4d: {  	v0 =	vshrl.u32 @!p1 v0, $0x10  }
0x4e: {  	[tilespmem:$0x29B0] =	vst @!p1 v0  }
0x4f: {  	v0 =	vld @!p1 [tilespmem:s28+$0x1440];
	_ =	sdelay $0x4  }
0x50: {  	v0 =	vshrl.u32 @!p1 v0, $0x10  }
0x51: {  	[tilespmem:$0x29C0] =	vst @!p1 v0  }
0x52: {  	v0 =	vld @!p1 [tilespmem:s28+$0x1450];
	_ =	sdelay $0x4  }
0x53: {  	v0 =	vshrl.u32 @!p1 v0, $0x10  }
0x54: {  	[tilespmem:$0x29D0] =	vst @!p1 v0  }
0x55: {  	v0 =	vld @!p1 [tilespmem:s28+$0x1460];
	_ =	sdelay $0x4  }
0x56: {  	v0 =	vshrl.u32 @!p1 v0, $0x10  }
0x57: {  	[tilespmem:$0x29E0] =	vst @!p1 v0  }
0x58: {  	v0 =	vld @!p1 [tilespmem:s28+$0x1470];
	_ =	sdelay $0x4  }
0x59: {  	s30 =	simm.s32 @!p1 $0x6A00;
	v0 =	vshrl.u32 @!p1 v0, $0x10  }
0x5a: {  	s31 =	simm.s32 @!p1 $0x4;
	s29 =	simm.s32 @!p1 $0x2980;
	s28 =	simm.s32 @!p1 $0x80;
	[tilespmem:$0x29F0] =	vst @!p1 v0  }
0x5b: {  	[spmem:s2] =	stream.indirect.scatter.add.f32 @!p1 [tilespmem:s30], [sflag:$0x4], $0x80, s29, s28, $0xb8;
	[tilespmem:$0x1EA00] =	vst v63  }
0x5c: {  	_ =	swait.ge @!p1 [sflag:s31], $0x4000  }
0x5d: {  	[sflag:s31] =	ssyncset.done @!p1 $0x0  }
0x5e: {  	[sflag:s31] =	ssyncadd.s32 @!p1 $0xFFFFC000  }
0x5f: {  	v0 =	vld [tilespmem:s21+$0xFFFFFFC0];
	_ =	sdelay $0x4  }
0x60: {  	v0 =	vshrl.u32 v0, $0x10  }
0x61: {  	[tilespmem:$0x2880] =	vst v0  }
0x62: {  	v0 =	vld [tilespmem:s21+$0xFFFFFFD0];
	_ =	sdelay $0x4  }
0x63: {  	v0 =	vshrl.u32 v0, $0x10  }
0x64: {  	[tilespmem:$0x2890] =	vst v0  }
0x65: {  	v0 =	vld [tilespmem:s21+$0xFFFFFFE0];
	_ =	sdelay $0x4  }
0x66: {  	v0 =	vshrl.u32 v0, $0x10  }
0x67: {  	[tilespmem:$0x28A0] =	vst v0  }
0x68: {  	v0 =	vld [tilespmem:s21+$0xFFFFFFF0];
	_ =	sdelay $0x4  }
0x69: {  	v0 =	vshrl.u32 v0, $0x10  }
0x6a: {  	[tilespmem:$0x28B0] =	vst v0  }
0x6b: {  	v0 =	vld [tilespmem:s21+$0x0];
	_ =	sdelay $0x4  }
0x6c: {  	v0 =	vshrl.u32 v0, $0x10  }
0x6d: {  	[tilespmem:$0x28C0] =	vst v0  }
0x6e: {  	v0 =	vld [tilespmem:s21+$0x10];
	_ =	sdelay $0x4  }
0x6f: {  	v0 =	vshrl.u32 v0, $0x10  }
0x70: {  	[tilespmem:$0x28D0] =	vst v0  }
0x71: {  	v0 =	vld [tilespmem:s21+$0x20];
	_ =	sdelay $0x4  }
0x72: {  	v0 =	vshrl.u32 v0, $0x10  }
0x73: {  	[tilespmem:$0x28E0] =	vst v0  }
0x74: {  	v0 =	vld [tilespmem:s21+$0x30];
	_ =	sdelay $0x4  }
0x75: {  	v0 =	vshrl.u32 v0, $0x10  }
0x76: {  	[tilespmem:$0x28F0] =	vst v0  }
0x77: {  	[tilespmem:s17], [sflag:$0x2] =	stream.indirect.gather [hbm4b:s4+s13], $0x80, s16, s13, $0xb8;
	[tilespmem:$0x1EA00] =	vst v63  }
0x78: {  	_ =	swait.ge [sflag:s18], $0x4000  }
0x79: {  	[sflag:s18] =	ssyncset.done $0x0  }
0x7a: {  	s26 =	simm.s32 $0x1440;
	[sflag:s18] =	ssyncadd.s32 $0xFFFFC000  }
0x7b: {  	v0 =	vld [tilespmem:s26+$0xFFFFFFC0];
	_ =	sdelay $0x4  }
0x7c: {  	v0 =	vand.u32 $0xFFFF, v0  }
0x7d: {  	[tilespmem:$0x2900] =	vst v0  }
0x7e: {  	v0 =	vld [tilespmem:s26+$0xFFFFFFD0];
	_ =	sdelay $0x4  }
0x7f: {  	v0 =	vand.u32 $0xFFFF, v0  }
0x80: {  	[tilespmem:$0x2910] =	vst v0  }
0x81: {  	v0 =	vld [tilespmem:s26+$0xFFFFFFE0];
	_ =	sdelay $0x4  }
0x82: {  	v0 =	vand.u32 $0xFFFF, v0  }
0x83: {  	[tilespmem:$0x2920] =	vst v0  }
0x84: {  	v0 =	vld [tilespmem:s26+$0xFFFFFFF0];
	_ =	sdelay $0x4  }
0x85: {  	v0 =	vand.u32 $0xFFFF, v0  }
0x86: {  	[tilespmem:$0x2930] =	vst v0  }
0x87: {  	v0 =	vld [tilespmem:s26+$0x0];
	_ =	sdelay $0x4  }
0x88: {  	v0 =	vand.u32 $0xFFFF, v0  }
0x89: {  	[tilespmem:$0x2940] =	vst v0  }
0x8a: {  	v0 =	vld [tilespmem:s26+$0x10];
	_ =	sdelay $0x4  }
0x8b: {  	v0 =	vand.u32 $0xFFFF, v0  }
0x8c: {  	[tilespmem:$0x2950] =	vst v0  }
0x8d: {  	v0 =	vld [tilespmem:s26+$0x20];
	_ =	sdelay $0x4  }
0x8e: {  	v0 =	vand.u32 $0xFFFF, v0  }
0x8f: {  	[tilespmem:$0x2960] =	vst v0  }
0x90: {  	v0 =	vld [tilespmem:s26+$0x30];
	_ =	sdelay $0x1  }
0x91: {  	p2 =	por $0x0, $0x0  }
0x92: {  	s29 =	simm.s32 $0x1;
	s30 =	simm.s32 $0x3;
	s28 =	simm.s32 $0xC0  }
.LBB2_2:
0x93: {  	s0 =	simm.s32 @!p2 $0x3  }
0x94: {  	v0 =	vand.u32 $0xFFFF, v0;
	s26 =	sadd.s32 $0x80, s26;
	s31 =	smov.u32 s30;
	s30 =	sadd.s32 $0x2, s30  }
0x95: {  	p1 =	sne.s32 s30, $0x4F;
	[tilespmem:$0x2970] =	vst v0  }
0x96: {  	[spmem:s2] =	stream.indirect.scatter.add.f32 [tilespmem:s15], [sflag:$0x3], $0x80, s19, s13, $0xb8;
	[tilespmem:$0x1EA00] =	vst v63  }
0x97: {  	_ =	swait.ge @!p2 [sflag:s0], $0x4000  }
0x98: {  	[sflag:s0] =	ssyncset.done @!p2 $0x0  }
0x99: {  	[sflag:s0] =	ssyncadd.s32 @!p2 $0xFFFFC000  }
0x9a: {  	v0 =	vld [tilespmem:s28+$0xFFFFFFC0];
	_ =	sdelay $0x4  }
0x9b: {  	v0 =	vand.u32 $0xFFFF, v0  }
0x9c: {  	[tilespmem:$0x2800] =	vst v0  }
0x9d: {  	v0 =	vld [tilespmem:s28+$0xFFFFFFD0];
	_ =	sdelay $0x4  }
0x9e: {  	v0 =	vand.u32 $0xFFFF, v0  }
0x9f: {  	[tilespmem:$0x2810] =	vst v0  }
0xa0: {  	v0 =	vld [tilespmem:s28+$0xFFFFFFE0];
	_ =	sdelay $0x4  }
0xa1: {  	v0 =	vand.u32 $0xFFFF, v0  }
0xa2: {  	[tilespmem:$0x2820] =	vst v0  }
0xa3: {  	v0 =	vld [tilespmem:s28+$0xFFFFFFF0];
	_ =	sdelay $0x4  }
0xa4: {  	v0 =	vand.u32 $0xFFFF, v0  }
0xa5: {  	[tilespmem:$0x2830] =	vst v0  }
0xa6: {  	v0 =	vld [tilespmem:s28+$0x0];
	_ =	sdelay $0x4  }
0xa7: {  	v0 =	vand.u32 $0xFFFF, v0  }
0xa8: {  	[tilespmem:$0x2840] =	vst v0  }
0xa9: {  	v0 =	vld [tilespmem:s28+$0x10];
	_ =	sdelay $0x4  }
0xaa: {  	v0 =	vand.u32 $0xFFFF, v0  }
0xab: {  	[tilespmem:$0x2850] =	vst v0  }
0xac: {  	v0 =	vld [tilespmem:s28+$0x20];
	_ =	sdelay $0x4  }
0xad: {  	v0 =	vand.u32 $0xFFFF, v0  }
0xae: {  	[tilespmem:$0x2860] =	vst v0  }
0xaf: {  	v0 =	vld [tilespmem:s28+$0x30];
	_ =	sdelay $0x1  }
0xb0: {  	s0 =	sand.u32 @!p2 $0x80, s29  }
0xb1: {  	s0 =	sshrl.u32 @!p2 s0, $0x7  }
0xb2: {  	s0 =	sadd.s32 @!p2 s0, s29  }
0xb3: {  	s0 =	sshll.u32 @!p2 s0, $0x18;
	v0 =	vand.u32 $0xFFFF, v0  }
0xb4: {  	s12 =	simm.s32 @!p2 $0x2;
	s29 =	sshra.s32 @!p2 s29, $0x1F;
	s0 =	sshra.s32 @!p2 s0, $0x19;
	[tilespmem:$0x2870] =	vst v0  }
0xb5: {  	[tilespmem:s15], [sflag:$0x1] =	stream.indirect.gather [hbm4b:s4+s13], $0x80, s14, s13, $0xb8;
	[tilespmem:$0x1EA00] =	vst v63  }
0xb6: {  	s0 =	sadd.s32 @!p2 s0, s29;
	s29 =	smov.u32 s31;
	_ =	swait.ge @!p2 [sflag:s12], $0x4000  }
0xb7: {  	s0 =	sshll.u32 @!p2 s0, $0x9;
	[sflag:s12] =	ssyncset.done @!p2 $0x0  }
0xb8: {  	s31 =	sshra.s32 @!p2 s0, $0x2;
	[sflag:s12] =	ssyncadd.s32 @!p2 $0xFFFFC000  }
0xb9: {  	v0 =	vld @!p2 [tilespmem:s31+$0x1400];
	_ =	sdelay $0x4  }
0xba: {  	v0 =	vshrl.u32 @!p2 v0, $0x10  }
0xbb: {  	[tilespmem:$0x2980] =	vst @!p2 v0  }
0xbc: {  	v0 =	vld @!p2 [tilespmem:s31+$0x1410];
	_ =	sdelay $0x4  }
0xbd: {  	v0 =	vshrl.u32 @!p2 v0, $0x10  }
0xbe: {  	[tilespmem:$0x2990] =	vst @!p2 v0  }
0xbf: {  	v0 =	vld @!p2 [tilespmem:s31+$0x1420];
	_ =	sdelay $0x4  }
0xc0: {  	v0 =	vshrl.u32 @!p2 v0, $0x10  }
0xc1: {  	[tilespmem:$0x29A0] =	vst @!p2 v0  }
0xc2: {  	v0 =	vld @!p2 [tilespmem:s31+$0x1430];
	_ =	sdelay $0x4  }
0xc3: {  	v0 =	vshrl.u32 @!p2 v0, $0x10  }
0xc4: {  	[tilespmem:$0x29B0] =	vst @!p2 v0  }
0xc5: {  	v0 =	vld @!p2 [tilespmem:s31+$0x1440];
	_ =	sdelay $0x4  }
0xc6: {  	v0 =	vshrl.u32 @!p2 v0, $0x10  }
0xc7: {  	[tilespmem:$0x29C0] =	vst @!p2 v0  }
0xc8: {  	v0 =	vld @!p2 [tilespmem:s31+$0x1450];
	_ =	sdelay $0x4  }
0xc9: {  	v0 =	vshrl.u32 @!p2 v0, $0x10  }
0xca: {  	[tilespmem:$0x29D0] =	vst @!p2 v0  }
0xcb: {  	v0 =	vld @!p2 [tilespmem:s31+$0x1460];
	_ =	sdelay $0x4  }
0xcc: {  	v0 =	vshrl.u32 @!p2 v0, $0x10  }
0xcd: {  	[tilespmem:$0x29E0] =	vst @!p2 v0  }
0xce: {  	v0 =	vld @!p2 [tilespmem:s31+$0x1470];
	_ =	sdelay $0x4  }
0xcf: {  	s0 =	simm.s32 @!p2 $0x80;
	s12 =	simm.s32 @!p2 $0x2980;
	s31 =	simm.s32 @!p2 $0x6A00;
	v0 =	vshrl.u32 @!p2 v0, $0x10  }
0xd0: {  	s21 =	simm.s32 @!p2 $0x4;
	[tilespmem:$0x29F0] =	vst @!p2 v0  }
0xd1: {  	[spmem:s2] =	stream.indirect.scatter.add.f32 @!p2 [tilespmem:s31], [sflag:$0x4], $0x80, s12, s0, $0xb8;
	[tilespmem:$0x1EA00] =	vst v63  }
0xd2: {  	_ =	swait.ge @!p2 [sflag:s21], $0x4000  }
0xd3: {  	[sflag:s21] =	ssyncset.done @!p2 $0x0  }
0xd4: {  	[sflag:s21] =	ssyncadd.s32 @!p2 $0xFFFFC000  }
0xd5: {  	v0 =	vld [tilespmem:s28+$0xFFFFFFC0];
	_ =	sdelay $0x4  }
0xd6: {  	v0 =	vshrl.u32 v0, $0x10  }
0xd7: {  	[tilespmem:$0x2880] =	vst v0  }
0xd8: {  	v0 =	vld [tilespmem:s28+$0xFFFFFFD0];
	_ =	sdelay $0x4  }
0xd9: {  	v0 =	vshrl.u32 v0, $0x10  }
0xda: {  	[tilespmem:$0x2890] =	vst v0  }
0xdb: {  	v0 =	vld [tilespmem:s28+$0xFFFFFFE0];
	_ =	sdelay $0x4  }
0xdc: {  	v0 =	vshrl.u32 v0, $0x10  }
0xdd: {  	[tilespmem:$0x28A0] =	vst v0  }
0xde: {  	v0 =	vld [tilespmem:s28+$0xFFFFFFF0];
	_ =	sdelay $0x4  }
0xdf: {  	v0 =	vshrl.u32 v0, $0x10  }
0xe0: {  	[tilespmem:$0x28B0] =	vst v0  }
0xe1: {  	v0 =	vld [tilespmem:s28+$0x0];
	_ =	sdelay $0x4  }
0xe2: {  	v0 =	vshrl.u32 v0, $0x10  }
0xe3: {  	[tilespmem:$0x28C0] =	vst v0  }
0xe4: {  	v0 =	vld [tilespmem:s28+$0x10];
	_ =	sdelay $0x4  }
0xe5: {  	v0 =	vshrl.u32 v0, $0x10  }
0xe6: {  	[tilespmem:$0x28D0] =	vst v0  }
0xe7: {  	v0 =	vld [tilespmem:s28+$0x20];
	_ =	sdelay $0x4  }
0xe8: {  	v0 =	vshrl.u32 v0, $0x10  }
0xe9: {  	[tilespmem:$0x28E0] =	vst v0  }
0xea: {  	v0 =	vld [tilespmem:s28+$0x30];
	_ =	sdelay $0x4  }
0xeb: {  	v0 =	vshrl.u32 v0, $0x10  }
0xec: {  	[tilespmem:$0x28F0] =	vst v0  }
0xed: {  	[tilespmem:s17], [sflag:$0x2] =	stream.indirect.gather [hbm4b:s4+s13], $0x80, s16, s13, $0xb8;
	[tilespmem:$0x1EA00] =	vst v63  }
0xee: {  	_ =	swait.ge [sflag:s18], $0x4000  }
0xef: {  	[sflag:s18] =	ssyncset.done $0x0  }
0xf0: {  	[sflag:s18] =	ssyncadd.s32 $0xFFFFC000  }
0xf1: {  	v0 =	vld [tilespmem:s26+$0xFFFFFFC0];
	_ =	sdelay $0x4  }
0xf2: {  	v0 =	vand.u32 $0xFFFF, v0  }
0xf3: {  	[tilespmem:$0x2900] =	vst v0  }
0xf4: {  	v0 =	vld [tilespmem:s26+$0xFFFFFFD0];
	_ =	sdelay $0x4  }
0xf5: {  	v0 =	vand.u32 $0xFFFF, v0  }
0xf6: {  	[tilespmem:$0x2910] =	vst v0  }
0xf7: {  	v0 =	vld [tilespmem:s26+$0xFFFFFFE0];
	_ =	sdelay $0x4  }
0xf8: {  	v0 =	vand.u32 $0xFFFF, v0  }
0xf9: {  	[tilespmem:$0x2920] =	vst v0  }
0xfa: {  	v0 =	vld [tilespmem:s26+$0xFFFFFFF0];
	_ =	sdelay $0x4  }
0xfb: {  	v0 =	vand.u32 $0xFFFF, v0  }
0xfc: {  	[tilespmem:$0x2930] =	vst v0  }
0xfd: {  	v0 =	vld [tilespmem:s26+$0x0];
	_ =	sdelay $0x4  }
0xfe: {  	v0 =	vand.u32 $0xFFFF, v0  }
0xff: {  	[tilespmem:$0x2940] =	vst v0  }
0x100: {  	v0 =	vld [tilespmem:s26+$0x10];
	_ =	sdelay $0x4  }
0x101: {  	v0 =	vand.u32 $0xFFFF, v0  }
0x102: {  	[tilespmem:$0x2950] =	vst v0  }
0x103: {  	v0 =	vld [tilespmem:s26+$0x20];
	_ =	sdelay $0x4  }
0x104: {  	v0 =	vand.u32 $0xFFFF, v0  }
0x105: {  	[tilespmem:$0x2960] =	vst v0  }
.Ltmp0:
0x106: {  	v0 =	vld [tilespmem:s26+$0x30];
	(pc) =	sbr.rel @p1 .LBB2_2-.Ltmp0, $2  }
0x107: {  	_ =	sdelay $0x2  }
0x108: {  	p2 =	seq.s32 s29, $0xFFFFFFFF;
	s28 =	sadd.s32 $0x80, s28  }
0x109: {  	v0 =	vand.u32 $0xFFFF, v0  }
0x10a: {  	s0 =	simm.s32 @!p2 $0x3;
	[tilespmem:$0x2970] =	vst v0  }
0x10b: {  	[spmem:s2] =	stream.indirect.scatter.add.f32 [tilespmem:s15], [sflag:$0x3], $0x80, s19, s13, $0xb8;
	[tilespmem:$0x1EA00] =	vst v63  }
0x10c: {  	_ =	swait.ge @!p2 [sflag:s0], $0x4000  }
0x10d: {  	[sflag:s0] =	ssyncset.done @!p2 $0x0  }
0x10e: {  	[sflag:s0] =	ssyncadd.s32 @!p2 $0xFFFFC000  }
0x10f: {  	v51 =	vld [tilespmem:s28+$0xFFFFFFC0];
	_ =	sdelay $0x4  }
0x110: {  	v0 =	vand.u32 $0xFFFF, v51  }
0x111: {  	[tilespmem:$0x2800] =	vst v0  }
0x112: {  	v0 =	vld [tilespmem:s28+$0xFFFFFFD0];
	_ =	sdelay $0x4  }
0x113: {  	v0 =	vand.u32 $0xFFFF, v0  }
0x114: {  	[tilespmem:$0x2810] =	vst v0  }
0x115: {  	v0 =	vld [tilespmem:s28+$0xFFFFFFE0];
	_ =	sdelay $0x4  }
0x116: {  	v0 =	vand.u32 $0xFFFF, v0  }
0x117: {  	[tilespmem:$0x2820] =	vst v0  }
0x118: {  	v0 =	vld [tilespmem:s28+$0xFFFFFFF0];
	_ =	sdelay $0x4  }
0x119: {  	v0 =	vand.u32 $0xFFFF, v0  }
0x11a: {  	[tilespmem:$0x2830] =	vst v0  }
0x11b: {  	v0 =	vld [tilespmem:s28+$0x0];
	_ =	sdelay $0x4  }
0x11c: {  	v0 =	vand.u32 $0xFFFF, v0  }
0x11d: {  	[tilespmem:$0x2840] =	vst v0  }
0x11e: {  	v0 =	vld [tilespmem:s28+$0x10];
	_ =	sdelay $0x4  }
0x11f: {  	v0 =	vand.u32 $0xFFFF, v0  }
0x120: {  	[tilespmem:$0x2850] =	vst v0  }
0x121: {  	v0 =	vld [tilespmem:s28+$0x20];
	_ =	sdelay $0x4  }
0x122: {  	v0 =	vand.u32 $0xFFFF, v0  }
0x123: {  	[tilespmem:$0x2860] =	vst v0  }
0x124: {  	v0 =	vld [tilespmem:s28+$0x30];
	_ =	sdelay $0x1  }
0x125: {  	s0 =	sand.u32 @!p2 $0x80, s29  }
0x126: {  	s0 =	sshrl.u32 @!p2 s0, $0x7  }
0x127: {  	s0 =	sadd.s32 @!p2 s0, s29  }
0x128: {  	s0 =	sshll.u32 @!p2 s0, $0x18;
	v0 =	vand.u32 $0xFFFF, v0  }
0x129: {  	s12 =	simm.s32 @!p2 $0x2;
	s21 =	sshra.s32 @!p2 s29, $0x1F;
	s0 =	sshra.s32 @!p2 s0, $0x19;
	[tilespmem:$0x2870] =	vst v0  }
0x12a: {  	[tilespmem:s15], [sflag:$0x1] =	stream.indirect.gather [hbm4b:s4+s13], $0x80, s14, s13, $0xb8;
	[tilespmem:$0x1EA00] =	vst v63  }
0x12b: {  	s0 =	sadd.s32 @!p2 s0, s21;
	_ =	swait.ge @!p2 [sflag:s12], $0x4000  }
0x12c: {  	s0 =	sshll.u32 @!p2 s0, $0x9;
	[sflag:s12] =	ssyncset.done @!p2 $0x0  }
0x12d: {  	s0 =	sshra.s32 @!p2 s0, $0x2;
	[sflag:s12] =	ssyncadd.s32 @!p2 $0xFFFFC000  }
0x12e: {  	v0 =	vld @!p2 [tilespmem:s0+$0x1400];
	_ =	sdelay $0x4  }
0x12f: {  	v0 =	vshrl.u32 @!p2 v0, $0x10  }
0x130: {  	[tilespmem:$0x2980] =	vst @!p2 v0  }
0x131: {  	v0 =	vld @!p2 [tilespmem:s0+$0x1410];
	_ =	sdelay $0x4  }
0x132: {  	v0 =	vshrl.u32 @!p2 v0, $0x10  }
0x133: {  	[tilespmem:$0x2990] =	vst @!p2 v0  }
0x134: {  	v0 =	vld @!p2 [tilespmem:s0+$0x1420];
	_ =	sdelay $0x4  }
0x135: {  	v0 =	vshrl.u32 @!p2 v0, $0x10  }
0x136: {  	[tilespmem:$0x29A0] =	vst @!p2 v0  }
0x137: {  	v0 =	vld @!p2 [tilespmem:s0+$0x1430];
	_ =	sdelay $0x4  }
0x138: {  	v0 =	vshrl.u32 @!p2 v0, $0x10  }
0x139: {  	[tilespmem:$0x29B0] =	vst @!p2 v0  }
0x13a: {  	v0 =	vld @!p2 [tilespmem:s0+$0x1440];
	_ =	sdelay $0x4  }
0x13b: {  	v0 =	vshrl.u32 @!p2 v0, $0x10  }
0x13c: {  	[tilespmem:$0x29C0] =	vst @!p2 v0  }
0x13d: {  	v0 =	vld @!p2 [tilespmem:s0+$0x1450];
	_ =	sdelay $0x4  }
0x13e: {  	v0 =	vshrl.u32 @!p2 v0, $0x10  }
0x13f: {  	[tilespmem:$0x29D0] =	vst @!p2 v0  }
0x140: {  	v0 =	vld @!p2 [tilespmem:s0+$0x1460];
	_ =	sdelay $0x4  }
0x141: {  	v0 =	vshrl.u32 @!p2 v0, $0x10  }
0x142: {  	[tilespmem:$0x29E0] =	vst @!p2 v0  }
0x143: {  	v0 =	vld @!p2 [tilespmem:s0+$0x1470];
	_ =	sdelay $0x4  }
0x144: {  	s29 =	simm.s32 @!p2 $0x4;
	v0 =	vshrl.u32 @!p2 v0, $0x10  }
0x145: {  	s21 =	simm.s32 @!p2 $0x6A00;
	s12 =	simm.s32 @!p2 $0x2980;
	s0 =	simm.s32 @!p2 $0x80;
	[tilespmem:$0x29F0] =	vst @!p2 v0  }
0x146: {  	[spmem:s2] =	stream.indirect.scatter.add.f32 @!p2 [tilespmem:s21], [sflag:$0x4], $0x80, s12, s0, $0xb8;
	[tilespmem:$0x1EA00] =	vst v63  }
0x147: {  	_ =	swait.ge @!p2 [sflag:s29], $0x4000  }
0x148: {  	[sflag:s29] =	ssyncset.done @!p2 $0x0  }
0x149: {  	[sflag:s29] =	ssyncadd.s32 @!p2 $0xFFFFC000  }
0x14a: {  	v52 =	vld [tilespmem:s28+$0xFFFFFFC0];
	_ =	sdelay $0x4  }
0x14b: {  	v0 =	vshrl.u32 v52, $0x10  }
0x14c: {  	[tilespmem:$0x2880] =	vst v0  }
0x14d: {  	v0 =	vld [tilespmem:s28+$0xFFFFFFD0];
	_ =	sdelay $0x4  }
0x14e: {  	v0 =	vshrl.u32 v0, $0x10  }
0x14f: {  	[tilespmem:$0x2890] =	vst v0  }
0x150: {  	v0 =	vld [tilespmem:s28+$0xFFFFFFE0];
	_ =	sdelay $0x4  }
0x151: {  	v0 =	vshrl.u32 v0, $0x10  }
0x152: {  	[tilespmem:$0x28A0] =	vst v0  }
0x153: {  	v0 =	vld [tilespmem:s28+$0xFFFFFFF0];
	_ =	sdelay $0x4  }
0x154: {  	v0 =	vshrl.u32 v0, $0x10  }
0x155: {  	[tilespmem:$0x28B0] =	vst v0  }
0x156: {  	v0 =	vld [tilespmem:s28+$0x0];
	_ =	sdelay $0x4  }
0x157: {  	v0 =	vshrl.u32 v0, $0x10  }
0x158: {  	[tilespmem:$0x28C0] =	vst v0  }
0x159: {  	v0 =	vld [tilespmem:s28+$0x10];
	_ =	sdelay $0x4  }
0x15a: {  	v0 =	vshrl.u32 v0, $0x10  }
0x15b: {  	[tilespmem:$0x28D0] =	vst v0  }
0x15c: {  	v0 =	vld [tilespmem:s28+$0x20];
	_ =	sdelay $0x4  }
0x15d: {  	v0 =	vshrl.u32 v0, $0x10  }
0x15e: {  	[tilespmem:$0x28E0] =	vst v0  }
0x15f: {  	v0 =	vld [tilespmem:s28+$0x30];
	_ =	sdelay $0x4  }
0x160: {  	v0 =	vshrl.u32 v0, $0x10  }
0x161: {  	[tilespmem:$0x28F0] =	vst v0  }
0x162: {  	[tilespmem:s17], [sflag:$0x2] =	stream.indirect.gather [hbm4b:s4+s13], $0x80, s16, s13, $0xb8;
	[tilespmem:$0x1EA00] =	vst v63  }
0x163: {  	_ =	swait.ge [sflag:s18], $0x4000  }
0x164: {  	[sflag:s18] =	ssyncset.done $0x0  }
0x165: {  	s29 =	sadd.s32 $0x80, s26;
	[sflag:s18] =	ssyncadd.s32 $0xFFFFC000  }
0x166: {  	v53 =	vld [tilespmem:s29+$0xFFFFFFC0];
	_ =	sdelay $0x4  }
0x167: {  	v0 =	vand.u32 $0xFFFF, v53  }
0x168: {  	[tilespmem:$0x2900] =	vst v0  }
0x169: {  	v0 =	vld [tilespmem:s29+$0xFFFFFFD0];
	_ =	sdelay $0x4  }
0x16a: {  	v0 =	vand.u32 $0xFFFF, v0  }
0x16b: {  	[tilespmem:$0x2910] =	vst v0  }
0x16c: {  	v0 =	vld [tilespmem:s29+$0xFFFFFFE0];
	_ =	sdelay $0x4  }
0x16d: {  	v0 =	vand.u32 $0xFFFF, v0  }
0x16e: {  	[tilespmem:$0x2920] =	vst v0  }
0x16f: {  	v0 =	vld [tilespmem:s29+$0xFFFFFFF0];
	_ =	sdelay $0x4  }
0x170: {  	v0 =	vand.u32 $0xFFFF, v0  }
0x171: {  	[tilespmem:$0x2930] =	vst v0  }
0x172: {  	v0 =	vld [tilespmem:s29+$0x0];
	_ =	sdelay $0x4  }
0x173: {  	v0 =	vand.u32 $0xFFFF, v0  }
0x174: {  	[tilespmem:$0x2940] =	vst v0  }
0x175: {  	v0 =	vld [tilespmem:s29+$0x10];
	_ =	sdelay $0x4  }
0x176: {  	v0 =	vand.u32 $0xFFFF, v0  }
0x177: {  	[tilespmem:$0x2950] =	vst v0  }
0x178: {  	v0 =	vld [tilespmem:s29+$0x20];
	_ =	sdelay $0x4  }
0x179: {  	v0 =	vand.u32 $0xFFFF, v0  }
0x17a: {  	[tilespmem:$0x2960] =	vst v0  }
0x17b: {  	v0 =	vld [tilespmem:s29+$0x30];
	_ =	sdelay $0x4  }
0x17c: {  	v0 =	vand.u32 $0xFFFF, v0  }
0x17d: {  	[tilespmem:$0x2970] =	vst v0  }
0x17e: {  	[spmem:s2] =	stream.indirect.scatter.add.f32 [tilespmem:s15], [sflag:$0x3], $0x80, s19, s13, $0xb8;
	[tilespmem:$0x1EA00] =	vst v63  }
0x17f: {  	_ =	swait.ge [sflag:s20], $0x4000  }
0x180: {  	[sflag:s20] =	ssyncset.done $0x0  }
0x181: {  	[sflag:s20] =	ssyncadd.s32 $0xFFFFC000  }
0x182: {  	v54 =	vld [tilespmem:$0x2780]  }
0x183: {  	v1 =	vld [tilespmem:$0x2790]  }
0x184: {  	v2 =	vld [tilespmem:$0x27A0]  }
0x185: {  	v3 =	vld [tilespmem:$0x27B0]  }
0x186: {  	v4 =	vld [tilespmem:$0x27C0]  }
0x187: {  	v5 =	vld [tilespmem:$0x27D0];
	v0 =	vshrl.u32 v54, $0x10  }
0x188: {  	v56 =	vld [tilespmem:$0x27E0];
	v55 =	vshrl.u32 v1, $0x10;
	[tilespmem:$0x2980] =	vst v0  }
0x189: {  	v58 =	vld [tilespmem:$0x27F0];
	v57 =	vshrl.u32 v2, $0x10;
	[tilespmem:$0x2990] =	vst v55  }
0x18a: {  	v59 =	vshrl.u32 v3, $0x10;
	[tilespmem:$0x29A0] =	vst v57  }
0x18b: {  	v60 =	vshrl.u32 v4, $0x10;
	[tilespmem:$0x29B0] =	vst v59  }
0x18c: {  	v61 =	vshrl.u32 v5, $0x10;
	[tilespmem:$0x29C0] =	vst v60  }
0x18d: {  	v62 =	vshrl.u32 v56, $0x10;
	[tilespmem:$0x29D0] =	vst v61  }
0x18e: {  	v63 =	vshrl.u32 v58, $0x10;
	[tilespmem:$0x29E0] =	vst v62  }
0x18f: {  	s30 =	simm.s32 $0x2980;
	[tilespmem:$0x29F0] =	vst v63  }
0x190: {  	[spmem:s2] =	stream.indirect.scatter.add.f32 [tilespmem:s17], [sflag:$0x4], $0x80, s30, s13, $0xb8;
	[tilespmem:$0x1EA00] =	vst v63  }
0x191: {  	_ =	swait.ge [sflag:s22], $0x4000  }
0x192: {  	[sflag:s22] =	ssyncset.done $0x0  }
0x193: {  	[sflag:s22] =	ssyncadd.s32 $0xFFFFC000  }
0x194: {  	_ =	swait.ge [sflag:s23], $0x4000  }
0x195: {  	s25 =	sadd.s32 $0x1, s25;
	[sflag:s23] =	ssyncset.done $0x0  }
0x196: {  	s31 =	sshll.u32 s1, $0x6;
	p1 =	sne.s32 s25, s9;
	[sflag:s23] =	ssyncadd.s32 $0xFFFFC000  }
.Ltmp1:
0x197: {  	s0 =	sor.u32 $0x1C05, s31;
	[bflag:$0x0] =	sbarrier.arrive $0xFFFF;
	(pc) =	sbr.rel @p1 .LBB2_1-.Ltmp1, $4  }
0x198: {  	[hbm:s8], [sflag:s0] =	dma.local [spmem:s24], $0x2800  }
0x199: {  	_ =	swait.ge [sflag:s11], $0x2800  }
0x19a: {  	[sflag:s11] =	ssyncset.done $0x0  }
0x19b: {  	[sflag:s11] =	ssyncadd.s32 $0xFFFFD800  }
0x19c: {  	_ =	sfence.sel $0x180000  }
0x19d: {  	[bflag:$0x0] =	sbarrier.arrive $0xFFFF  }
0x19e: {  	_ =	strace $0x9000004A  }
0x19f: {  	[bflag:$0x2] =	sbarrier.arrive $0xFFFF  }
0x1a0: {  	s0 =	rddreg [dreg:$0x2]  }
0x1a1: {  	s0 =	sadd.s32 @!p0 $0x100000, s0  }
0x1a2: {  	[sflag:s0] =	ssyncadd.tile.s32 @!p0 $0x1;
	_ =	shalt  }
.Lfunc_end2:
_tile_overlayer_lowered:
.L_overlay_start_2:
0x1a3: {  	(tag) =	ssettag $0x2  }
0x1a4: {  	s0 =	rddreg [dreg:$0x0];
	s2 =	stileid.u32  }
0x1a5: {  	s1 =	rddreg [dreg:$0x1];
	p0 =	sne.s32 s2, $0x0  }
0x1a6: {  	s3 =	rddreg [dreg:$0x2];
	[bflag:$0x3] =	sbarrier.arrive $0xFFFF;
	s2 =	simm.s32 @!p0 $0x1C05  }
0x1a7: {  	[timem:s3], [sflag:s2] =	dma.local @!p0 [hbm:s0], s1  }
0x1a8: {  	s0 =	simm.s32 @!p0 $0x5  }
0x1a9: {  	_ =	swait.ge @!p0 [sflag:s0], s1  }
0x1aa: {  	s1 =	ssub.s32 @!p0 $0x0, s1;
	[sflag:s0] =	ssyncset.done @!p0 $0x0  }
0x1ab: {  	[sflag:s0] =	ssyncadd.s32 @!p0 s1  }
0x1ac: {  	[bflag:$0x3] =	sbarrier.arrive $0xFFFF  }
0x1ad: {  	_ =	shalt  }

// kernel: kernel.7.cloned.1.call-start
scs
__scs_entry_jumppad:
0x0: {  	(pc) =	sbr.rel $0x88, $3  }
0x1: {  	(tag) =	ssettag $0x0;
	lr =	simm.s32 $0x1  }
0x2: {  	[smem:$0x3F98] =	sst lr;
	_ =	strace $0xD0000000  }
0x3: {  	_ = 	snop  }
0x4: {  	_ = 	snop  }
0x5: {  	_ = 	snop  }
0x6: {  	_ = 	snop  }
0x7: {  	_ = 	snop  }
__scs_overlays_trampoline_lowered:
0x8: {  	[smem:$0x3FA7] =	sst s0  }
0x9: {  	[smem:$0x3FA8] =	sst s1  }
0xa: {  	[smem:$0x3FA9] =	sst s2  }
0xb: {  	[smem:$0x3FAA] =	sst s3  }
0xc: {  	[smem:$0x3FAB] =	sst s4  }
0xd: {  	[smem:$0x3FAC] =	sst s5  }
0xe: {  	[smem:$0x3FAD] =	sst s6  }
0xf: {  	[smem:$0x3FAE] =	sst s7  }
0x10: {  	[smem:$0x3FAF] =	sst s8  }
0x11: {  	[smem:$0x3FB0] =	sst s9;
	s0 =	simm.s32 @!p0 $0x0  }
0x12: {  	s1 =	sld [smem:$0x3F96];
	s0 =	simm.s32 @p0 $0x1  }
0x13: {  	[smem:$0x3FB1] =	sst s0;
	s0 =	simm.s32 @!p1 $0x0  }
0x14: {  	s2 =	sld [smem:$0x3F95];
	s0 =	simm.s32 @p1 $0x1  }
0x15: {  	[smem:$0x3FB2] =	sst s0;
	s0 =	simm.s32 @!p2 $0x0  }
0x16: {  	s3 =	sld [smem:$0x3FDB];
	s0 =	simm.s32 @p2 $0x1  }
0x17: {  	s4 =	simm.s32 $0x1BF5;
	[smem:$0x3FB4] =	sst s0  }
0x18: {  	s0 =	sld [smem:$0x3F97];
	_ =	swait.ge [sflag:s4], $0x0  }
0x19: {  	s7 =	sld [smem:$0x3F98]  }
0x1a: {  	s8 =	sadd.s32 $0xFFFFE003, lr  }
0x1b: {  	s9 =	sadd.s32 $0xFFFFFEF7, lr;
	s5 =	simm.s32 $0xFFFFFFFF;
	p2 =	slt.u32 s8, $0xFFFFF086  }
0x1c: {  	p1 =	slt.u32 s9, $0xF7A;
	s5 =	simm.s32 @!p2 $0x0  }
0x1d: {  	s5 =	simm.s32 @p1 $0x1;
	p0 =	seq.s32 s7, s2  }
0x1e: {  	s7 =	smul.u32 @!p0 $0xF7A, s2;
	p2 =	seq.s32 @!p0 s5, $0x0  }
0x1f: {  	s9 =	smul.u32 $0xF7A, s1;
	s8 =	simm.s32 @!p0 $0x1BF5;
	p2 =	por !p2, p0  }
0x20: {  	[sflag:s8] =	ssyncset.s32 @!p0 $0xFFFFF086;
	s6 =	sadd.s32 @!p0 s3, s7;
	s7 =	simm.s32 @!p0 $0x108  }
0x21: {  	s3 =	sadd.s32 s3, s9;
	s6 =	sadd.s32 @!p0 $0x88, s6;
	s7 =	simm.s32 @p2 $0x1082  }
0x22: {  	[simem:s7], [sflag:s8] =	dma.local @!p0 [hbm:s6], $0xF7A  }
0x23: {  	s9 =	sor.u32 $0xD0000000, s2;
	s6 =	simm.s32 $0x108;
	_ =	swait.ge @!p0 [sflag:s8], $0x0  }
0x24: {  	s3 =	sadd.s32 $0x88, s3;
	s6 =	simm.s32 @!p1 $0x1082;
	[sflag:s4] =	ssyncset.s32 $0xFFFFF086  }
0x25: {  	[simem:s6], [sflag:s4] =	dma.local [hbm:s3], $0xF7A  }
0x26: {  	[smem:$0x3F98] =	sst s1;
	(tag) =	ssettag s2;
	_ =	strace s9  }
0x27: {  	s1 =	sld [smem:$0x3FA8]  }
0x28: {  	s2 =	sld [smem:$0x3FA9]  }
0x29: {  	s4 =	sld [smem:$0x3FAB]  }
0x2a: {  	p0 =	seq.s32 s5, $0x0;
	s5 =	sld [smem:$0x3FAC]  }
0x2b: {  	s6 =	sld [smem:$0x3FAD]  }
0x2c: {  	s7 =	sld [smem:$0x3FAE]  }
0x2d: {  	s3 =	simm.s32 $0x108;
	s8 =	sld [smem:$0x3FAF]  }
0x2e: {  	s3 =	simm.s32 @!p0 $0x1082;
	s9 =	sld [smem:$0x3FB0]  }
0x2f: {  	lr =	sadd.s32 s0, s3;
	s0 =	sld [smem:$0x3FA7]  }
0x30: {  	s3 =	sld [smem:$0x3FAA]  }
0x31: {  	[smem:$0x3FB3] =	sst s10  }
0x32: {  	s10 =	sld [smem:$0x3FB1];
	_ =	sdelay $0x3  }
0x33: {  	p0 =	seq.s32 s10, $0x1;
	s10 =	sld [smem:$0x3FB3];
	_ =	sdelay $0x3  }
0x34: {  	[smem:$0x3FB3] =	sst s10  }
0x35: {  	s10 =	sld [smem:$0x3FB2];
	_ =	sdelay $0x3  }
0x36: {  	p1 =	seq.s32 s10, $0x1;
	s10 =	sld [smem:$0x3FB3];
	_ =	sdelay $0x3  }
0x37: {  	[smem:$0x3FB3] =	sst s10  }
0x38: {  	s10 =	sld [smem:$0x3FB4]  }
0x39: {  	_ = 	snop;
	(pc) =	sbr.ind lr, $3  }
0x3a: {  	_ = 	snop  }
0x3b: {  	_ = 	snop  }
0x3c: {  	p2 =	seq.s32 s10, $0x1;
	s10 =	sld [smem:$0x3FB3]  }
0x3d: {  	_ =	shalt  }
0x3e: {  	_ =	shalt  }
0x3f: {  	_ =	shalt  }
0x40: {  	_ =	shalt  }
0x41: {  	_ =	shalt  }
0x42: {  	_ =	shalt  }
0x43: {  	_ =	shalt  }
0x44: {  	_ =	shalt  }
0x45: {  	_ =	shalt  }
0x46: {  	_ =	shalt  }
0x47: {  	_ =	shalt  }
0x48: {  	_ =	shalt  }
0x49: {  	_ =	shalt  }
0x4a: {  	_ =	shalt  }
0x4b: {  	_ =	shalt  }
0x4c: {  	_ =	shalt  }
0x4d: {  	_ =	shalt  }
0x4e: {  	_ =	shalt  }
0x4f: {  	_ =	shalt  }
0x50: {  	_ =	shalt  }
0x51: {  	_ =	shalt  }
0x52: {  	_ =	shalt  }
0x53: {  	_ =	shalt  }
0x54: {  	_ =	shalt  }
0x55: {  	_ =	shalt  }
0x56: {  	_ =	shalt  }
0x57: {  	_ =	shalt  }
0x58: {  	_ =	shalt  }
0x59: {  	_ =	shalt  }
0x5a: {  	_ =	shalt  }
0x5b: {  	_ =	shalt  }
0x5c: {  	_ =	shalt  }
0x5d: {  	_ =	shalt  }
0x5e: {  	_ =	shalt  }
0x5f: {  	_ =	shalt  }
0x60: {  	_ =	shalt  }
0x61: {  	_ =	shalt  }
0x62: {  	_ =	shalt  }
0x63: {  	_ =	shalt  }
0x64: {  	_ =	shalt  }
0x65: {  	_ =	shalt  }
0x66: {  	_ =	shalt  }
0x67: {  	_ =	shalt  }
0x68: {  	_ =	shalt  }
0x69: {  	_ =	shalt  }
0x6a: {  	_ =	shalt  }
0x6b: {  	_ =	shalt  }
0x6c: {  	_ =	shalt  }
0x6d: {  	_ =	shalt  }
0x6e: {  	_ =	shalt  }
0x6f: {  	_ =	shalt  }
0x70: {  	_ =	shalt  }
0x71: {  	_ =	shalt  }
0x72: {  	_ =	shalt  }
0x73: {  	_ =	shalt  }
0x74: {  	_ =	shalt  }
0x75: {  	_ =	shalt  }
0x76: {  	_ =	shalt  }
0x77: {  	_ =	shalt  }
0x78: {  	_ =	shalt  }
0x79: {  	_ =	shalt  }
0x7a: {  	_ =	shalt  }
0x7b: {  	_ =	shalt  }
0x7c: {  	_ =	shalt  }
0x7d: {  	_ =	shalt  }
0x7e: {  	_ =	shalt  }
0x7f: {  	_ =	shalt  }
0x80: {  	_ =	shalt  }
0x81: {  	_ =	shalt  }
0x82: {  	_ =	shalt  }
0x83: {  	_ =	shalt  }
0x84: {  	_ =	shalt  }
0x85: {  	_ =	shalt  }
0x86: {  	_ =	shalt  }
0x87: {  	_ =	shalt  }
.Lfunc_end0:
.L_simem_size_0:
called_computation_lowered:
.L_overlay_start_0:
0x88: {  	s2 =	sld [smem:$0x3FD9]  }
0x89: {  	s3 =	sld [smem:$0x3FFE];
	_ =	sdelay $0x1  }
0x8a: {  	s1 =	srdreg.scid  }
0x8b: {  	s0 =	sand.u32 $0x1, s1  }
0x8c: {  	s17 =	sshll.u32 s0, $0xA;
	s2 =	sadd.s32 s3, s2  }
0x8d: {  	s2 =	sadd.s32 s2, s17  }
0x8e: {  	[smem:$0x3FBF] =	sst s2  }
0x8f: {  	_ = 	snop  }
0x90: {  	s2 =	sld [smem:$0x3FD0];
	(tm) =	ssettm $0x1  }
0x91: {  	s18 =	sld [smem:$0x3FFB];
	_ =	sdelay $0x3  }
0x92: {  	_ =	strace s18  }
0x93: {  	s3 =	sld [smem:$0x3FFC];
	_ =	sdelay $0x3  }
0x94: {  	_ =	strace s3  }
0x95: {  	s3 =	sld [smem:$0x3FFD];
	_ =	sdelay $0x3  }
0x96: {  	_ =	strace s3  }
0x97: {  	_ =	strace $0x8FFFFFFF  }
0x98: {  	s19 =	sld [smem:$0x3FDB];
	_ =	sdelay $0x1  }
0x99: {  	s4 =	simm.s32 $_scs_section_size  }
0x9a: {  	s5 =	simm.s32 $_size__tile_overlayer_lowered;
	s6 =	simm.s32 $_tile_overlayer_lowered  }
0x9b: {  	s22 =	simm.s32 $0x1BFF;
	s21 =	sshll.u32 s6, $0x1;
	s3 =	sadd.s32 s4, s19  }
0x9c: {  	s7 =	simm.s32 $0x0;
	s20 =	sshll.u32 s5, $0x1;
	s5 =	sadd.s32 s21, s3  }
0x9d: {  	[timem:s7], [sflag:s22] =	dma.local [hbm:s5], s20  }
0x9e: {  	_ =	swait.ge [sflag:s22], s20  }
0x9f: {  	s4 =	ssub.s32 $0x0, s20;
	[sflag:s22] =	ssyncset.done $0x0  }
0xa0: {  	[sflag:s22] =	ssyncadd.s32 s4;
	_ =	sdelay $0x1  }
0xa1: {  	s23 =	simm.s32 $0x1B8B  }
0xa2: {  	_ =	swait.ge [sflag:s23], $0x1  }
0xa3: {  	[sflag:s23] =	ssyncset.done $0x0  }
0xa4: {  	s25 =	simm.s32 $0x1B8E;
	s24 =	sld [smem:$0x3FFE];
	[sflag:s23] =	ssyncadd.s32 $0xFFFFFFFF  }
0xa5: {  	s26 =	simm.s32 $execute0_lowered;
	[smem:$0x3FD2] =	sst s25  }
0xa6: {  	s5 =	sshll.u32 s26, $0x1;
	_ =	strace $0x80000046;
	[dreg:$0x1] =	wrdreg $0xFFFFFFFF  }
0xa7: {  	s28 =	simm.s32 $_size_execute0_lowered;
	s3 =	sadd.s32 s3, s5;
	[dreg:$0x0] =	wrdreg $0x0  }
0xa8: {  	s5 =	sshll.u32 s28, $0x1;
	[dreg:$0x2] =	wrdreg s3  }
0xa9: {  	[dreg:$0x3] =	wrdreg s5  }
0xaa: {  	[dreg:$0x4] =	wrdreg $0xC0  }
0xab: {  	_ =	task [dreg:s7], $0x5FFFF  }
0xac: {  	[dreg:$0x1] =	wrdreg $0xFFFFFFFF  }
0xad: {  	[dreg:$0x0] =	wrdreg $0x60  }
0xae: {  	[dreg:$0x2] =	wrdreg s24  }
0xaf: {  	[dreg:$0x3] =	wrdreg s2  }
0xb0: {  	[dreg:$0x4] =	wrdreg $0xAA000  }
0xb1: {  	[dreg:$0x5] =	wrdreg $0x9  }
0xb2: {  	_ =	task.clear_ibuf [dreg:s7], $0x6FFFF;
	_ =	strace $0x90000046  }
0xb3: {  	s29 =	simm.s32 $0x9;
	_ =	strace $0x80000048  }
0xb4: {  	_ =	swait.ge [sflag:s29], $0x1  }
0xb5: {  	[sflag:s29] =	ssyncadd.s32 $0xFFFFFFFF  }
0xb6: {  	_ =	strace $0x90000048  }
0xb7: {  	_ =	sfence  }
0xb8: {  	s30 =	sld [smem:$0x0];
	_ =	sdelay $0x2  }
0xb9: {  	s31 =	sshll.u32 s1, $0xD;
	s1 =	sshrl.u32 s1, $0x2  }
0xba: {  	s3 =	sand.u32 $0x4000, s31;
	s1 =	sadd.s32 s1, s30  }
0xbb: {  	s0 =	sor.u32 s3, s0;
	s1 =	sshll.u32 s1, $0x11  }
0xbc: {  	s0 =	sor.u32 s1, s0  }
0xbd: {  	s0 =	sadd.s32 $0x8F2B, s0  }
0xbe: {  	[sflag:s0] =	ssyncadd.remote.s32 $0x1  }
0xbf: {  	_ =	sfence.sel $0xFFFF  }
0xc0: {  	[dreg:$0x0] =	wrdreg $0xFFFFFFFF;
	(pc) =	sbr.abs _section_cstart, $3  }
0xc1: {  	[dreg:$0x1] =	wrdreg $0xFFFFFFFF  }
0xc2: {  	_ =	task.clear_ibuf [dreg:s7], $0x2FFFF;
	_ =	strace $0x9FFFFFFF  }
0xc3: {  	(tm) =	ssettm $0x7FFFFFFF  }
tec
execute0_lowered:
.L_overlay_start_1:
0x0: {  	(tag) =	ssettag $0x1  }
0x1: {  	s6 =	rddreg [dreg:$0x0];
	s0 =	srdreg.scid  }
0x2: {  	s7 =	rddreg [dreg:$0x1];
	s1 =	stileid.u32  }
0x3: {  	s2 =	rddreg [dreg:$0x2];
	s3 =	simm.s32 $0x0;
	s14 =	simm.s32 $0x2800  }
0x4: {  	s15 =	simm.s32 $0x2A00;
	s16 =	simm.s32 $0x2880;
	s17 =	simm.s32 $0x6A00  }
0x5: {  	s18 =	simm.s32 $0x1;
	s19 =	simm.s32 $0x2900;
	s5 =	smul.u32 $0x1400, s1  }
0x6: {  	s20 =	simm.s32 $0x2;
	s22 =	simm.s32 $0x3;
	s29 =	smul.u32 $0x14000, s1  }
0x7: {  	s23 =	simm.s32 $0x4;
	s8 =	sand.u32 $0x1, s0;
	s12 =	smul.u32 $0x50000, s1  }
0x8: {  	s25 =	simm.s32 $0x0;
	[smem:$0x7FF] =	sst s3;
	s4 =	smul.u32 $0x14000, s8  }
0x9: {  	p0 =	sne.s32 s1, $0x0;
	s9 =	smul.u32 $0x140000, s8;
	s8 =	ssub.s32 $0x2, s8  }
0xa: {  	_ =	strace $0x80000047;
	s30 =	sshrl.u32 s8, $0x1;
	s31 =	sshrl.u32 s12, $0x2  }
0xb: {  	s4 =	sadd.s32 s5, s4;
	s9 =	sadd.s32 s29, s9;
	s5 =	sadd.s32 $0x2E600, s6  }
0xc: {  	s13 =	ssub.s32 s8, s30;
	s24 =	sadd.s32 s31, s2;
	s10 =	sshrl.u32 s4, $0x3  }
0xd: {  	s4 =	sadd.s32 $0x6600, s6;
	s9 =	sshrl.u32 s9, $0x3;
	s24 =	sshrl.u32 s24, $0x3  }
0xe: {  	s11 =	sadd.s32 s10, s6;
	s9 =	sadd.s32 s9, s6;
	s6 =	sadd.s32 s7, s10  }
0xf: {  	s10 =	sshrl.u32 @!p0 s2, $0x3;
	s7 =	sadd.s32 $0x1600, s11;
	s8 =	sadd.s32 $0x56600, s9  }
0x10: {  	s9 =	smax.u32 s13, $0x1;
	s11 =	simm.s32 $0x5;
	s13 =	simm.s32 $0x80  }
.LBB2_1:
0x11: {  	s26 =	simm.s32 @!p0 $0x1C05  }
0x12: {  	[spmem:s10], [sflag:s26] =	dma.local @!p0 [hbm:s5], $0x28000  }
0x13: {  	s26 =	simm.s32 @!p0 $0x5  }
0x14: {  	_ =	swait.ge @!p0 [sflag:s26], $0x28000  }
0x15: {  	[sflag:s26] =	ssyncset.done @!p0 $0x0  }
0x16: {  	[sflag:s26] =	ssyncadd.s32 @!p0 $0xFFFD8000  }
0x17: {  	[tilespmem:s3], [sflag:$0x5] =	stream.linear.gather [hbm4b:s6+s3], $0x1400, $0x38;
	[tilespmem:$0x1EA00] =	vst v63  }
0x18: {  	_ =	swait.ge [sflag:s11], $0x1400  }
0x19: {  	[sflag:s11] =	ssyncset.done $0x0  }
0x1a: {  	s0 =	simm.s32 $0x1400;
	[sflag:s11] =	ssyncadd.s32 $0xFFFFEC00  }
0x1b: {  	[tilespmem:s0], [sflag:$0x5] =	stream.linear.gather [hbm4b:s7+s3], $0x1400, $0x38;
	[tilespmem:$0x1EA00] =	vst v63  }
0x1c: {  	_ =	swait.ge [sflag:s11], $0x1400  }
0x1d: {  	[sflag:s11] =	ssyncset.done $0x0  }
0x1e: {  	p1 =	por $0x1, $0x1;
	[sflag:s11] =	ssyncadd.s32 $0xFFFFEC00  }
0x1f: {  	s28 =	simm.s32 @!p1 $0x3;
	[bflag:$0x0] =	sbarrier.arrive $0xFFFF  }
0x20: {  	_ =	swait.ge @!p1 [sflag:s28], $0x4000  }
0x21: {  	[sflag:s28] =	ssyncset.done @!p1 $0x0  }
0x22: {  	s21 =	simm.s32 $0x40;
	[sflag:s28] =	ssyncadd.s32 @!p1 $0xFFFFC000  }
0x23: {  	v0 =	vld [tilespmem:s21+$0xFFFFFFC0];
	_ =	sdelay $0x4  }
0x24: {  	v0 =	vand.u32 $0xFFFF, v0  }
0x25: {  	[tilespmem:$0x2800] =	vst v0  }
0x26: {  	v0 =	vld [tilespmem:s21+$0xFFFFFFD0];
	_ =	sdelay $0x4  }
0x27: {  	v0 =	vand.u32 $0xFFFF, v0  }
0x28: {  	[tilespmem:$0x2810] =	vst v0  }
0x29: {  	v0 =	vld [tilespmem:s21+$0xFFFFFFE0];
	_ =	sdelay $0x4  }
0x2a: {  	v0 =	vand.u32 $0xFFFF, v0  }
0x2b: {  	[tilespmem:$0x2820] =	vst v0  }
0x2c: {  	v0 =	vld [tilespmem:s21+$0xFFFFFFF0];
	_ =	sdelay $0x4  }
0x2d: {  	v0 =	vand.u32 $0xFFFF, v0  }
0x2e: {  	[tilespmem:$0x2830] =	vst v0  }
0x2f: {  	v0 =	vld [tilespmem:s21+$0x0];
	_ =	sdelay $0x4  }
0x30: {  	v0 =	vand.u32 $0xFFFF, v0  }
0x31: {  	[tilespmem:$0x2840] =	vst v0  }
0x32: {  	v0 =	vld [tilespmem:s21+$0x10];
	_ =	sdelay $0x4  }
0x33: {  	v0 =	vand.u32 $0xFFFF, v0  }
0x34: {  	[tilespmem:$0x2850] =	vst v0  }
0x35: {  	v0 =	vld [tilespmem:s21+$0x20];
	_ =	sdelay $0x4  }
0x36: {  	v0 =	vand.u32 $0xFFFF, v0  }
0x37: {  	[tilespmem:$0x2860] =	vst v0  }
0x38: {  	v0 =	vld [tilespmem:s21+$0x30]  }
0x39: {  	s28 =	simm.s32 $0xFFFFFFFF  }
0x3a: {  	s28 =	sand.u32 @!p1 $0x80, s28  }
0x3b: {  	s28 =	sshrl.u32 @!p1 s28, $0x7  }
0x3c: {  	s28 =	sadd.s32 @!p1 $0xFFFFFFFF, s28  }
0x3d: {  	s28 =	sshll.u32 @!p1 s28, $0x18;
	v0 =	vand.u32 $0xFFFF, v0  }
0x3e: {  	s29 =	simm.s32 @!p1 $0x2;
	s28 =	sshra.s32 @!p1 s28, $0x19;
	[tilespmem:$0x2870] =	vst v0  }
0x3f: {  	[tilespmem:s15], [sflag:$0x1] =	stream.indirect.gather [hbm4b:s4+s13], $0x80, s14, s13, $0xb8;
	[tilespmem:$0x1EA00] =	vst v63  }
0x40: {  	s28 =	sadd.s32 @!p1 $0xFFFFFFFF, s28;
	_ =	swait.ge @!p1 [sflag:s29], $0x4000  }
0x41: {  	s28 =	sshll.u32 @!p1 s28, $0x9;
	[sflag:s29] =	ssyncset.done @!p1 $0x0  }
0x42: {  	s28 =	sshra.s32 @!p1 s28, $0x2;
	[sflag:s29] =	ssyncadd.s32 @!p1 $0xFFFFC000  }
0x43: {  	v0 =	vld @!p1 [tilespmem:s28+$0x1400];
	_ =	sdelay $0x4  }
0x44: {  	v0 =	vshrl.u32 @!p1 v0, $0x10  }
0x45: {  	[tilespmem:$0x2980] =	vst @!p1 v0  }
0x46: {  	v0 =	vld @!p1 [tilespmem:s28+$0x1410];
	_ =	sdelay $0x4  }
0x47: {  	v0 =	vshrl.u32 @!p1 v0, $0x10  }
0x48: {  	[tilespmem:$0x2990] =	vst @!p1 v0  }
0x49: {  	v0 =	vld @!p1 [tilespmem:s28+$0x1420];
	_ =	sdelay $0x4  }
0x4a: {  	v0 =	vshrl.u32 @!p1 v0, $0x10  }
0x4b: {  	[tilespmem:$0x29A0] =	vst @!p1 v0  }
0x4c: {  	v0 =	vld @!p1 [tilespmem:s28+$0x1430];
	_ =	sdelay $0x4  }
0x4d: {  	v0 =	vshrl.u32 @!p1 v0, $0x10  }
0x4e: {  	[tilespmem:$0x29B0] =	vst @!p1 v0  }
0x4f: {  	v0 =	vld @!p1 [tilespmem:s28+$0x1440];
	_ =	sdelay $0x4  }
0x50: {  	v0 =	vshrl.u32 @!p1 v0, $0x10  }
0x51: {  	[tilespmem:$0x29C0] =	vst @!p1 v0  }
0x52: {  	v0 =	vld @!p1 [tilespmem:s28+$0x1450];
	_ =	sdelay $0x4  }
0x53: {  	v0 =	vshrl.u32 @!p1 v0, $0x10  }
0x54: {  	[tilespmem:$0x29D0] =	vst @!p1 v0  }
0x55: {  	v0 =	vld @!p1 [tilespmem:s28+$0x1460];
	_ =	sdelay $0x4  }
0x56: {  	v0 =	vshrl.u32 @!p1 v0, $0x10  }
0x57: {  	[tilespmem:$0x29E0] =	vst @!p1 v0  }
0x58: {  	v0 =	vld @!p1 [tilespmem:s28+$0x1470];
	_ =	sdelay $0x4  }
0x59: {  	s30 =	simm.s32 @!p1 $0x6A00;
	v0 =	vshrl.u32 @!p1 v0, $0x10  }
0x5a: {  	s31 =	simm.s32 @!p1 $0x4;
	s29 =	simm.s32 @!p1 $0x2980;
	s28 =	simm.s32 @!p1 $0x80;
	[tilespmem:$0x29F0] =	vst @!p1 v0  }
0x5b: {  	[spmem:s2] =	stream.indirect.scatter.add.f32 @!p1 [tilespmem:s30], [sflag:$0x4], $0x80, s29, s28, $0xb8;
	[tilespmem:$0x1EA00] =	vst v63  }
0x5c: {  	_ =	swait.ge @!p1 [sflag:s31], $0x4000  }
0x5d: {  	[sflag:s31] =	ssyncset.done @!p1 $0x0  }
0x5e: {  	[sflag:s31] =	ssyncadd.s32 @!p1 $0xFFFFC000  }
0x5f: {  	v0 =	vld [tilespmem:s21+$0xFFFFFFC0];
	_ =	sdelay $0x4  }
0x60: {  	v0 =	vshrl.u32 v0, $0x10  }
0x61: {  	[tilespmem:$0x2880] =	vst v0  }
0x62: {  	v0 =	vld [tilespmem:s21+$0xFFFFFFD0];
	_ =	sdelay $0x4  }
0x63: {  	v0 =	vshrl.u32 v0, $0x10  }
0x64: {  	[tilespmem:$0x2890] =	vst v0  }
0x65: {  	v0 =	vld [tilespmem:s21+$0xFFFFFFE0];
	_ =	sdelay $0x4  }
0x66: {  	v0 =	vshrl.u32 v0, $0x10  }
0x67: {  	[tilespmem:$0x28A0] =	vst v0  }
0x68: {  	v0 =	vld [tilespmem:s21+$0xFFFFFFF0];
	_ =	sdelay $0x4  }
0x69: {  	v0 =	vshrl.u32 v0, $0x10  }
0x6a: {  	[tilespmem:$0x28B0] =	vst v0  }
0x6b: {  	v0 =	vld [tilespmem:s21+$0x0];
	_ =	sdelay $0x4  }
0x6c: {  	v0 =	vshrl.u32 v0, $0x10  }
0x6d: {  	[tilespmem:$0x28C0] =	vst v0  }
0x6e: {  	v0 =	vld [tilespmem:s21+$0x10];
	_ =	sdelay $0x4  }
0x6f: {  	v0 =	vshrl.u32 v0, $0x10  }
0x70: {  	[tilespmem:$0x28D0] =	vst v0  }
0x71: {  	v0 =	vld [tilespmem:s21+$0x20];
	_ =	sdelay $0x4  }
0x72: {  	v0 =	vshrl.u32 v0, $0x10  }
0x73: {  	[tilespmem:$0x28E0] =	vst v0  }
0x74: {  	v0 =	vld [tilespmem:s21+$0x30];
	_ =	sdelay $0x4  }
0x75: {  	v0 =	vshrl.u32 v0, $0x10  }
0x76: {  	[tilespmem:$0x28F0] =	vst v0  }
0x77: {  	[tilespmem:s17], [sflag:$0x2] =	stream.indirect.gather [hbm4b:s4+s13], $0x80, s16, s13, $0xb8;
	[tilespmem:$0x1EA00] =	vst v63  }
0x78: {  	_ =	swait.ge [sflag:s18], $0x4000  }
0x79: {  	[sflag:s18] =	ssyncset.done $0x0  }
0x7a: {  	s26 =	simm.s32 $0x1440;
	[sflag:s18] =	ssyncadd.s32 $0xFFFFC000  }
0x7b: {  	v0 =	vld [tilespmem:s26+$0xFFFFFFC0];
	_ =	sdelay $0x4  }
0x7c: {  	v0 =	vand.u32 $0xFFFF, v0  }
0x7d: {  	[tilespmem:$0x2900] =	vst v0  }
0x7e: {  	v0 =	vld [tilespmem:s26+$0xFFFFFFD0];
	_ =	sdelay $0x4  }
0x7f: {  	v0 =	vand.u32 $0xFFFF, v0  }
0x80: {  	[tilespmem:$0x2910] =	vst v0  }
0x81: {  	v0 =	vld [tilespmem:s26+$0xFFFFFFE0];
	_ =	sdelay $0x4  }
0x82: {  	v0 =	vand.u32 $0xFFFF, v0  }
0x83: {  	[tilespmem:$0x2920] =	vst v0  }
0x84: {  	v0 =	vld [tilespmem:s26+$0xFFFFFFF0];
	_ =	sdelay $0x4  }
0x85: {  	v0 =	vand.u32 $0xFFFF, v0  }
0x86: {  	[tilespmem:$0x2930] =	vst v0  }
0x87: {  	v0 =	vld [tilespmem:s26+$0x0];
	_ =	sdelay $0x4  }
0x88: {  	v0 =	vand.u32 $0xFFFF, v0  }
0x89: {  	[tilespmem:$0x2940] =	vst v0  }
0x8a: {  	v0 =	vld [tilespmem:s26+$0x10];
	_ =	sdelay $0x4  }
0x8b: {  	v0 =	vand.u32 $0xFFFF, v0  }
0x8c: {  	[tilespmem:$0x2950] =	vst v0  }
0x8d: {  	v0 =	vld [tilespmem:s26+$0x20];
	_ =	sdelay $0x4  }
0x8e: {  	v0 =	vand.u32 $0xFFFF, v0  }
0x8f: {  	[tilespmem:$0x2960] =	vst v0  }
0x90: {  	v0 =	vld [tilespmem:s26+$0x30];
	_ =	sdelay $0x1  }
0x91: {  	p2 =	por $0x0, $0x0  }
0x92: {  	s29 =	simm.s32 $0x1;
	s30 =	simm.s32 $0x3;
	s28 =	simm.s32 $0xC0  }
.LBB2_2:
0x93: {  	s0 =	simm.s32 @!p2 $0x3  }
0x94: {  	v0 =	vand.u32 $0xFFFF, v0;
	s26 =	sadd.s32 $0x80, s26;
	s31 =	smov.u32 s30;
	s30 =	sadd.s32 $0x2, s30  }
0x95: {  	p1 =	sne.s32 s30, $0x4F;
	[tilespmem:$0x2970] =	vst v0  }
0x96: {  	[spmem:s2] =	stream.indirect.scatter.add.f32 [tilespmem:s15], [sflag:$0x3], $0x80, s19, s13, $0xb8;
	[tilespmem:$0x1EA00] =	vst v63  }
0x97: {  	_ =	swait.ge @!p2 [sflag:s0], $0x4000  }
0x98: {  	[sflag:s0] =	ssyncset.done @!p2 $0x0  }
0x99: {  	[sflag:s0] =	ssyncadd.s32 @!p2 $0xFFFFC000  }
0x9a: {  	v0 =	vld [tilespmem:s28+$0xFFFFFFC0];
	_ =	sdelay $0x4  }
0x9b: {  	v0 =	vand.u32 $0xFFFF, v0  }
0x9c: {  	[tilespmem:$0x2800] =	vst v0  }
0x9d: {  	v0 =	vld [tilespmem:s28+$0xFFFFFFD0];
	_ =	sdelay $0x4  }
0x9e: {  	v0 =	vand.u32 $0xFFFF, v0  }
0x9f: {  	[tilespmem:$0x2810] =	vst v0  }
0xa0: {  	v0 =	vld [tilespmem:s28+$0xFFFFFFE0];
	_ =	sdelay $0x4  }
0xa1: {  	v0 =	vand.u32 $0xFFFF, v0  }
0xa2: {  	[tilespmem:$0x2820] =	vst v0  }
0xa3: {  	v0 =	vld [tilespmem:s28+$0xFFFFFFF0];
	_ =	sdelay $0x4  }
0xa4: {  	v0 =	vand.u32 $0xFFFF, v0  }
0xa5: {  	[tilespmem:$0x2830] =	vst v0  }
0xa6: {  	v0 =	vld [tilespmem:s28+$0x0];
	_ =	sdelay $0x4  }
0xa7: {  	v0 =	vand.u32 $0xFFFF, v0  }
0xa8: {  	[tilespmem:$0x2840] =	vst v0  }
0xa9: {  	v0 =	vld [tilespmem:s28+$0x10];
	_ =	sdelay $0x4  }
0xaa: {  	v0 =	vand.u32 $0xFFFF, v0  }
0xab: {  	[tilespmem:$0x2850] =	vst v0  }
0xac: {  	v0 =	vld [tilespmem:s28+$0x20];
	_ =	sdelay $0x4  }
0xad: {  	v0 =	vand.u32 $0xFFFF, v0  }
0xae: {  	[tilespmem:$0x2860] =	vst v0  }
0xaf: {  	v0 =	vld [tilespmem:s28+$0x30];
	_ =	sdelay $0x1  }
0xb0: {  	s0 =	sand.u32 @!p2 $0x80, s29  }
0xb1: {  	s0 =	sshrl.u32 @!p2 s0, $0x7  }
0xb2: {  	s0 =	sadd.s32 @!p2 s0, s29  }
0xb3: {  	s0 =	sshll.u32 @!p2 s0, $0x18;
	v0 =	vand.u32 $0xFFFF, v0  }
0xb4: {  	s12 =	simm.s32 @!p2 $0x2;
	s29 =	sshra.s32 @!p2 s29, $0x1F;
	s0 =	sshra.s32 @!p2 s0, $0x19;
	[tilespmem:$0x2870] =	vst v0  }
0xb5: {  	[tilespmem:s15], [sflag:$0x1] =	stream.indirect.gather [hbm4b:s4+s13], $0x80, s14, s13, $0xb8;
	[tilespmem:$0x1EA00] =	vst v63  }
0xb6: {  	s0 =	sadd.s32 @!p2 s0, s29;
	s29 =	smov.u32 s31;
	_ =	swait.ge @!p2 [sflag:s12], $0x4000  }
0xb7: {  	s0 =	sshll.u32 @!p2 s0, $0x9;
	[sflag:s12] =	ssyncset.done @!p2 $0x0  }
0xb8: {  	s31 =	sshra.s32 @!p2 s0, $0x2;
	[sflag:s12] =	ssyncadd.s32 @!p2 $0xFFFFC000  }
0xb9: {  	v0 =	vld @!p2 [tilespmem:s31+$0x1400];
	_ =	sdelay $0x4  }
0xba: {  	v0 =	vshrl.u32 @!p2 v0, $0x10  }
0xbb: {  	[tilespmem:$0x2980] =	vst @!p2 v0  }
0xbc: {  	v0 =	vld @!p2 [tilespmem:s31+$0x1410];
	_ =	sdelay $0x4  }
0xbd: {  	v0 =	vshrl.u32 @!p2 v0, $0x10  }
0xbe: {  	[tilespmem:$0x2990] =	vst @!p2 v0  }
0xbf: {  	v0 =	vld @!p2 [tilespmem:s31+$0x1420];
	_ =	sdelay $0x4  }
0xc0: {  	v0 =	vshrl.u32 @!p2 v0, $0x10  }
0xc1: {  	[tilespmem:$0x29A0] =	vst @!p2 v0  }
0xc2: {  	v0 =	vld @!p2 [tilespmem:s31+$0x1430];
	_ =	sdelay $0x4  }
0xc3: {  	v0 =	vshrl.u32 @!p2 v0, $0x10  }
0xc4: {  	[tilespmem:$0x29B0] =	vst @!p2 v0  }
0xc5: {  	v0 =	vld @!p2 [tilespmem:s31+$0x1440];
	_ =	sdelay $0x4  }
0xc6: {  	v0 =	vshrl.u32 @!p2 v0, $0x10  }
0xc7: {  	[tilespmem:$0x29C0] =	vst @!p2 v0  }
0xc8: {  	v0 =	vld @!p2 [tilespmem:s31+$0x1450];
	_ =	sdelay $0x4  }
0xc9: {  	v0 =	vshrl.u32 @!p2 v0, $0x10  }
0xca: {  	[tilespmem:$0x29D0] =	vst @!p2 v0  }
0xcb: {  	v0 =	vld @!p2 [tilespmem:s31+$0x1460];
	_ =	sdelay $0x4  }
0xcc: {  	v0 =	vshrl.u32 @!p2 v0, $0x10  }
0xcd: {  	[tilespmem:$0x29E0] =	vst @!p2 v0  }
0xce: {  	v0 =	vld @!p2 [tilespmem:s31+$0x1470];
	_ =	sdelay $0x4  }
0xcf: {  	s0 =	simm.s32 @!p2 $0x80;
	s12 =	simm.s32 @!p2 $0x2980;
	s31 =	simm.s32 @!p2 $0x6A00;
	v0 =	vshrl.u32 @!p2 v0, $0x10  }
0xd0: {  	s21 =	simm.s32 @!p2 $0x4;
	[tilespmem:$0x29F0] =	vst @!p2 v0  }
0xd1: {  	[spmem:s2] =	stream.indirect.scatter.add.f32 @!p2 [tilespmem:s31], [sflag:$0x4], $0x80, s12, s0, $0xb8;
	[tilespmem:$0x1EA00] =	vst v63  }
0xd2: {  	_ =	swait.ge @!p2 [sflag:s21], $0x4000  }
0xd3: {  	[sflag:s21] =	ssyncset.done @!p2 $0x0  }
0xd4: {  	[sflag:s21] =	ssyncadd.s32 @!p2 $0xFFFFC000  }
0xd5: {  	v0 =	vld [tilespmem:s28+$0xFFFFFFC0];
	_ =	sdelay $0x4  }
0xd6: {  	v0 =	vshrl.u32 v0, $0x10  }
0xd7: {  	[tilespmem:$0x2880] =	vst v0  }
0xd8: {  	v0 =	vld [tilespmem:s28+$0xFFFFFFD0];
	_ =	sdelay $0x4  }
0xd9: {  	v0 =	vshrl.u32 v0, $0x10  }
0xda: {  	[tilespmem:$0x2890] =	vst v0  }
0xdb: {  	v0 =	vld [tilespmem:s28+$0xFFFFFFE0];
	_ =	sdelay $0x4  }
0xdc: {  	v0 =	vshrl.u32 v0, $0x10  }
0xdd: {  	[tilespmem:$0x28A0] =	vst v0  }
0xde: {  	v0 =	vld [tilespmem:s28+$0xFFFFFFF0];
	_ =	sdelay $0x4  }
0xdf: {  	v0 =	vshrl.u32 v0, $0x10  }
0xe0: {  	[tilespmem:$0x28B0] =	vst v0  }
0xe1: {  	v0 =	vld [tilespmem:s28+$0x0];
	_ =	sdelay $0x4  }
0xe2: {  	v0 =	vshrl.u32 v0, $0x10  }
0xe3: {  	[tilespmem:$0x28C0] =	vst v0  }
0xe4: {  	v0 =	vld [tilespmem:s28+$0x10];
	_ =	sdelay $0x4  }
0xe5: {  	v0 =	vshrl.u32 v0, $0x10  }
0xe6: {  	[tilespmem:$0x28D0] =	vst v0  }
0xe7: {  	v0 =	vld [tilespmem:s28+$0x20];
	_ =	sdelay $0x4  }
0xe8: {  	v0 =	vshrl.u32 v0, $0x10  }
0xe9: {  	[tilespmem:$0x28E0] =	vst v0  }
0xea: {  	v0 =	vld [tilespmem:s28+$0x30];
	_ =	sdelay $0x4  }
0xeb: {  	v0 =	vshrl.u32 v0, $0x10  }
0xec: {  	[tilespmem:$0x28F0] =	vst v0  }
0xed: {  	[tilespmem:s17], [sflag:$0x2] =	stream.indirect.gather [hbm4b:s4+s13], $0x80, s16, s13, $0xb8;
	[tilespmem:$0x1EA00] =	vst v63  }
0xee: {  	_ =	swait.ge [sflag:s18], $0x4000  }
0xef: {  	[sflag:s18] =	ssyncset.done $0x0  }
0xf0: {  	[sflag:s18] =	ssyncadd.s32 $0xFFFFC000  }
0xf1: {  	v0 =	vld [tilespmem:s26+$0xFFFFFFC0];
	_ =	sdelay $0x4  }
0xf2: {  	v0 =	vand.u32 $0xFFFF, v0  }
0xf3: {  	[tilespmem:$0x2900] =	vst v0  }
0xf4: {  	v0 =	vld [tilespmem:s26+$0xFFFFFFD0];
	_ =	sdelay $0x4  }
0xf5: {  	v0 =	vand.u32 $0xFFFF, v0  }
0xf6: {  	[tilespmem:$0x2910] =	vst v0  }
0xf7: {  	v0 =	vld [tilespmem:s26+$0xFFFFFFE0];
	_ =	sdelay $0x4  }
0xf8: {  	v0 =	vand.u32 $0xFFFF, v0  }
0xf9: {  	[tilespmem:$0x2920] =	vst v0  }
0xfa: {  	v0 =	vld [tilespmem:s26+$0xFFFFFFF0];
	_ =	sdelay $0x4  }
0xfb: {  	v0 =	vand.u32 $0xFFFF, v0  }
0xfc: {  	[tilespmem:$0x2930] =	vst v0  }
0xfd: {  	v0 =	vld [tilespmem:s26+$0x0];
	_ =	sdelay $0x4  }
0xfe: {  	v0 =	vand.u32 $0xFFFF, v0  }
0xff: {  	[tilespmem:$0x2940] =	vst v0  }
0x100: {  	v0 =	vld [tilespmem:s26+$0x10];
	_ =	sdelay $0x4  }
0x101: {  	v0 =	vand.u32 $0xFFFF, v0  }
0x102: {  	[tilespmem:$0x2950] =	vst v0  }
0x103: {  	v0 =	vld [tilespmem:s26+$0x20];
	_ =	sdelay $0x4  }
0x104: {  	v0 =	vand.u32 $0xFFFF, v0  }
0x105: {  	[tilespmem:$0x2960] =	vst v0  }
.Ltmp0:
0x106: {  	v0 =	vld [tilespmem:s26+$0x30];
	(pc) =	sbr.rel @p1 .LBB2_2-.Ltmp0, $2  }
0x107: {  	_ =	sdelay $0x2  }
0x108: {  	p2 =	seq.s32 s29, $0xFFFFFFFF;
	s28 =	sadd.s32 $0x80, s28  }
0x109: {  	v0 =	vand.u32 $0xFFFF, v0  }
0x10a: {  	s0 =	simm.s32 @!p2 $0x3;
	[tilespmem:$0x2970] =	vst v0  }
0x10b: {  	[spmem:s2] =	stream.indirect.scatter.add.f32 [tilespmem:s15], [sflag:$0x3], $0x80, s19, s13, $0xb8;
	[tilespmem:$0x1EA00] =	vst v63  }
0x10c: {  	_ =	swait.ge @!p2 [sflag:s0], $0x4000  }
0x10d: {  	[sflag:s0] =	ssyncset.done @!p2 $0x0  }
0x10e: {  	[sflag:s0] =	ssyncadd.s32 @!p2 $0xFFFFC000  }
0x10f: {  	v51 =	vld [tilespmem:s28+$0xFFFFFFC0];
	_ =	sdelay $0x4  }
0x110: {  	v0 =	vand.u32 $0xFFFF, v51  }
0x111: {  	[tilespmem:$0x2800] =	vst v0  }
0x112: {  	v0 =	vld [tilespmem:s28+$0xFFFFFFD0];
	_ =	sdelay $0x4  }
0x113: {  	v0 =	vand.u32 $0xFFFF, v0  }
0x114: {  	[tilespmem:$0x2810] =	vst v0  }
0x115: {  	v0 =	vld [tilespmem:s28+$0xFFFFFFE0];
	_ =	sdelay $0x4  }
0x116: {  	v0 =	vand.u32 $0xFFFF, v0  }
0x117: {  	[tilespmem:$0x2820] =	vst v0  }
0x118: {  	v0 =	vld [tilespmem:s28+$0xFFFFFFF0];
	_ =	sdelay $0x4  }
0x119: {  	v0 =	vand.u32 $0xFFFF, v0  }
0x11a: {  	[tilespmem:$0x2830] =	vst v0  }
0x11b: {  	v0 =	vld [tilespmem:s28+$0x0];
	_ =	sdelay $0x4  }
0x11c: {  	v0 =	vand.u32 $0xFFFF, v0  }
0x11d: {  	[tilespmem:$0x2840] =	vst v0  }
0x11e: {  	v0 =	vld [tilespmem:s28+$0x10];
	_ =	sdelay $0x4  }
0x11f: {  	v0 =	vand.u32 $0xFFFF, v0  }
0x120: {  	[tilespmem:$0x2850] =	vst v0  }
0x121: {  	v0 =	vld [tilespmem:s28+$0x20];
	_ =	sdelay $0x4  }
0x122: {  	v0 =	vand.u32 $0xFFFF, v0  }
0x123: {  	[tilespmem:$0x2860] =	vst v0  }
0x124: {  	v0 =	vld [tilespmem:s28+$0x30];
	_ =	sdelay $0x1  }
0x125: {  	s0 =	sand.u32 @!p2 $0x80, s29  }
0x126: {  	s0 =	sshrl.u32 @!p2 s0, $0x7  }
0x127: {  	s0 =	sadd.s32 @!p2 s0, s29  }
0x128: {  	s0 =	sshll.u32 @!p2 s0, $0x18;
	v0 =	vand.u32 $0xFFFF, v0  }
0x129: {  	s12 =	simm.s32 @!p2 $0x2;
	s21 =	sshra.s32 @!p2 s29, $0x1F;
	s0 =	sshra.s32 @!p2 s0, $0x19;
	[tilespmem:$0x2870] =	vst v0  }
0x12a: {  	[tilespmem:s15], [sflag:$0x1] =	stream.indirect.gather [hbm4b:s4+s13], $0x80, s14, s13, $0xb8;
	[tilespmem:$0x1EA00] =	vst v63  }
0x12b: {  	s0 =	sadd.s32 @!p2 s0, s21;
	_ =	swait.ge @!p2 [sflag:s12], $0x4000  }
0x12c: {  	s0 =	sshll.u32 @!p2 s0, $0x9;
	[sflag:s12] =	ssyncset.done @!p2 $0x0  }
0x12d: {  	s0 =	sshra.s32 @!p2 s0, $0x2;
	[sflag:s12] =	ssyncadd.s32 @!p2 $0xFFFFC000  }
0x12e: {  	v0 =	vld @!p2 [tilespmem:s0+$0x1400];
	_ =	sdelay $0x4  }
0x12f: {  	v0 =	vshrl.u32 @!p2 v0, $0x10  }
0x130: {  	[tilespmem:$0x2980] =	vst @!p2 v0  }
0x131: {  	v0 =	vld @!p2 [tilespmem:s0+$0x1410];
	_ =	sdelay $0x4  }
0x132: {  	v0 =	vshrl.u32 @!p2 v0, $0x10  }
0x133: {  	[tilespmem:$0x2990] =	vst @!p2 v0  }
0x134: {  	v0 =	vld @!p2 [tilespmem:s0+$0x1420];
	_ =	sdelay $0x4  }
0x135: {  	v0 =	vshrl.u32 @!p2 v0, $0x10  }
0x136: {  	[tilespmem:$0x29A0] =	vst @!p2 v0  }
0x137: {  	v0 =	vld @!p2 [tilespmem:s0+$0x1430];
	_ =	sdelay $0x4  }
0x138: {  	v0 =	vshrl.u32 @!p2 v0, $0x10  }
0x139: {  	[tilespmem:$0x29B0] =	vst @!p2 v0  }
0x13a: {  	v0 =	vld @!p2 [tilespmem:s0+$0x1440];
	_ =	sdelay $0x4  }
0x13b: {  	v0 =	vshrl.u32 @!p2 v0, $0x10  }
0x13c: {  	[tilespmem:$0x29C0] =	vst @!p2 v0  }
0x13d: {  	v0 =	vld @!p2 [tilespmem:s0+$0x1450];
	_ =	sdelay $0x4  }
0x13e: {  	v0 =	vshrl.u32 @!p2 v0, $0x10  }
0x13f: {  	[tilespmem:$0x29D0] =	vst @!p2 v0  }
0x140: {  	v0 =	vld @!p2 [tilespmem:s0+$0x1460];
	_ =	sdelay $0x4  }
0x141: {  	v0 =	vshrl.u32 @!p2 v0, $0x10  }
0x142: {  	[tilespmem:$0x29E0] =	vst @!p2 v0  }
0x143: {  	v0 =	vld @!p2 [tilespmem:s0+$0x1470];
	_ =	sdelay $0x4  }
0x144: {  	s29 =	simm.s32 @!p2 $0x4;
	v0 =	vshrl.u32 @!p2 v0, $0x10  }
0x145: {  	s21 =	simm.s32 @!p2 $0x6A00;
	s12 =	simm.s32 @!p2 $0x2980;
	s0 =	simm.s32 @!p2 $0x80;
	[tilespmem:$0x29F0] =	vst @!p2 v0  }
0x146: {  	[spmem:s2] =	stream.indirect.scatter.add.f32 @!p2 [tilespmem:s21], [sflag:$0x4], $0x80, s12, s0, $0xb8;
	[tilespmem:$0x1EA00] =	vst v63  }
0x147: {  	_ =	swait.ge @!p2 [sflag:s29], $0x4000  }
0x148: {  	[sflag:s29] =	ssyncset.done @!p2 $0x0  }
0x149: {  	[sflag:s29] =	ssyncadd.s32 @!p2 $0xFFFFC000  }
0x14a: {  	v52 =	vld [tilespmem:s28+$0xFFFFFFC0];
	_ =	sdelay $0x4  }
0x14b: {  	v0 =	vshrl.u32 v52, $0x10  }
0x14c: {  	[tilespmem:$0x2880] =	vst v0  }
0x14d: {  	v0 =	vld [tilespmem:s28+$0xFFFFFFD0];
	_ =	sdelay $0x4  }
0x14e: {  	v0 =	vshrl.u32 v0, $0x10  }
0x14f: {  	[tilespmem:$0x2890] =	vst v0  }
0x150: {  	v0 =	vld [tilespmem:s28+$0xFFFFFFE0];
	_ =	sdelay $0x4  }
0x151: {  	v0 =	vshrl.u32 v0, $0x10  }
0x152: {  	[tilespmem:$0x28A0] =	vst v0  }
0x153: {  	v0 =	vld [tilespmem:s28+$0xFFFFFFF0];
	_ =	sdelay $0x4  }
0x154: {  	v0 =	vshrl.u32 v0, $0x10  }
0x155: {  	[tilespmem:$0x28B0] =	vst v0  }
0x156: {  	v0 =	vld [tilespmem:s28+$0x0];
	_ =	sdelay $0x4  }
0x157: {  	v0 =	vshrl.u32 v0, $0x10  }
0x158: {  	[tilespmem:$0x28C0] =	vst v0  }
0x159: {  	v0 =	vld [tilespmem:s28+$0x10];
	_ =	sdelay $0x4  }
0x15a: {  	v0 =	vshrl.u32 v0, $0x10  }
0x15b: {  	[tilespmem:$0x28D0] =	vst v0  }
0x15c: {  	v0 =	vld [tilespmem:s28+$0x20];
	_ =	sdelay $0x4  }
0x15d: {  	v0 =	vshrl.u32 v0, $0x10  }
0x15e: {  	[tilespmem:$0x28E0] =	vst v0  }
0x15f: {  	v0 =	vld [tilespmem:s28+$0x30];
	_ =	sdelay $0x4  }
0x160: {  	v0 =	vshrl.u32 v0, $0x10  }
0x161: {  	[tilespmem:$0x28F0] =	vst v0  }
0x162: {  	[tilespmem:s17], [sflag:$0x2] =	stream.indirect.gather [hbm4b:s4+s13], $0x80, s16, s13, $0xb8;
	[tilespmem:$0x1EA00] =	vst v63  }
0x163: {  	_ =	swait.ge [sflag:s18], $0x4000  }
0x164: {  	[sflag:s18] =	ssyncset.done $0x0  }
0x165: {  	s29 =	sadd.s32 $0x80, s26;
	[sflag:s18] =	ssyncadd.s32 $0xFFFFC000  }
0x166: {  	v53 =	vld [tilespmem:s29+$0xFFFFFFC0];
	_ =	sdelay $0x4  }
0x167: {  	v0 =	vand.u32 $0xFFFF, v53  }
0x168: {  	[tilespmem:$0x2900] =	vst v0  }
0x169: {  	v0 =	vld [tilespmem:s29+$0xFFFFFFD0];
	_ =	sdelay $0x4  }
0x16a: {  	v0 =	vand.u32 $0xFFFF, v0  }
0x16b: {  	[tilespmem:$0x2910] =	vst v0  }
0x16c: {  	v0 =	vld [tilespmem:s29+$0xFFFFFFE0];
	_ =	sdelay $0x4  }
0x16d: {  	v0 =	vand.u32 $0xFFFF, v0  }
0x16e: {  	[tilespmem:$0x2920] =	vst v0  }
0x16f: {  	v0 =	vld [tilespmem:s29+$0xFFFFFFF0];
	_ =	sdelay $0x4  }
0x170: {  	v0 =	vand.u32 $0xFFFF, v0  }
0x171: {  	[tilespmem:$0x2930] =	vst v0  }
0x172: {  	v0 =	vld [tilespmem:s29+$0x0];
	_ =	sdelay $0x4  }
0x173: {  	v0 =	vand.u32 $0xFFFF, v0  }
0x174: {  	[tilespmem:$0x2940] =	vst v0  }
0x175: {  	v0 =	vld [tilespmem:s29+$0x10];
	_ =	sdelay $0x4  }
0x176: {  	v0 =	vand.u32 $0xFFFF, v0  }
0x177: {  	[tilespmem:$0x2950] =	vst v0  }
0x178: {  	v0 =	vld [tilespmem:s29+$0x20];
	_ =	sdelay $0x4  }
0x179: {  	v0 =	vand.u32 $0xFFFF, v0  }
0x17a: {  	[tilespmem:$0x2960] =	vst v0  }
0x17b: {  	v0 =	vld [tilespmem:s29+$0x30];
	_ =	sdelay $0x4  }
0x17c: {  	v0 =	vand.u32 $0xFFFF, v0  }
0x17d: {  	[tilespmem:$0x2970] =	vst v0  }
0x17e: {  	[spmem:s2] =	stream.indirect.scatter.add.f32 [tilespmem:s15], [sflag:$0x3], $0x80, s19, s13, $0xb8;
	[tilespmem:$0x1EA00] =	vst v63  }
0x17f: {  	_ =	swait.ge [sflag:s20], $0x4000  }
0x180: {  	[sflag:s20] =	ssyncset.done $0x0  }
0x181: {  	[sflag:s20] =	ssyncadd.s32 $0xFFFFC000  }
0x182: {  	v54 =	vld [tilespmem:$0x2780]  }
0x183: {  	v1 =	vld [tilespmem:$0x2790]  }
0x184: {  	v2 =	vld [tilespmem:$0x27A0]  }
0x185: {  	v3 =	vld [tilespmem:$0x27B0]  }
0x186: {  	v4 =	vld [tilespmem:$0x27C0]  }
0x187: {  	v5 =	vld [tilespmem:$0x27D0];
	v0 =	vshrl.u32 v54, $0x10  }
0x188: {  	v56 =	vld [tilespmem:$0x27E0];
	v55 =	vshrl.u32 v1, $0x10;
	[tilespmem:$0x2980] =	vst v0  }
0x189: {  	v58 =	vld [tilespmem:$0x27F0];
	v57 =	vshrl.u32 v2, $0x10;
	[tilespmem:$0x2990] =	vst v55  }
0x18a: {  	v59 =	vshrl.u32 v3, $0x10;
	[tilespmem:$0x29A0] =	vst v57  }
0x18b: {  	v60 =	vshrl.u32 v4, $0x10;
	[tilespmem:$0x29B0] =	vst v59  }
0x18c: {  	v61 =	vshrl.u32 v5, $0x10;
	[tilespmem:$0x29C0] =	vst v60  }
0x18d: {  	v62 =	vshrl.u32 v56, $0x10;
	[tilespmem:$0x29D0] =	vst v61  }
0x18e: {  	v63 =	vshrl.u32 v58, $0x10;
	[tilespmem:$0x29E0] =	vst v62  }
0x18f: {  	s30 =	simm.s32 $0x2980;
	[tilespmem:$0x29F0] =	vst v63  }
0x190: {  	[spmem:s2] =	stream.indirect.scatter.add.f32 [tilespmem:s17], [sflag:$0x4], $0x80, s30, s13, $0xb8;
	[tilespmem:$0x1EA00] =	vst v63  }
0x191: {  	_ =	swait.ge [sflag:s22], $0x4000  }
0x192: {  	[sflag:s22] =	ssyncset.done $0x0  }
0x193: {  	[sflag:s22] =	ssyncadd.s32 $0xFFFFC000  }
0x194: {  	_ =	swait.ge [sflag:s23], $0x4000  }
0x195: {  	s25 =	sadd.s32 $0x1, s25;
	[sflag:s23] =	ssyncset.done $0x0  }
0x196: {  	s31 =	sshll.u32 s1, $0x6;
	p1 =	sne.s32 s25, s9;
	[sflag:s23] =	ssyncadd.s32 $0xFFFFC000  }
.Ltmp1:
0x197: {  	s0 =	sor.u32 $0x1C05, s31;
	[bflag:$0x0] =	sbarrier.arrive $0xFFFF;
	(pc) =	sbr.rel @p1 .LBB2_1-.Ltmp1, $4  }
0x198: {  	[hbm:s8], [sflag:s0] =	dma.local [spmem:s24], $0x2800  }
0x199: {  	_ =	swait.ge [sflag:s11], $0x2800  }
0x19a: {  	[sflag:s11] =	ssyncset.done $0x0  }
0x19b: {  	[sflag:s11] =	ssyncadd.s32 $0xFFFFD800  }
0x19c: {  	_ =	sfence.sel $0x180000  }
0x19d: {  	[bflag:$0x0] =	sbarrier.arrive $0xFFFF  }
0x19e: {  	_ =	strace $0x90000047  }
0x19f: {  	[bflag:$0x2] =	sbarrier.arrive $0xFFFF  }
0x1a0: {  	s0 =	rddreg [dreg:$0x3]  }
0x1a1: {  	s0 =	sadd.s32 @!p0 $0x100000, s0  }
0x1a2: {  	[sflag:s0] =	ssyncadd.tile.s32 @!p0 $0x1;
	_ =	shalt  }
.Lfunc_end2:
_tile_overlayer_lowered:
.L_overlay_start_2:
0x1a3: {  	(tag) =	ssettag $0x2  }
0x1a4: {  	s0 =	rddreg [dreg:$0x0];
	s2 =	stileid.u32  }
0x1a5: {  	s1 =	rddreg [dreg:$0x1];
	p0 =	sne.s32 s2, $0x0  }
0x1a6: {  	s3 =	rddreg [dreg:$0x2];
	[bflag:$0x3] =	sbarrier.arrive $0xFFFF;
	s2 =	simm.s32 @!p0 $0x1C05  }
0x1a7: {  	[timem:s3], [sflag:s2] =	dma.local @!p0 [hbm:s0], s1  }
0x1a8: {  	s0 =	simm.s32 @!p0 $0x5  }
0x1a9: {  	_ =	swait.ge @!p0 [sflag:s0], s1  }
0x1aa: {  	s1 =	ssub.s32 @!p0 $0x0, s1;
	[sflag:s0] =	ssyncset.done @!p0 $0x0  }
0x1ab: {  	[sflag:s0] =	ssyncadd.s32 @!p0 s1  }
0x1ac: {  	[bflag:$0x3] =	sbarrier.arrive $0xFFFF  }
0x1ad: {  	_ =	shalt  }

</sc_bundles>
